<compile_context>
chip_gen: v7x
topology: tpu7x:2x2x1
jax: 0.10.2.dev20260603
libtpu: 0.0.44.dev20260713+nightly
codegen_flags: <defaults>
</compile_context>

<pallas_src>
import functools

import jax
import jax.numpy as jnp
from jax import lax
from jax.experimental import pallas as pl
from jax.experimental.pallas import tpu as pltpu
from jax.experimental.pallas import tpu_sc as plsc

N = 10000
D = 128
E = 320000
NT = 32
CHUNK = 128
NCH = 80
NCH0 = 80
NCH1 = 80
EP = NT * NCH * CHUNK
NPAD = 10240
RPT = NPAD // 16
DUMMY = N

_f32 = jnp.float32


def _wid(c, s):
    return s * 2 + c


def _deg_body(src_hbm, dst_hbm, dego_hbm, degi_hbm,
              ia, ib, cnto, cnti, sem_i):
    c = lax.axis_index("c")
    s = lax.axis_index("s")
    w = _wid(c, s)
    zero16 = jnp.zeros((16,), _f32)
    one16 = jnp.ones((16,), _f32)

    ca = pltpu.async_copy(src_hbm.at[pl.ds(w * NCH, NCH)], ia, sem_i)
    cb = pltpu.async_copy(dst_hbm.at[pl.ds(w * NCH, NCH)], ib, sem_i)

    def zcnt(i, carry):
        cnto[pl.ds(i * 16, 16)] = zero16
        cnti[pl.ds(i * 16, 16)] = zero16
        return carry

    lax.fori_loop(0, NPAD // 16, zcnt, 0)
    ca.wait()
    cb.wait()

    for idx_v, cnt in ((ia, cnto), (ib, cnti)):
        def body(j, carry):
            for k in range(CHUNK // 16):
                plsc.addupdate_scatter(cnt, [idx_v[j, pl.ds(k * 16, 16)]], one16)
            return carry

        lax.fori_loop(0, NCH, body, 0)

    pltpu.sync_copy(cnto, dego_hbm.at[w])
    pltpu.sync_copy(cnti, degi_hbm.at[w])


_deg_call = functools.partial(
    pl.kernel,
    out_type=[
        jax.ShapeDtypeStruct((NT, NPAD), _f32),
        jax.ShapeDtypeStruct((NT, NPAD), _f32),
    ],
    mesh=plsc.VectorSubcoreMesh(core_axis_name="c", subcore_axis_name="s",
                                num_cores=2, num_subcores=16),
    scratch_types=[
        pltpu.VMEM((NCH, CHUNK), jnp.int32),
        pltpu.VMEM((NCH, CHUNK), jnp.int32),
        pltpu.VMEM((NPAD,), _f32),
        pltpu.VMEM((NPAD,), _f32),
        pltpu.SemaphoreType.DMA,
    ],
    compiler_params=pltpu.CompilerParams(needs_layout_passes=False),
)


def _agg_body(h_hbm, src_hbm, dst_hbm, out_hbm,
              sa, sb, da, db, rows_a, rows_b, agg_sh,
              sem_i, sem_a, sem_b):
    c = lax.axis_index("c")
    s = lax.axis_index("s")
    w = _wid(c, s)
    zero16 = jnp.zeros((16,), _f32)

    def zrows(t, carry):
        rows_a[t // 8, pl.ds((t % 8) * 16, 16)] = zero16
        return carry

    lax.fori_loop(0, CHUNK * 8, zrows, 0)
    for k in range(RPT // CHUNK):
        pltpu.sync_copy(rows_a, agg_sh.at[pl.ds(s * RPT + k * CHUNK, CHUNK)])
    plsc.subcore_barrier()

    base = jnp.where(c == 0, s * NCH0, (NT // 2) * NCH0 + s * NCH1)
    nch = jnp.where(c == 0, NCH0, NCH1)

    pltpu.sync_copy(src_hbm.at[base], sa)
    pltpu.sync_copy(dst_hbm.at[base], da)
    ga0 = pltpu.async_copy(h_hbm.at[sa], rows_a, sem_a)

    def body(p, carry):
        j = p * 2
        cs = pltpu.async_copy(src_hbm.at[base + j + 1], sb, sem_i)
        cd = pltpu.async_copy(dst_hbm.at[base + j + 1], db, sem_i)
        cs.wait()
        cd.wait()
        gb = pltpu.async_copy(h_hbm.at[sb], rows_b, sem_b)
        pltpu.make_async_copy(h_hbm.at[sa], rows_a, sem_a).wait()
        pltpu.sync_copy(rows_a, agg_sh.at[da], add=True)
        jn = lax.min(j + 2, nch - 1)
        cs2 = pltpu.async_copy(src_hbm.at[base + jn], sa, sem_i)
        cd2 = pltpu.async_copy(dst_hbm.at[base + jn], da, sem_i)
        cs2.wait()
        cd2.wait()
        ga = pltpu.async_copy(h_hbm.at[sa], rows_a, sem_a)
        gb.wait()
        pltpu.sync_copy(rows_b, agg_sh.at[db], add=True)
        return carry

    lax.fori_loop(0, nch // 2, body, 0)
    pltpu.make_async_copy(h_hbm.at[sa], rows_a, sem_a).wait()
    plsc.subcore_barrier()

    sl = pl.ds(s * RPT, RPT)
    pltpu.sync_copy(agg_sh.at[sl], out_hbm.at[c, sl])


_agg_call = functools.partial(
    pl.kernel,
    out_type=jax.ShapeDtypeStruct((2, NPAD, D), _f32),
    mesh=plsc.VectorSubcoreMesh(core_axis_name="c", subcore_axis_name="s",
                                num_cores=2, num_subcores=16),
    scratch_types=[
        pltpu.VMEM((CHUNK,), jnp.int32),
        pltpu.VMEM((CHUNK,), jnp.int32),
        pltpu.VMEM((CHUNK,), jnp.int32),
        pltpu.VMEM((CHUNK,), jnp.int32),
        pltpu.VMEM((CHUNK, D), _f32),
        pltpu.VMEM((CHUNK, D), _f32),
        pltpu.VMEM_SHARED((NPAD, D), _f32),
        pltpu.SemaphoreType.DMA,
        pltpu.SemaphoreType.DMA,
        pltpu.SemaphoreType.DMA,
    ],
)


def _norm_col(degt_ref):
    deg = jnp.sum(degt_ref[...], axis=1, keepdims=True)
    nrm = jnp.where(deg > 0, lax.rsqrt(jnp.maximum(deg, 1.0)), 0.0)
    return nrm[:N]


def _tc1_body(x_ref, w_ref, dego_ref, h_ref):
    h = jnp.dot(x_ref[...], w_ref[...], preferred_element_type=_f32)
    h_ref[:N] = h * _norm_col(dego_ref)
    h_ref[N:] = jnp.zeros((NPAD - N, D), _f32)


def _tc2_body(parts_ref, degi_ref, dego_ref, b_ref, w_ref, h_ref):
    agg = parts_ref[0, :N] + parts_ref[1, :N]
    out1 = jnp.maximum(agg * _norm_col(degi_ref) + b_ref[...], 0.0)
    h2 = jnp.dot(out1, w_ref[...], preferred_element_type=_f32)
    h_ref[:N] = h2 * _norm_col(dego_ref)
    h_ref[N:] = jnp.zeros((NPAD - N, D), _f32)


def _tc3_body(parts_ref, degi_ref, b_ref, o_ref):
    agg = parts_ref[0, :N] + parts_ref[1, :N]
    o_ref[...] = jnp.maximum(agg * _norm_col(degi_ref) + b_ref[...], 0.0)


def kernel(x, edge_index, W1, b1, W2, b2):
    src = edge_index[0].astype(jnp.int32)
    dst = edge_index[1].astype(jnp.int32)
    pad = jnp.tile(DUMMY + jnp.arange(CHUNK, dtype=jnp.int32), (EP - E) // CHUNK)
    srcp = jnp.concatenate([src, pad]).reshape(NT * NCH, CHUNK)
    dstp = jnp.concatenate([dst, pad]).reshape(NT * NCH, CHUNK)
    b1r = b1.reshape(1, D)
    b2r = b2.reshape(1, D)

    dego_p, degi_p = _deg_call(_deg_body)(srcp, dstp)
    dego = dego_p.T
    degi = degi_p.T

    h1 = pl.pallas_call(
        _tc1_body, out_shape=jax.ShapeDtypeStruct((NPAD, D), _f32),
    )(x, W1, dego)

    parts1 = _agg_call(_agg_body)(h1, srcp, dstp)

    h2 = pl.pallas_call(
        _tc2_body, out_shape=jax.ShapeDtypeStruct((NPAD, D), _f32),
    )(parts1, degi, dego, b1r, W2)

    parts2 = _agg_call(_agg_body)(h2, srcp, dstp)

    out = pl.pallas_call(
        _tc3_body, out_shape=jax.ShapeDtypeStruct((N, D), _f32),
    )(parts2, degi, b2r)
    return out

# --- scband reference (transcript-rebuilt; emitter-appended) ---
"""Pipeline reference for scband-gcn-68805376082565 (READ-ONLY COPY).

The authoritative reference and input builder live on the scoring server;
editing this copy changes nothing except your own understanding.
"""

import jax, jax.numpy as jnp
import numpy as np

N_NODES = 10000
D_FEAT = 128
N_EDGES = 320000


def _glorot(key, shape):
    fan_in, fan_out = shape[0], shape[1]
    limit = jnp.sqrt(6.0 / (fan_in + fan_out))
    return jax.random.uniform(key, shape, dtype=jnp.float32, minval=-limit, maxval=limit)


def setup_inputs(seed: int = 0) -> dict:
    key = jax.random.key(seed)
    k_x, k_e, k_w1, k_w2 = jax.random.split(key, 4)
    x = jax.random.normal(k_x, (N_NODES, D_FEAT), dtype=jnp.float32)
    edge_index = jax.random.randint(k_e, (2, N_EDGES), 0, N_NODES, dtype=jnp.int64)
    W1 = _glorot(k_w1, (D_FEAT, D_FEAT))
    b1 = jnp.zeros((D_FEAT,), dtype=jnp.float32)
    W2 = _glorot(k_w2, (D_FEAT, D_FEAT))
    b2 = jnp.zeros((D_FEAT,), dtype=jnp.float32)
    return {"x": x, "edge_index": edge_index, "W1": W1, "b1": b1, "W2": W2, "b2": b2}


def _graph_conv(x, src, dst, W, b, n_nodes):
    # DGL GraphConv with norm='both': D_dst^{-1/2} A D_src^{-1/2} X W + b, relu
    deg_out = jnp.bincount(src, length=n_nodes).astype(x.dtype)
    deg_in = jnp.bincount(dst, length=n_nodes).astype(x.dtype)
    norm_src = jnp.where(deg_out > 0, jax.lax.rsqrt(jnp.maximum(deg_out, 1.0)), 0.0)
    norm_dst = jnp.where(deg_in > 0, jax.lax.rsqrt(jnp.maximum(deg_in, 1.0)), 0.0)
    h = x @ W
    h = h * norm_src[:, None]
    messages = jnp.take(h, src, axis=0)
    agg = jnp.zeros_like(h).at[dst].add(messages)
    agg = agg * norm_dst[:, None]
    return jax.nn.relu(agg + b)


def reference(x, edge_index, W1, b1, W2, b2):
    src = edge_index[0]
    dst = edge_index[1]
    h = _graph_conv(x, src, dst, W1, b1, N_NODES)
    h = _graph_conv(h, src, dst, W2, b2, N_NODES)
    return h

if __name__ == "__main__":
    import jax
    _d = setup_inputs()
    print(jax.jit(kernel)(*tuple(_d.values())))

</pallas_src>

<mosaic_0001>
#map = affine_map<(d0, d1) -> (0, 0)>
#map1 = affine_map<(d0, d1) -> (0, 0, 0)>
module attributes {stable_mosaic.version = 14 : i64} {
  func.func @_agg_body(%arg0: i32, %arg1: i32, %arg2: memref<10240x128xf32, #tpu.memory_space<hbm>>, %arg3: memref<2560x128xi32, #tpu.memory_space<hbm>>, %arg4: memref<2560x128xi32, #tpu.memory_space<hbm>>, %arg5: memref<2x10240x128xf32, #tpu.memory_space<hbm>>, %arg6: memref<128xi32, #tpu.memory_space<vmem>>, %arg7: memref<128xi32, #tpu.memory_space<vmem>>, %arg8: memref<128xi32, #tpu.memory_space<vmem>>, %arg9: memref<128xi32, #tpu.memory_space<vmem>>, %arg10: memref<128x128xf32, #tpu.memory_space<vmem>>, %arg11: memref<128x128xf32, #tpu.memory_space<vmem>>, %arg12: memref<10240x128xf32, #tpu.memory_space<vmem_shared>>, %arg13: memref<!tpu.dma_semaphore, #tpu.memory_space<semaphore_mem>>, %arg14: memref<!tpu.dma_semaphore, #tpu.memory_space<semaphore_mem>>, %arg15: memref<!tpu.dma_semaphore, #tpu.memory_space<semaphore_mem>>) attributes {dimension_semantics = [#tpu.dimension_semantics<core_parallel>, #tpu.dimension_semantics<subcore_parallel>], iteration_bounds = array<i64: 2, 16>, scalar_prefetch = 0 : i64, scratch_operands = 10 : i64, tpu.core_type = #tpu.core_type<sc_vector_subcore>, window_params = [{transform_indices = #map}, {transform_indices = #map}, {transform_indices = #map}, {transform_indices = #map1}]} {
    %mul3A = arith.constant 2 : i32
    %mul3A_0 = arith.muli %arg1, %mul3A : i32
    %add3A = arith.addi %mul3A_0, %arg0 : i32
    %broadcast_in_dim3A = arith.constant 0.000000e+00 : f32
    %broadcast_in_dim3A_1 = vector.broadcast %broadcast_in_dim3A : f32 to vector<16xf32>
    %scan3A = arith.constant 0 : i32
    %scan3A_2 = arith.constant 0 : i32
    %scan3A_3 = arith.constant 1024 : i32
    %scan3A_4 = arith.addi %scan3A_2, %scan3A_3 : i32
    %scan3A_5 = arith.constant 1 : i32
    scf.for %scan3A_72 = %scan3A_2 to %scan3A_4 step %scan3A_5  : i32 {
      %jit3A_73 = arith.constant 8 : i32
      %div3A_74 = arith.divsi %scan3A_72, %jit3A_73 : i32
      %sign3A_75 = arith.constant 0 : i32
      %sign3A_76 = arith.cmpi sgt, %scan3A_72, %sign3A_75 : i32
      %sign3A_77 = arith.extui %sign3A_76 : i1 to i32
      %sign3A_78 = arith.constant 0 : i32
      %sign3A_79 = arith.cmpi slt, %scan3A_72, %sign3A_78 : i32
      %sign3A_80 = arith.extui %sign3A_79 : i1 to i32
      %sign3A_81 = arith.subi %sign3A_77, %sign3A_80 : i32
      %sign3A_82 = arith.constant 0 : i32
      %sign3A_83 = arith.cmpi sgt, %jit3A_73, %sign3A_82 : i32
      %sign3A_84 = arith.extui %sign3A_83 : i1 to i32
      %sign3A_85 = arith.constant 0 : i32
      %sign3A_86 = arith.cmpi slt, %jit3A_73, %sign3A_85 : i32
      %sign3A_87 = arith.extui %sign3A_86 : i1 to i32
      %sign3A_88 = arith.subi %sign3A_84, %sign3A_87 : i32
      %ne3A_89 = arith.cmpi ne, %sign3A_81, %sign3A_88 : i32
      %rem3A_90 = arith.remsi %scan3A_72, %jit3A_73 : i32
      %ne3A_91 = arith.constant 0 : i32
      %ne3A_92 = arith.cmpi ne, %rem3A_90, %ne3A_91 : i32
      %and3A_93 = arith.andi %ne3A_89, %ne3A_92 : i1
      %sub3A_94 = arith.constant 1 : i32
      %sub3A_95 = arith.subi %div3A_74, %sub3A_94 : i32
      %select_n3A_96 = arith.select %and3A_93, %sub3A_95, %div3A_74 : i32
      %jit3A_97 = arith.constant 8 : i32
      %eq3A_98 = arith.constant 0 : i32
      %eq3A_99 = arith.cmpi eq, %jit3A_97, %eq3A_98 : i32
      %jit3A_100 = arith.constant 1 : i32
      %select_n3A_101 = arith.select %eq3A_99, %jit3A_100, %jit3A_97 : i32
      %rem3A_102 = arith.remsi %scan3A_72, %select_n3A_101 : i32
      %ne3A_103 = arith.constant 0 : i32
      %ne3A_104 = arith.cmpi ne, %rem3A_102, %ne3A_103 : i32
      %lt3A = arith.constant 0 : i32
      %lt3A_105 = arith.cmpi slt, %rem3A_102, %lt3A : i32
      %lt3A_106 = arith.constant 0 : i32
      %lt3A_107 = arith.cmpi slt, %select_n3A_101, %lt3A_106 : i32
      %ne3A_108 = arith.xori %lt3A_105, %lt3A_107 : i1
      %and3A_109 = arith.andi %ne3A_108, %ne3A_104 : i1
      %add3A_110 = arith.addi %rem3A_102, %select_n3A_101 : i32
      %select_n3A_111 = arith.select %and3A_109, %add3A_110, %rem3A_102 : i32
      %mul3A_112 = arith.constant 16 : i32
      %mul3A_113 = arith.muli %select_n3A_111, %mul3A_112 : i32
      %swap3A = arith.index_cast %select_n3A_96 : i32 to index
      %swap3A_114 = arith.index_cast %mul3A_113 : i32 to index
      %swap3A_115 = tpu.vector_load %arg10[%swap3A, %swap3A_114] {strides = array<i32>} : memref<128x128xf32, #tpu.memory_space<vmem>>, vector<1x16xf32>,
      %swap3A_116 = vector.shape_cast %swap3A_115 : vector<1x16xf32> to vector<16xf32>
      %swap3A_117 = vector.shape_cast %broadcast_in_dim3A_1 : vector<16xf32> to vector<1x16xf32>
      tpu.vector_store %arg10[%swap3A, %swap3A_114], %swap3A_117 {strides = array<i32>} : memref<128x128xf32, #tpu.memory_space<vmem>>, vector<1x16xf32>,
    }
    %scan3A_6 = arith.constant 1024 : i32
    %mul3A_7 = arith.constant 640 : i32
    %mul3A_8 = arith.muli %arg1, %mul3A_7 : i32
    %add3A_9 = arith.constant 0 : i32
    %add3A_10 = arith.addi %mul3A_8, %add3A_9 : i32
    "tpu.region"() ({
      %run_scoped3A = tpu.sem_alloc : memref<!tpu.dma_semaphore, #tpu.memory_space<semaphore_mem>>
      %dma_start3A_72 = arith.constant 0 : i32
      %dma_start3A_73 = tpu.memref_slice %arg12[%add3A_10, %dma_start3A_72] : memref<10240x128xf32, #tpu.memory_space<vmem_shared>> -> memref<128x128xf32, #tpu.memory_space<vmem_shared>>
      %dma_start3A_74 = arith.constant 0 : i32
      %dma_start3A_75 = tpu.memref_slice %arg12[%add3A_10, %dma_start3A_74] : memref<10240x128xf32, #tpu.memory_space<vmem_shared>> -> memref<128x128xf32, #tpu.memory_space<vmem_shared>>
      tpu.enqueue_dma source(%arg10 : memref<128x128xf32, #tpu.memory_space<vmem>>) target(%dma_start3A_75 : memref<128x128xf32, #tpu.memory_space<vmem_shared>>) target_semaphore(%run_scoped3A : memref<!tpu.dma_semaphore, #tpu.memory_space<semaphore_mem>>)
      %dma_wait3A_76 = arith.constant 0 : i32
      %dma_wait3A_77 = tpu.memref_slice %arg12[%add3A_10, %dma_wait3A_76] : memref<10240x128xf32, #tpu.memory_space<vmem_shared>> -> memref<128x128xf32, #tpu.memory_space<vmem_shared>>
      %dma_wait3A_78 = arith.constant 0 : i32
      %dma_wait3A_79 = tpu.memref_slice %arg12[%add3A_10, %dma_wait3A_78] : memref<10240x128xf32, #tpu.memory_space<vmem_shared>> -> memref<128x128xf32, #tpu.memory_space<vmem_shared>>
      tpu.wait_dma2 semaphore(%run_scoped3A : memref<!tpu.dma_semaphore, #tpu.memory_space<semaphore_mem>>) src(%arg10 : memref<128x128xf32, #tpu.memory_space<vmem>>) dst(%dma_wait3A_79 : memref<128x128xf32, #tpu.memory_space<vmem_shared>>)
      tpu.yield
    }) : () -> ()
    %mul3A_11 = arith.constant 640 : i32
    %mul3A_12 = arith.muli %arg1, %mul3A_11 : i32
    %add3A_13 = arith.constant 128 : i32
    %add3A_14 = arith.addi %mul3A_12, %add3A_13 : i32
    "tpu.region"() ({
      %run_scoped3A = tpu.sem_alloc : memref<!tpu.dma_semaphore, #tpu.memory_space<semaphore_mem>>
      %dma_start3A_72 = arith.constant 0 : i32
      %dma_start3A_73 = tpu.memref_slice %arg12[%add3A_14, %dma_start3A_72] : memref<10240x128xf32, #tpu.memory_space<vmem_shared>> -> memref<128x128xf32, #tpu.memory_space<vmem_shared>>
      %dma_start3A_74 = arith.constant 0 : i32
      %dma_start3A_75 = tpu.memref_slice %arg12[%add3A_14, %dma_start3A_74] : memref<10240x128xf32, #tpu.memory_space<vmem_shared>> -> memref<128x128xf32, #tpu.memory_space<vmem_shared>>
      tpu.enqueue_dma source(%arg10 : memref<128x128xf32, #tpu.memory_space<vmem>>) target(%dma_start3A_75 : memref<128x128xf32, #tpu.memory_space<vmem_shared>>) target_semaphore(%run_scoped3A : memref<!tpu.dma_semaphore, #tpu.memory_space<semaphore_mem>>)
      %dma_wait3A_76 = arith.constant 0 : i32
      %dma_wait3A_77 = tpu.memref_slice %arg12[%add3A_14, %dma_wait3A_76] : memref<10240x128xf32, #tpu.memory_space<vmem_shared>> -> memref<128x128xf32, #tpu.memory_space<vmem_shared>>
      %dma_wait3A_78 = arith.constant 0 : i32
      %dma_wait3A_79 = tpu.memref_slice %arg12[%add3A_14, %dma_wait3A_78] : memref<10240x128xf32, #tpu.memory_space<vmem_shared>> -> memref<128x128xf32, #tpu.memory_space<vmem_shared>>
      tpu.wait_dma2 semaphore(%run_scoped3A : memref<!tpu.dma_semaphore, #tpu.memory_space<semaphore_mem>>) src(%arg10 : memref<128x128xf32, #tpu.memory_space<vmem>>) dst(%dma_wait3A_79 : memref<128x128xf32, #tpu.memory_space<vmem_shared>>)
      tpu.yield
    }) : () -> ()
    %mul3A_15 = arith.constant 640 : i32
    %mul3A_16 = arith.muli %arg1, %mul3A_15 : i32
    %add3A_17 = arith.constant 256 : i32
    %add3A_18 = arith.addi %mul3A_16, %add3A_17 : i32
    "tpu.region"() ({
      %run_scoped3A = tpu.sem_alloc : memref<!tpu.dma_semaphore, #tpu.memory_space<semaphore_mem>>
      %dma_start3A_72 = arith.constant 0 : i32
      %dma_start3A_73 = tpu.memref_slice %arg12[%add3A_18, %dma_start3A_72] : memref<10240x128xf32, #tpu.memory_space<vmem_shared>> -> memref<128x128xf32, #tpu.memory_space<vmem_shared>>
      %dma_start3A_74 = arith.constant 0 : i32
      %dma_start3A_75 = tpu.memref_slice %arg12[%add3A_18, %dma_start3A_74] : memref<10240x128xf32, #tpu.memory_space<vmem_shared>> -> memref<128x128xf32, #tpu.memory_space<vmem_shared>>
      tpu.enqueue_dma source(%arg10 : memref<128x128xf32, #tpu.memory_space<vmem>>) target(%dma_start3A_75 : memref<128x128xf32, #tpu.memory_space<vmem_shared>>) target_semaphore(%run_scoped3A : memref<!tpu.dma_semaphore, #tpu.memory_space<semaphore_mem>>)
      %dma_wait3A_76 = arith.constant 0 : i32
      %dma_wait3A_77 = tpu.memref_slice %arg12[%add3A_18, %dma_wait3A_76] : memref<10240x128xf32, #tpu.memory_space<vmem_shared>> -> memref<128x128xf32, #tpu.memory_space<vmem_shared>>
      %dma_wait3A_78 = arith.constant 0 : i32
      %dma_wait3A_79 = tpu.memref_slice %arg12[%add3A_18, %dma_wait3A_78] : memref<10240x128xf32, #tpu.memory_space<vmem_shared>> -> memref<128x128xf32, #tpu.memory_space<vmem_shared>>
      tpu.wait_dma2 semaphore(%run_scoped3A : memref<!tpu.dma_semaphore, #tpu.memory_space<semaphore_mem>>) src(%arg10 : memref<128x128xf32, #tpu.memory_space<vmem>>) dst(%dma_wait3A_79 : memref<128x128xf32, #tpu.memory_space<vmem_shared>>)
      tpu.yield
    }) : () -> ()
    %mul3A_19 = arith.constant 640 : i32
    %mul3A_20 = arith.muli %arg1, %mul3A_19 : i32
    %add3A_21 = arith.constant 384 : i32
    %add3A_22 = arith.addi %mul3A_20, %add3A_21 : i32
    "tpu.region"() ({
      %run_scoped3A = tpu.sem_alloc : memref<!tpu.dma_semaphore, #tpu.memory_space<semaphore_mem>>
      %dma_start3A_72 = arith.constant 0 : i32
      %dma_start3A_73 = tpu.memref_slice %arg12[%add3A_22, %dma_start3A_72] : memref<10240x128xf32, #tpu.memory_space<vmem_shared>> -> memref<128x128xf32, #tpu.memory_space<vmem_shared>>
      %dma_start3A_74 = arith.constant 0 : i32
      %dma_start3A_75 = tpu.memref_slice %arg12[%add3A_22, %dma_start3A_74] : memref<10240x128xf32, #tpu.memory_space<vmem_shared>> -> memref<128x128xf32, #tpu.memory_space<vmem_shared>>
      tpu.enqueue_dma source(%arg10 : memref<128x128xf32, #tpu.memory_space<vmem>>) target(%dma_start3A_75 : memref<128x128xf32, #tpu.memory_space<vmem_shared>>) target_semaphore(%run_scoped3A : memref<!tpu.dma_semaphore, #tpu.memory_space<semaphore_mem>>)
      %dma_wait3A_76 = arith.constant 0 : i32
      %dma_wait3A_77 = tpu.memref_slice %arg12[%add3A_22, %dma_wait3A_76] : memref<10240x128xf32, #tpu.memory_space<vmem_shared>> -> memref<128x128xf32, #tpu.memory_space<vmem_shared>>
      %dma_wait3A_78 = arith.constant 0 : i32
      %dma_wait3A_79 = tpu.memref_slice %arg12[%add3A_22, %dma_wait3A_78] : memref<10240x128xf32, #tpu.memory_space<vmem_shared>> -> memref<128x128xf32, #tpu.memory_space<vmem_shared>>
      tpu.wait_dma2 semaphore(%run_scoped3A : memref<!tpu.dma_semaphore, #tpu.memory_space<semaphore_mem>>) src(%arg10 : memref<128x128xf32, #tpu.memory_space<vmem>>) dst(%dma_wait3A_79 : memref<128x128xf32, #tpu.memory_space<vmem_shared>>)
      tpu.yield
    }) : () -> ()
    %mul3A_23 = arith.constant 640 : i32
    %mul3A_24 = arith.muli %arg1, %mul3A_23 : i32
    %add3A_25 = arith.constant 512 : i32
    %add3A_26 = arith.addi %mul3A_24, %add3A_25 : i32
    "tpu.region"() ({
      %run_scoped3A = tpu.sem_alloc : memref<!tpu.dma_semaphore, #tpu.memory_space<semaphore_mem>>
      %dma_start3A_72 = arith.constant 0 : i32
      %dma_start3A_73 = tpu.memref_slice %arg12[%add3A_26, %dma_start3A_72] : memref<10240x128xf32, #tpu.memory_space<vmem_shared>> -> memref<128x128xf32, #tpu.memory_space<vmem_shared>>
      %dma_start3A_74 = arith.constant 0 : i32
      %dma_start3A_75 = tpu.memref_slice %arg12[%add3A_26, %dma_start3A_74] : memref<10240x128xf32, #tpu.memory_space<vmem_shared>> -> memref<128x128xf32, #tpu.memory_space<vmem_shared>>
      tpu.enqueue_dma source(%arg10 : memref<128x128xf32, #tpu.memory_space<vmem>>) target(%dma_start3A_75 : memref<128x128xf32, #tpu.memory_space<vmem_shared>>) target_semaphore(%run_scoped3A : memref<!tpu.dma_semaphore, #tpu.memory_space<semaphore_mem>>)
      %dma_wait3A_76 = arith.constant 0 : i32
      %dma_wait3A_77 = tpu.memref_slice %arg12[%add3A_26, %dma_wait3A_76] : memref<10240x128xf32, #tpu.memory_space<vmem_shared>> -> memref<128x128xf32, #tpu.memory_space<vmem_shared>>
      %dma_wait3A_78 = arith.constant 0 : i32
      %dma_wait3A_79 = tpu.memref_slice %arg12[%add3A_26, %dma_wait3A_78] : memref<10240x128xf32, #tpu.memory_space<vmem_shared>> -> memref<128x128xf32, #tpu.memory_space<vmem_shared>>
      tpu.wait_dma2 semaphore(%run_scoped3A : memref<!tpu.dma_semaphore, #tpu.memory_space<semaphore_mem>>) src(%arg10 : memref<128x128xf32, #tpu.memory_space<vmem>>) dst(%dma_wait3A_79 : memref<128x128xf32, #tpu.memory_space<vmem_shared>>)
      tpu.yield
    }) : () -> ()
    %barrier3A = arith.constant 0 : index
    tpu.barrier barrier_id(%barrier3A)
    %eq3A = arith.constant 0 : i32
    %eq3A_27 = arith.cmpi eq, %arg0, %eq3A : i32
    %mul3A_28 = arith.constant 80 : i32
    %mul3A_29 = arith.muli %arg1, %mul3A_28 : i32
    %mul3A_30 = arith.constant 80 : i32
    %mul3A_31 = arith.muli %arg1, %mul3A_30 : i32
    %add3A_32 = arith.constant 1280 : i32
    %add3A_33 = arith.addi %add3A_32, %mul3A_31 : i32
    %select_n3A = arith.select %eq3A_27, %mul3A_29, %add3A_33 : i32
    %eq3A_34 = arith.constant 0 : i32
    %eq3A_35 = arith.cmpi eq, %arg0, %eq3A_34 : i32
    %jit3A = arith.constant 80 : i32
    %jit3A_36 = arith.constant 80 : i32
    %select_n3A_37 = arith.select %eq3A_35, %jit3A, %jit3A_36 : i32
    "tpu.region"() ({
      %run_scoped3A = tpu.sem_alloc : memref<!tpu.dma_semaphore, #tpu.memory_space<semaphore_mem>>
      %dma_start3A_72 = arith.constant 0 : i32
      %dma_start3A_73 = tpu.memref_slice %arg3[%select_n3A, %dma_start3A_72] : memref<2560x128xi32, #tpu.memory_space<hbm>> -> memref<1x128xi32, #tpu.memory_space<hbm>>
      %dma_start3A_74 = tpu.memref_squeeze %dma_start3A_73 : memref<1x128xi32, #tpu.memory_space<hbm>> -> memref<128xi32, #tpu.memory_space<hbm>>
      %dma_start3A_75 = arith.constant 0 : i32
      %dma_start3A_76 = tpu.memref_slice %arg3[%select_n3A, %dma_start3A_75] : memref<2560x128xi32, #tpu.memory_space<hbm>> -> memref<1x128xi32, #tpu.memory_space<hbm>>
      %dma_start3A_77 = tpu.memref_squeeze %dma_start3A_76 : memref<1x128xi32, #tpu.memory_space<hbm>> -> memref<128xi32, #tpu.memory_space<hbm>>
      tpu.enqueue_dma source(%dma_start3A_77 : memref<128xi32, #tpu.memory_space<hbm>>) target(%arg6 : memref<128xi32, #tpu.memory_space<vmem>>) target_semaphore(%run_scoped3A : memref<!tpu.dma_semaphore, #tpu.memory_space<semaphore_mem>>)
      %dma_wait3A_78 = arith.constant 0 : i32
      %dma_wait3A_79 = tpu.memref_slice %arg3[%select_n3A, %dma_wait3A_78] : memref<2560x128xi32, #tpu.memory_space<hbm>> -> memref<1x128xi32, #tpu.memory_space<hbm>>
      %dma_wait3A_80 = tpu.memref_squeeze %dma_wait3A_79 : memref<1x128xi32, #tpu.memory_space<hbm>> -> memref<128xi32, #tpu.memory_space<hbm>>
      %dma_wait3A_81 = arith.constant 0 : i32
      %dma_wait3A_82 = tpu.memref_slice %arg3[%select_n3A, %dma_wait3A_81] : memref<2560x128xi32, #tpu.memory_space<hbm>> -> memref<1x128xi32, #tpu.memory_space<hbm>>
      %dma_wait3A_83 = tpu.memref_squeeze %dma_wait3A_82 : memref<1x128xi32, #tpu.memory_space<hbm>> -> memref<128xi32, #tpu.memory_space<hbm>>
      tpu.wait_dma2 semaphore(%run_scoped3A : memref<!tpu.dma_semaphore, #tpu.memory_space<semaphore_mem>>) src(%dma_wait3A_83 : memref<128xi32, #tpu.memory_space<hbm>>) dst(%arg6 : memref<128xi32, #tpu.memory_space<vmem>>)
      tpu.yield
    }) : () -> ()
    "tpu.region"() ({
      %run_scoped3A = tpu.sem_alloc : memref<!tpu.dma_semaphore, #tpu.memory_space<semaphore_mem>>
      %dma_start3A_72 = arith.constant 0 : i32
      %dma_start3A_73 = tpu.memref_slice %arg4[%select_n3A, %dma_start3A_72] : memref<2560x128xi32, #tpu.memory_space<hbm>> -> memref<1x128xi32, #tpu.memory_space<hbm>>
      %dma_start3A_74 = tpu.memref_squeeze %dma_start3A_73 : memref<1x128xi32, #tpu.memory_space<hbm>> -> memref<128xi32, #tpu.memory_space<hbm>>
      %dma_start3A_75 = arith.constant 0 : i32
      %dma_start3A_76 = tpu.memref_slice %arg4[%select_n3A, %dma_start3A_75] : memref<2560x128xi32, #tpu.memory_space<hbm>> -> memref<1x128xi32, #tpu.memory_space<hbm>>
      %dma_start3A_77 = tpu.memref_squeeze %dma_start3A_76 : memref<1x128xi32, #tpu.memory_space<hbm>> -> memref<128xi32, #tpu.memory_space<hbm>>
      tpu.enqueue_dma source(%dma_start3A_77 : memref<128xi32, #tpu.memory_space<hbm>>) target(%arg8 : memref<128xi32, #tpu.memory_space<vmem>>) target_semaphore(%run_scoped3A : memref<!tpu.dma_semaphore, #tpu.memory_space<semaphore_mem>>)
      %dma_wait3A_78 = arith.constant 0 : i32
      %dma_wait3A_79 = tpu.memref_slice %arg4[%select_n3A, %dma_wait3A_78] : memref<2560x128xi32, #tpu.memory_space<hbm>> -> memref<1x128xi32, #tpu.memory_space<hbm>>
      %dma_wait3A_80 = tpu.memref_squeeze %dma_wait3A_79 : memref<1x128xi32, #tpu.memory_space<hbm>> -> memref<128xi32, #tpu.memory_space<hbm>>
      %dma_wait3A_81 = arith.constant 0 : i32
      %dma_wait3A_82 = tpu.memref_slice %arg4[%select_n3A, %dma_wait3A_81] : memref<2560x128xi32, #tpu.memory_space<hbm>> -> memref<1x128xi32, #tpu.memory_space<hbm>>
      %dma_wait3A_83 = tpu.memref_squeeze %dma_wait3A_82 : memref<1x128xi32, #tpu.memory_space<hbm>> -> memref<128xi32, #tpu.memory_space<hbm>>
      tpu.wait_dma2 semaphore(%run_scoped3A : memref<!tpu.dma_semaphore, #tpu.memory_space<semaphore_mem>>) src(%dma_wait3A_83 : memref<128xi32, #tpu.memory_space<hbm>>) dst(%arg8 : memref<128xi32, #tpu.memory_space<vmem>>)
      tpu.yield
    }) : () -> ()
    %dma_start3A = arith.constant 0 : i32
    %dma_start3A_38 = arith.constant 0 : i32
    %dma_start3A_39 = tpu.memref_slice %arg2[%dma_start3A, %dma_start3A_38] : memref<10240x128xf32, #tpu.memory_space<hbm>> -> memref<10240x128xf32, #tpu.memory_space<hbm>>
    tpu.enqueue_indirect_dma source(%dma_start3A_39 : memref<10240x128xf32, #tpu.memory_space<hbm>>) target(%arg10 : memref<128x128xf32, #tpu.memory_space<vmem>>) offsets(%arg6 : memref<128xi32, #tpu.memory_space<vmem>>) semaphore(%arg14 : memref<!tpu.dma_semaphore, #tpu.memory_space<semaphore_mem>>)
    %jit3A_40 = arith.constant 2 : i32
    %div3A = arith.divsi %select_n3A_37, %jit3A_40 : i32
    %sign3A = arith.constant 0 : i32
    %sign3A_41 = arith.cmpi sgt, %select_n3A_37, %sign3A : i32
    %sign3A_42 = arith.extui %sign3A_41 : i1 to i32
    %sign3A_43 = arith.constant 0 : i32
    %sign3A_44 = arith.cmpi slt, %select_n3A_37, %sign3A_43 : i32
    %sign3A_45 = arith.extui %sign3A_44 : i1 to i32
    %sign3A_46 = arith.subi %sign3A_42, %sign3A_45 : i32
    %sign3A_47 = arith.constant 0 : i32
    %sign3A_48 = arith.cmpi sgt, %jit3A_40, %sign3A_47 : i32
    %sign3A_49 = arith.extui %sign3A_48 : i1 to i32
    %sign3A_50 = arith.constant 0 : i32
    %sign3A_51 = arith.cmpi slt, %jit3A_40, %sign3A_50 : i32
    %sign3A_52 = arith.extui %sign3A_51 : i1 to i32
    %sign3A_53 = arith.subi %sign3A_49, %sign3A_52 : i32
    %ne3A = arith.cmpi ne, %sign3A_46, %sign3A_53 : i32
    %rem3A = arith.remsi %select_n3A_37, %jit3A_40 : i32
    %ne3A_54 = arith.constant 0 : i32
    %ne3A_55 = arith.cmpi ne, %rem3A, %ne3A_54 : i32
    %and3A = arith.andi %ne3A, %ne3A_55 : i1
    %sub3A = arith.constant 1 : i32
    %sub3A_56 = arith.subi %div3A, %sub3A : i32
    %select_n3A_57 = arith.select %and3A, %sub3A_56, %div3A : i32
    %while3A = arith.constant 0 : i32
    %while3A_58 = arith.constant 0 : i32
    %while3A_59 = arith.subi %select_n3A_57, %while3A_58 : i32
    %while3A_60 = arith.addi %while3A_58, %while3A_59 : i32
    %while3A_61 = arith.constant 1 : i32
    %while3A_62 = arith.divsi %while3A_59, %while3A_61 : i32
    %while3A_63 = arith.muli %while3A_62, %while3A_61 : i32
    %while3A_64 = arith.addi %while3A_58, %while3A_63 : i32
    %while3A_65 = arith.constant 1 : i32
    scf.for %while3A_72 = %while3A_58 to %while3A_64 step %while3A_65  : i32 {
      %mul3A_73 = arith.constant 2 : i32
      %mul3A_74 = arith.muli %while3A_72, %mul3A_73 : i32
      %add3A_75 = arith.addi %select_n3A, %mul3A_74 : i32
      %add3A_76 = arith.constant 1 : i32
      %add3A_77 = arith.addi %add3A_75, %add3A_76 : i32
      %dma_start3A_78 = arith.constant 0 : i32
      %dma_start3A_79 = tpu.memref_slice %arg3[%add3A_77, %dma_start3A_78] : memref<2560x128xi32, #tpu.memory_space<hbm>> -> memref<1x128xi32, #tpu.memory_space<hbm>>
      %dma_start3A_80 = tpu.memref_squeeze %dma_start3A_79 : memref<1x128xi32, #tpu.memory_space<hbm>> -> memref<128xi32, #tpu.memory_space<hbm>>
      %dma_start3A_81 = arith.constant 0 : i32
      %dma_start3A_82 = tpu.memref_slice %arg3[%add3A_77, %dma_start3A_81] : memref<2560x128xi32, #tpu.memory_space<hbm>> -> memref<1x128xi32, #tpu.memory_space<hbm>>
      %dma_start3A_83 = tpu.memref_squeeze %dma_start3A_82 : memref<1x128xi32, #tpu.memory_space<hbm>> -> memref<128xi32, #tpu.memory_space<hbm>>
      tpu.enqueue_dma source(%dma_start3A_83 : memref<128xi32, #tpu.memory_space<hbm>>) target(%arg7 : memref<128xi32, #tpu.memory_space<vmem>>) target_semaphore(%arg13 : memref<!tpu.dma_semaphore, #tpu.memory_space<semaphore_mem>>)
      %add3A_84 = arith.addi %select_n3A, %mul3A_74 : i32
      %add3A_85 = arith.constant 1 : i32
      %add3A_86 = arith.addi %add3A_84, %add3A_85 : i32
      %dma_start3A_87 = arith.constant 0 : i32
      %dma_start3A_88 = tpu.memref_slice %arg4[%add3A_86, %dma_start3A_87] : memref<2560x128xi32, #tpu.memory_space<hbm>> -> memref<1x128xi32, #tpu.memory_space<hbm>>
      %dma_start3A_89 = tpu.memref_squeeze %dma_start3A_88 : memref<1x128xi32, #tpu.memory_space<hbm>> -> memref<128xi32, #tpu.memory_space<hbm>>
      %dma_start3A_90 = arith.constant 0 : i32
      %dma_start3A_91 = tpu.memref_slice %arg4[%add3A_86, %dma_start3A_90] : memref<2560x128xi32, #tpu.memory_space<hbm>> -> memref<1x128xi32, #tpu.memory_space<hbm>>
      %dma_start3A_92 = tpu.memref_squeeze %dma_start3A_91 : memref<1x128xi32, #tpu.memory_space<hbm>> -> memref<128xi32, #tpu.memory_space<hbm>>
      tpu.enqueue_dma source(%dma_start3A_92 : memref<128xi32, #tpu.memory_space<hbm>>) target(%arg9 : memref<128xi32, #tpu.memory_space<vmem>>) target_semaphore(%arg13 : memref<!tpu.dma_semaphore, #tpu.memory_space<semaphore_mem>>)
      %dma_wait3A_93 = arith.constant 0 : i32
      %dma_wait3A_94 = tpu.memref_slice %arg3[%add3A_77, %dma_wait3A_93] : memref<2560x128xi32, #tpu.memory_space<hbm>> -> memref<1x128xi32, #tpu.memory_space<hbm>>
      %dma_wait3A_95 = tpu.memref_squeeze %dma_wait3A_94 : memref<1x128xi32, #tpu.memory_space<hbm>> -> memref<128xi32, #tpu.memory_space<hbm>>
      %dma_wait3A_96 = arith.constant 0 : i32
      %dma_wait3A_97 = tpu.memref_slice %arg3[%add3A_77, %dma_wait3A_96] : memref<2560x128xi32, #tpu.memory_space<hbm>> -> memref<1x128xi32, #tpu.memory_space<hbm>>
      %dma_wait3A_98 = tpu.memref_squeeze %dma_wait3A_97 : memref<1x128xi32, #tpu.memory_space<hbm>> -> memref<128xi32, #tpu.memory_space<hbm>>
      tpu.wait_dma2 semaphore(%arg13 : memref<!tpu.dma_semaphore, #tpu.memory_space<semaphore_mem>>) src(%dma_wait3A_98 : memref<128xi32, #tpu.memory_space<hbm>>) dst(%arg7 : memref<128xi32, #tpu.memory_space<vmem>>)
      %dma_wait3A_99 = arith.constant 0 : i32
      %dma_wait3A_100 = tpu.memref_slice %arg4[%add3A_86, %dma_wait3A_99] : memref<2560x128xi32, #tpu.memory_space<hbm>> -> memref<1x128xi32, #tpu.memory_space<hbm>>
      %dma_wait3A_101 = tpu.memref_squeeze %dma_wait3A_100 : memref<1x128xi32, #tpu.memory_space<hbm>> -> memref<128xi32, #tpu.memory_space<hbm>>
      %dma_wait3A_102 = arith.constant 0 : i32
      %dma_wait3A_103 = tpu.memref_slice %arg4[%add3A_86, %dma_wait3A_102] : memref<2560x128xi32, #tpu.memory_space<hbm>> -> memref<1x128xi32, #tpu.memory_space<hbm>>
      %dma_wait3A_104 = tpu.memref_squeeze %dma_wait3A_103 : memref<1x128xi32, #tpu.memory_space<hbm>> -> memref<128xi32, #tpu.memory_space<hbm>>
      tpu.wait_dma2 semaphore(%arg13 : memref<!tpu.dma_semaphore, #tpu.memory_space<semaphore_mem>>) src(%dma_wait3A_104 : memref<128xi32, #tpu.memory_space<hbm>>) dst(%arg9 : memref<128xi32, #tpu.memory_space<vmem>>)
      %dma_start3A_105 = arith.constant 0 : i32
      %dma_start3A_106 = arith.constant 0 : i32
      %dma_start3A_107 = tpu.memref_slice %arg2[%dma_start3A_105, %dma_start3A_106] : memref<10240x128xf32, #tpu.memory_space<hbm>> -> memref<10240x128xf32, #tpu.memory_space<hbm>>
      tpu.enqueue_indirect_dma source(%dma_start3A_107 : memref<10240x128xf32, #tpu.memory_space<hbm>>) target(%arg11 : memref<128x128xf32, #tpu.memory_space<vmem>>) offsets(%arg7 : memref<128xi32, #tpu.memory_space<vmem>>) semaphore(%arg15 : memref<!tpu.dma_semaphore, #tpu.memory_space<semaphore_mem>>)
      %dma_wait3A_108 = arith.constant 0 : i32
      %dma_wait3A_109 = arith.constant 0 : i32
      %dma_wait3A_110 = tpu.memref_slice %arg2[%dma_wait3A_108, %dma_wait3A_109] : memref<10240x128xf32, #tpu.memory_space<hbm>> -> memref<10240x128xf32, #tpu.memory_space<hbm>>
      tpu.wait_indirect_dma semaphore(%arg14 : memref<!tpu.dma_semaphore, #tpu.memory_space<semaphore_mem>>) src(%dma_wait3A_110 : memref<10240x128xf32, #tpu.memory_space<hbm>>) dst(%arg10 : memref<128x128xf32, #tpu.memory_space<vmem>>)
      "tpu.region"() ({
        %run_scoped3A = tpu.sem_alloc : memref<!tpu.dma_semaphore, #tpu.memory_space<semaphore_mem>>
        %dma_start3A_147 = arith.constant 0 : i32
        %dma_start3A_148 = arith.constant 0 : i32
        %dma_start3A_149 = tpu.memref_slice %arg12[%dma_start3A_147, %dma_start3A_148] : memref<10240x128xf32, #tpu.memory_space<vmem_shared>> -> memref<10240x128xf32, #tpu.memory_space<vmem_shared>>
        tpu.enqueue_indirect_dma source(%arg10 : memref<128x128xf32, #tpu.memory_space<vmem>>) target(%dma_start3A_149 : memref<10240x128xf32, #tpu.memory_space<vmem_shared>>) offsets(%arg8 : memref<128xi32, #tpu.memory_space<vmem>>) semaphore(%run_scoped3A : memref<!tpu.dma_semaphore, #tpu.memory_space<semaphore_mem>>) {add = true}
        %dma_wait3A_150 = arith.constant 0 : i32
        %dma_wait3A_151 = arith.constant 0 : i32
        %dma_wait3A_152 = tpu.memref_slice %arg12[%dma_wait3A_150, %dma_wait3A_151] : memref<10240x128xf32, #tpu.memory_space<vmem_shared>> -> memref<10240x128xf32, #tpu.memory_space<vmem_shared>>
        tpu.wait_indirect_dma semaphore(%run_scoped3A : memref<!tpu.dma_semaphore, #tpu.memory_space<semaphore_mem>>) src(%arg10 : memref<128x128xf32, #tpu.memory_space<vmem>>) dst(%dma_wait3A_152 : memref<10240x128xf32, #tpu.memory_space<vmem_shared>>)
        tpu.yield
      }) : () -> ()
      %add3A_111 = arith.constant 2 : i32
      %add3A_112 = arith.addi %mul3A_74, %add3A_111 : i32
      %sub3A_113 = arith.constant 1 : i32
      %sub3A_114 = arith.subi %select_n3A_37, %sub3A_113 : i32
      %min3A = arith.minsi %add3A_112, %sub3A_114 : i32
      %add3A_115 = arith.addi %select_n3A, %min3A : i32
      %dma_start3A_116 = arith.constant 0 : i32
      %dma_start3A_117 = tpu.memref_slice %arg3[%add3A_115, %dma_start3A_116] : memref<2560x128xi32, #tpu.memory_space<hbm>> -> memref<1x128xi32, #tpu.memory_space<hbm>>
      %dma_start3A_118 = tpu.memref_squeeze %dma_start3A_117 : memref<1x128xi32, #tpu.memory_space<hbm>> -> memref<128xi32, #tpu.memory_space<hbm>>
      %dma_start3A_119 = arith.constant 0 : i32
      %dma_start3A_120 = tpu.memref_slice %arg3[%add3A_115, %dma_start3A_119] : memref<2560x128xi32, #tpu.memory_space<hbm>> -> memref<1x128xi32, #tpu.memory_space<hbm>>
      %dma_start3A_121 = tpu.memref_squeeze %dma_start3A_120 : memref<1x128xi32, #tpu.memory_space<hbm>> -> memref<128xi32, #tpu.memory_space<hbm>>
      tpu.enqueue_dma source(%dma_start3A_121 : memref<128xi32, #tpu.memory_space<hbm>>) target(%arg6 : memref<128xi32, #tpu.memory_space<vmem>>) target_semaphore(%arg13 : memref<!tpu.dma_semaphore, #tpu.memory_space<semaphore_mem>>)
      %add3A_122 = arith.addi %select_n3A, %min3A : i32
      %dma_start3A_123 = arith.constant 0 : i32
      %dma_start3A_124 = tpu.memref_slice %arg4[%add3A_122, %dma_start3A_123] : memref<2560x128xi32, #tpu.memory_space<hbm>> -> memref<1x128xi32, #tpu.memory_space<hbm>>
      %dma_start3A_125 = tpu.memref_squeeze %dma_start3A_124 : memref<1x128xi32, #tpu.memory_space<hbm>> -> memref<128xi32, #tpu.memory_space<hbm>>
      %dma_start3A_126 = arith.constant 0 : i32
      %dma_start3A_127 = tpu.memref_slice %arg4[%add3A_122, %dma_start3A_126] : memref<2560x128xi32, #tpu.memory_space<hbm>> -> memref<1x128xi32, #tpu.memory_space<hbm>>
      %dma_start3A_128 = tpu.memref_squeeze %dma_start3A_127 : memref<1x128xi32, #tpu.memory_space<hbm>> -> memref<128xi32, #tpu.memory_space<hbm>>
      tpu.enqueue_dma source(%dma_start3A_128 : memref<128xi32, #tpu.memory_space<hbm>>) target(%arg8 : memref<128xi32, #tpu.memory_space<vmem>>) target_semaphore(%arg13 : memref<!tpu.dma_semaphore, #tpu.memory_space<semaphore_mem>>)
      %dma_wait3A_129 = arith.constant 0 : i32
      %dma_wait3A_130 = tpu.memref_slice %arg3[%add3A_115, %dma_wait3A_129] : memref<2560x128xi32, #tpu.memory_space<hbm>> -> memref<1x128xi32, #tpu.memory_space<hbm>>
      %dma_wait3A_131 = tpu.memref_squeeze %dma_wait3A_130 : memref<1x128xi32, #tpu.memory_space<hbm>> -> memref<128xi32, #tpu.memory_space<hbm>>
      %dma_wait3A_132 = arith.constant 0 : i32
      %dma_wait3A_133 = tpu.memref_slice %arg3[%add3A_115, %dma_wait3A_132] : memref<2560x128xi32, #tpu.memory_space<hbm>> -> memref<1x128xi32, #tpu.memory_space<hbm>>
      %dma_wait3A_134 = tpu.memref_squeeze %dma_wait3A_133 : memref<1x128xi32, #tpu.memory_space<hbm>> -> memref<128xi32, #tpu.memory_space<hbm>>
      tpu.wait_dma2 semaphore(%arg13 : memref<!tpu.dma_semaphore, #tpu.memory_space<semaphore_mem>>) src(%dma_wait3A_134 : memref<128xi32, #tpu.memory_space<hbm>>) dst(%arg6 : memref<128xi32, #tpu.memory_space<vmem>>)
      %dma_wait3A_135 = arith.constant 0 : i32
      %dma_wait3A_136 = tpu.memref_slice %arg4[%add3A_122, %dma_wait3A_135] : memref<2560x128xi32, #tpu.memory_space<hbm>> -> memref<1x128xi32, #tpu.memory_space<hbm>>
      %dma_wait3A_137 = tpu.memref_squeeze %dma_wait3A_136 : memref<1x128xi32, #tpu.memory_space<hbm>> -> memref<128xi32, #tpu.memory_space<hbm>>
      %dma_wait3A_138 = arith.constant 0 : i32
      %dma_wait3A_139 = tpu.memref_slice %arg4[%add3A_122, %dma_wait3A_138] : memref<2560x128xi32, #tpu.memory_space<hbm>> -> memref<1x128xi32, #tpu.memory_space<hbm>>
      %dma_wait3A_140 = tpu.memref_squeeze %dma_wait3A_139 : memref<1x128xi32, #tpu.memory_space<hbm>> -> memref<128xi32, #tpu.memory_space<hbm>>
      tpu.wait_dma2 semaphore(%arg13 : memref<!tpu.dma_semaphore, #tpu.memory_space<semaphore_mem>>) src(%dma_wait3A_140 : memref<128xi32, #tpu.memory_space<hbm>>) dst(%arg8 : memref<128xi32, #tpu.memory_space<vmem>>)
      %dma_start3A_141 = arith.constant 0 : i32
      %dma_start3A_142 = arith.constant 0 : i32
      %dma_start3A_143 = tpu.memref_slice %arg2[%dma_start3A_141, %dma_start3A_142] : memref<10240x128xf32, #tpu.memory_space<hbm>> -> memref<10240x128xf32, #tpu.memory_space<hbm>>
      tpu.enqueue_indirect_dma source(%dma_start3A_143 : memref<10240x128xf32, #tpu.memory_space<hbm>>) target(%arg10 : memref<128x128xf32, #tpu.memory_space<vmem>>) offsets(%arg6 : memref<128xi32, #tpu.memory_space<vmem>>) semaphore(%arg14 : memref<!tpu.dma_semaphore, #tpu.memory_space<semaphore_mem>>)
      %dma_wait3A_144 = arith.constant 0 : i32
      %dma_wait3A_145 = arith.constant 0 : i32
      %dma_wait3A_146 = tpu.memref_slice %arg2[%dma_wait3A_144, %dma_wait3A_145] : memref<10240x128xf32, #tpu.memory_space<hbm>> -> memref<10240x128xf32, #tpu.memory_space<hbm>>
      tpu.wait_indirect_dma semaphore(%arg15 : memref<!tpu.dma_semaphore, #tpu.memory_space<semaphore_mem>>) src(%dma_wait3A_146 : memref<10240x128xf32, #tpu.memory_space<hbm>>) dst(%arg11 : memref<128x128xf32, #tpu.memory_space<vmem>>)
      "tpu.region"() ({
        %run_scoped3A = tpu.sem_alloc : memref<!tpu.dma_semaphore, #tpu.memory_space<semaphore_mem>>
        %dma_start3A_147 = arith.constant 0 : i32
        %dma_start3A_148 = arith.constant 0 : i32
        %dma_start3A_149 = tpu.memref_slice %arg12[%dma_start3A_147, %dma_start3A_148] : memref<10240x128xf32, #tpu.memory_space<vmem_shared>> -> memref<10240x128xf32, #tpu.memory_space<vmem_shared>>
        tpu.enqueue_indirect_dma source(%arg11 : memref<128x128xf32, #tpu.memory_space<vmem>>) target(%dma_start3A_149 : memref<10240x128xf32, #tpu.memory_space<vmem_shared>>) offsets(%arg9 : memref<128xi32, #tpu.memory_space<vmem>>) semaphore(%run_scoped3A : memref<!tpu.dma_semaphore, #tpu.memory_space<semaphore_mem>>) {add = true}
        %dma_wait3A_150 = arith.constant 0 : i32
        %dma_wait3A_151 = arith.constant 0 : i32
        %dma_wait3A_152 = tpu.memref_slice %arg12[%dma_wait3A_150, %dma_wait3A_151] : memref<10240x128xf32, #tpu.memory_space<vmem_shared>> -> memref<10240x128xf32, #tpu.memory_space<vmem_shared>>
        tpu.wait_indirect_dma semaphore(%run_scoped3A : memref<!tpu.dma_semaphore, #tpu.memory_space<semaphore_mem>>) src(%arg11 : memref<128x128xf32, #tpu.memory_space<vmem>>) dst(%dma_wait3A_152 : memref<10240x128xf32, #tpu.memory_space<vmem_shared>>)
        tpu.yield
      }) : () -> ()
    }
    %while3A_66 = arith.constant 1 : i32
    scf.for %while3A_72 = %while3A_64 to %while3A_60 step %while3A_66  : i32 {
      %mul3A_73 = arith.constant 2 : i32
      %mul3A_74 = arith.muli %while3A_72, %mul3A_73 : i32
      %add3A_75 = arith.addi %select_n3A, %mul3A_74 : i32
      %add3A_76 = arith.constant 1 : i32
      %add3A_77 = arith.addi %add3A_75, %add3A_76 : i32
      %dma_start3A_78 = arith.constant 0 : i32
      %dma_start3A_79 = tpu.memref_slice %arg3[%add3A_77, %dma_start3A_78] : memref<2560x128xi32, #tpu.memory_space<hbm>> -> memref<1x128xi32, #tpu.memory_space<hbm>>
      %dma_start3A_80 = tpu.memref_squeeze %dma_start3A_79 : memref<1x128xi32, #tpu.memory_space<hbm>> -> memref<128xi32, #tpu.memory_space<hbm>>
      %dma_start3A_81 = arith.constant 0 : i32
      %dma_start3A_82 = tpu.memref_slice %arg3[%add3A_77, %dma_start3A_81] : memref<2560x128xi32, #tpu.memory_space<hbm>> -> memref<1x128xi32, #tpu.memory_space<hbm>>
      %dma_start3A_83 = tpu.memref_squeeze %dma_start3A_82 : memref<1x128xi32, #tpu.memory_space<hbm>> -> memref<128xi32, #tpu.memory_space<hbm>>
      tpu.enqueue_dma source(%dma_start3A_83 : memref<128xi32, #tpu.memory_space<hbm>>) target(%arg7 : memref<128xi32, #tpu.memory_space<vmem>>) target_semaphore(%arg13 : memref<!tpu.dma_semaphore, #tpu.memory_space<semaphore_mem>>)
      %add3A_84 = arith.addi %select_n3A, %mul3A_74 : i32
      %add3A_85 = arith.constant 1 : i32
      %add3A_86 = arith.addi %add3A_84, %add3A_85 : i32
      %dma_start3A_87 = arith.constant 0 : i32
      %dma_start3A_88 = tpu.memref_slice %arg4[%add3A_86, %dma_start3A_87] : memref<2560x128xi32, #tpu.memory_space<hbm>> -> memref<1x128xi32, #tpu.memory_space<hbm>>
      %dma_start3A_89 = tpu.memref_squeeze %dma_start3A_88 : memref<1x128xi32, #tpu.memory_space<hbm>> -> memref<128xi32, #tpu.memory_space<hbm>>
      %dma_start3A_90 = arith.constant 0 : i32
      %dma_start3A_91 = tpu.memref_slice %arg4[%add3A_86, %dma_start3A_90] : memref<2560x128xi32, #tpu.memory_space<hbm>> -> memref<1x128xi32, #tpu.memory_space<hbm>>
      %dma_start3A_92 = tpu.memref_squeeze %dma_start3A_91 : memref<1x128xi32, #tpu.memory_space<hbm>> -> memref<128xi32, #tpu.memory_space<hbm>>
      tpu.enqueue_dma source(%dma_start3A_92 : memref<128xi32, #tpu.memory_space<hbm>>) target(%arg9 : memref<128xi32, #tpu.memory_space<vmem>>) target_semaphore(%arg13 : memref<!tpu.dma_semaphore, #tpu.memory_space<semaphore_mem>>)
      %dma_wait3A_93 = arith.constant 0 : i32
      %dma_wait3A_94 = tpu.memref_slice %arg3[%add3A_77, %dma_wait3A_93] : memref<2560x128xi32, #tpu.memory_space<hbm>> -> memref<1x128xi32, #tpu.memory_space<hbm>>
      %dma_wait3A_95 = tpu.memref_squeeze %dma_wait3A_94 : memref<1x128xi32, #tpu.memory_space<hbm>> -> memref<128xi32, #tpu.memory_space<hbm>>
      %dma_wait3A_96 = arith.constant 0 : i32
      %dma_wait3A_97 = tpu.memref_slice %arg3[%add3A_77, %dma_wait3A_96] : memref<2560x128xi32, #tpu.memory_space<hbm>> -> memref<1x128xi32, #tpu.memory_space<hbm>>
      %dma_wait3A_98 = tpu.memref_squeeze %dma_wait3A_97 : memref<1x128xi32, #tpu.memory_space<hbm>> -> memref<128xi32, #tpu.memory_space<hbm>>
      tpu.wait_dma2 semaphore(%arg13 : memref<!tpu.dma_semaphore, #tpu.memory_space<semaphore_mem>>) src(%dma_wait3A_98 : memref<128xi32, #tpu.memory_space<hbm>>) dst(%arg7 : memref<128xi32, #tpu.memory_space<vmem>>)
      %dma_wait3A_99 = arith.constant 0 : i32
      %dma_wait3A_100 = tpu.memref_slice %arg4[%add3A_86, %dma_wait3A_99] : memref<2560x128xi32, #tpu.memory_space<hbm>> -> memref<1x128xi32, #tpu.memory_space<hbm>>
      %dma_wait3A_101 = tpu.memref_squeeze %dma_wait3A_100 : memref<1x128xi32, #tpu.memory_space<hbm>> -> memref<128xi32, #tpu.memory_space<hbm>>
      %dma_wait3A_102 = arith.constant 0 : i32
      %dma_wait3A_103 = tpu.memref_slice %arg4[%add3A_86, %dma_wait3A_102] : memref<2560x128xi32, #tpu.memory_space<hbm>> -> memref<1x128xi32, #tpu.memory_space<hbm>>
      %dma_wait3A_104 = tpu.memref_squeeze %dma_wait3A_103 : memref<1x128xi32, #tpu.memory_space<hbm>> -> memref<128xi32, #tpu.memory_space<hbm>>
      tpu.wait_dma2 semaphore(%arg13 : memref<!tpu.dma_semaphore, #tpu.memory_space<semaphore_mem>>) src(%dma_wait3A_104 : memref<128xi32, #tpu.memory_space<hbm>>) dst(%arg9 : memref<128xi32, #tpu.memory_space<vmem>>)
      %dma_start3A_105 = arith.constant 0 : i32
      %dma_start3A_106 = arith.constant 0 : i32
      %dma_start3A_107 = tpu.memref_slice %arg2[%dma_start3A_105, %dma_start3A_106] : memref<10240x128xf32, #tpu.memory_space<hbm>> -> memref<10240x128xf32, #tpu.memory_space<hbm>>
      tpu.enqueue_indirect_dma source(%dma_start3A_107 : memref<10240x128xf32, #tpu.memory_space<hbm>>) target(%arg11 : memref<128x128xf32, #tpu.memory_space<vmem>>) offsets(%arg7 : memref<128xi32, #tpu.memory_space<vmem>>) semaphore(%arg15 : memref<!tpu.dma_semaphore, #tpu.memory_space<semaphore_mem>>)
      %dma_wait3A_108 = arith.constant 0 : i32
      %dma_wait3A_109 = arith.constant 0 : i32
      %dma_wait3A_110 = tpu.memref_slice %arg2[%dma_wait3A_108, %dma_wait3A_109] : memref<10240x128xf32, #tpu.memory_space<hbm>> -> memref<10240x128xf32, #tpu.memory_space<hbm>>
      tpu.wait_indirect_dma semaphore(%arg14 : memref<!tpu.dma_semaphore, #tpu.memory_space<semaphore_mem>>) src(%dma_wait3A_110 : memref<10240x128xf32, #tpu.memory_space<hbm>>) dst(%arg10 : memref<128x128xf32, #tpu.memory_space<vmem>>)
      "tpu.region"() ({
        %run_scoped3A = tpu.sem_alloc : memref<!tpu.dma_semaphore, #tpu.memory_space<semaphore_mem>>
        %dma_start3A_147 = arith.constant 0 : i32
        %dma_start3A_148 = arith.constant 0 : i32
        %dma_start3A_149 = tpu.memref_slice %arg12[%dma_start3A_147, %dma_start3A_148] : memref<10240x128xf32, #tpu.memory_space<vmem_shared>> -> memref<10240x128xf32, #tpu.memory_space<vmem_shared>>
        tpu.enqueue_indirect_dma source(%arg10 : memref<128x128xf32, #tpu.memory_space<vmem>>) target(%dma_start3A_149 : memref<10240x128xf32, #tpu.memory_space<vmem_shared>>) offsets(%arg8 : memref<128xi32, #tpu.memory_space<vmem>>) semaphore(%run_scoped3A : memref<!tpu.dma_semaphore, #tpu.memory_space<semaphore_mem>>) {add = true}
        %dma_wait3A_150 = arith.constant 0 : i32
        %dma_wait3A_151 = arith.constant 0 : i32
        %dma_wait3A_152 = tpu.memref_slice %arg12[%dma_wait3A_150, %dma_wait3A_151] : memref<10240x128xf32, #tpu.memory_space<vmem_shared>> -> memref<10240x128xf32, #tpu.memory_space<vmem_shared>>
        tpu.wait_indirect_dma semaphore(%run_scoped3A : memref<!tpu.dma_semaphore, #tpu.memory_space<semaphore_mem>>) src(%arg10 : memref<128x128xf32, #tpu.memory_space<vmem>>) dst(%dma_wait3A_152 : memref<10240x128xf32, #tpu.memory_space<vmem_shared>>)
        tpu.yield
      }) : () -> ()
      %add3A_111 = arith.constant 2 : i32
      %add3A_112 = arith.addi %mul3A_74, %add3A_111 : i32
      %sub3A_113 = arith.constant 1 : i32
      %sub3A_114 = arith.subi %select_n3A_37, %sub3A_113 : i32
      %min3A = arith.minsi %add3A_112, %sub3A_114 : i32
      %add3A_115 = arith.addi %select_n3A, %min3A : i32
      %dma_start3A_116 = arith.constant 0 : i32
      %dma_start3A_117 = tpu.memref_slice %arg3[%add3A_115, %dma_start3A_116] : memref<2560x128xi32, #tpu.memory_space<hbm>> -> memref<1x128xi32, #tpu.memory_space<hbm>>
      %dma_start3A_118 = tpu.memref_squeeze %dma_start3A_117 : memref<1x128xi32, #tpu.memory_space<hbm>> -> memref<128xi32, #tpu.memory_space<hbm>>
      %dma_start3A_119 = arith.constant 0 : i32
      %dma_start3A_120 = tpu.memref_slice %arg3[%add3A_115, %dma_start3A_119] : memref<2560x128xi32, #tpu.memory_space<hbm>> -> memref<1x128xi32, #tpu.memory_space<hbm>>
      %dma_start3A_121 = tpu.memref_squeeze %dma_start3A_120 : memref<1x128xi32, #tpu.memory_space<hbm>> -> memref<128xi32, #tpu.memory_space<hbm>>
      tpu.enqueue_dma source(%dma_start3A_121 : memref<128xi32, #tpu.memory_space<hbm>>) target(%arg6 : memref<128xi32, #tpu.memory_space<vmem>>) target_semaphore(%arg13 : memref<!tpu.dma_semaphore, #tpu.memory_space<semaphore_mem>>)
      %add3A_122 = arith.addi %select_n3A, %min3A : i32
      %dma_start3A_123 = arith.constant 0 : i32
      %dma_start3A_124 = tpu.memref_slice %arg4[%add3A_122, %dma_start3A_123] : memref<2560x128xi32, #tpu.memory_space<hbm>> -> memref<1x128xi32, #tpu.memory_space<hbm>>
      %dma_start3A_125 = tpu.memref_squeeze %dma_start3A_124 : memref<1x128xi32, #tpu.memory_space<hbm>> -> memref<128xi32, #tpu.memory_space<hbm>>
      %dma_start3A_126 = arith.constant 0 : i32
      %dma_start3A_127 = tpu.memref_slice %arg4[%add3A_122, %dma_start3A_126] : memref<2560x128xi32, #tpu.memory_space<hbm>> -> memref<1x128xi32, #tpu.memory_space<hbm>>
      %dma_start3A_128 = tpu.memref_squeeze %dma_start3A_127 : memref<1x128xi32, #tpu.memory_space<hbm>> -> memref<128xi32, #tpu.memory_space<hbm>>
      tpu.enqueue_dma source(%dma_start3A_128 : memref<128xi32, #tpu.memory_space<hbm>>) target(%arg8 : memref<128xi32, #tpu.memory_space<vmem>>) target_semaphore(%arg13 : memref<!tpu.dma_semaphore, #tpu.memory_space<semaphore_mem>>)
      %dma_wait3A_129 = arith.constant 0 : i32
      %dma_wait3A_130 = tpu.memref_slice %arg3[%add3A_115, %dma_wait3A_129] : memref<2560x128xi32, #tpu.memory_space<hbm>> -> memref<1x128xi32, #tpu.memory_space<hbm>>
      %dma_wait3A_131 = tpu.memref_squeeze %dma_wait3A_130 : memref<1x128xi32, #tpu.memory_space<hbm>> -> memref<128xi32, #tpu.memory_space<hbm>>
      %dma_wait3A_132 = arith.constant 0 : i32
      %dma_wait3A_133 = tpu.memref_slice %arg3[%add3A_115, %dma_wait3A_132] : memref<2560x128xi32, #tpu.memory_space<hbm>> -> memref<1x128xi32, #tpu.memory_space<hbm>>
      %dma_wait3A_134 = tpu.memref_squeeze %dma_wait3A_133 : memref<1x128xi32, #tpu.memory_space<hbm>> -> memref<128xi32, #tpu.memory_space<hbm>>
      tpu.wait_dma2 semaphore(%arg13 : memref<!tpu.dma_semaphore, #tpu.memory_space<semaphore_mem>>) src(%dma_wait3A_134 : memref<128xi32, #tpu.memory_space<hbm>>) dst(%arg6 : memref<128xi32, #tpu.memory_space<vmem>>)
      %dma_wait3A_135 = arith.constant 0 : i32
      %dma_wait3A_136 = tpu.memref_slice %arg4[%add3A_122, %dma_wait3A_135] : memref<2560x128xi32, #tpu.memory_space<hbm>> -> memref<1x128xi32, #tpu.memory_space<hbm>>
      %dma_wait3A_137 = tpu.memref_squeeze %dma_wait3A_136 : memref<1x128xi32, #tpu.memory_space<hbm>> -> memref<128xi32, #tpu.memory_space<hbm>>
      %dma_wait3A_138 = arith.constant 0 : i32
      %dma_wait3A_139 = tpu.memref_slice %arg4[%add3A_122, %dma_wait3A_138] : memref<2560x128xi32, #tpu.memory_space<hbm>> -> memref<1x128xi32, #tpu.memory_space<hbm>>
      %dma_wait3A_140 = tpu.memref_squeeze %dma_wait3A_139 : memref<1x128xi32, #tpu.memory_space<hbm>> -> memref<128xi32, #tpu.memory_space<hbm>>
      tpu.wait_dma2 semaphore(%arg13 : memref<!tpu.dma_semaphore, #tpu.memory_space<semaphore_mem>>) src(%dma_wait3A_140 : memref<128xi32, #tpu.memory_space<hbm>>) dst(%arg8 : memref<128xi32, #tpu.memory_space<vmem>>)
      %dma_start3A_141 = arith.constant 0 : i32
      %dma_start3A_142 = arith.constant 0 : i32
      %dma_start3A_143 = tpu.memref_slice %arg2[%dma_start3A_141, %dma_start3A_142] : memref<10240x128xf32, #tpu.memory_space<hbm>> -> memref<10240x128xf32, #tpu.memory_space<hbm>>
      tpu.enqueue_indirect_dma source(%dma_start3A_143 : memref<10240x128xf32, #tpu.memory_space<hbm>>) target(%arg10 : memref<128x128xf32, #tpu.memory_space<vmem>>) offsets(%arg6 : memref<128xi32, #tpu.memory_space<vmem>>) semaphore(%arg14 : memref<!tpu.dma_semaphore, #tpu.memory_space<semaphore_mem>>)
      %dma_wait3A_144 = arith.constant 0 : i32
      %dma_wait3A_145 = arith.constant 0 : i32
      %dma_wait3A_146 = tpu.memref_slice %arg2[%dma_wait3A_144, %dma_wait3A_145] : memref<10240x128xf32, #tpu.memory_space<hbm>> -> memref<10240x128xf32, #tpu.memory_space<hbm>>
      tpu.wait_indirect_dma semaphore(%arg15 : memref<!tpu.dma_semaphore, #tpu.memory_space<semaphore_mem>>) src(%dma_wait3A_146 : memref<10240x128xf32, #tpu.memory_space<hbm>>) dst(%arg11 : memref<128x128xf32, #tpu.memory_space<vmem>>)
      "tpu.region"() ({
        %run_scoped3A = tpu.sem_alloc : memref<!tpu.dma_semaphore, #tpu.memory_space<semaphore_mem>>
        %dma_start3A_147 = arith.constant 0 : i32
        %dma_start3A_148 = arith.constant 0 : i32
        %dma_start3A_149 = tpu.memref_slice %arg12[%dma_start3A_147, %dma_start3A_148] : memref<10240x128xf32, #tpu.memory_space<vmem_shared>> -> memref<10240x128xf32, #tpu.memory_space<vmem_shared>>
        tpu.enqueue_indirect_dma source(%arg11 : memref<128x128xf32, #tpu.memory_space<vmem>>) target(%dma_start3A_149 : memref<10240x128xf32, #tpu.memory_space<vmem_shared>>) offsets(%arg9 : memref<128xi32, #tpu.memory_space<vmem>>) semaphore(%run_scoped3A : memref<!tpu.dma_semaphore, #tpu.memory_space<semaphore_mem>>) {add = true}
        %dma_wait3A_150 = arith.constant 0 : i32
        %dma_wait3A_151 = arith.constant 0 : i32
        %dma_wait3A_152 = tpu.memref_slice %arg12[%dma_wait3A_150, %dma_wait3A_151] : memref<10240x128xf32, #tpu.memory_space<vmem_shared>> -> memref<10240x128xf32, #tpu.memory_space<vmem_shared>>
        tpu.wait_indirect_dma semaphore(%run_scoped3A : memref<!tpu.dma_semaphore, #tpu.memory_space<semaphore_mem>>) src(%arg11 : memref<128x128xf32, #tpu.memory_space<vmem>>) dst(%dma_wait3A_152 : memref<10240x128xf32, #tpu.memory_space<vmem_shared>>)
        tpu.yield
      }) : () -> ()
    }
    %dma_wait3A = arith.constant 0 : i32
    %dma_wait3A_67 = arith.constant 0 : i32
    %dma_wait3A_68 = tpu.memref_slice %arg2[%dma_wait3A, %dma_wait3A_67] : memref<10240x128xf32, #tpu.memory_space<hbm>> -> memref<10240x128xf32, #tpu.memory_space<hbm>>
    tpu.wait_indirect_dma semaphore(%arg14 : memref<!tpu.dma_semaphore, #tpu.memory_space<semaphore_mem>>) src(%dma_wait3A_68 : memref<10240x128xf32, #tpu.memory_space<hbm>>) dst(%arg10 : memref<128x128xf32, #tpu.memory_space<vmem>>)
    %barrier3A_69 = arith.constant 0 : index
    tpu.barrier barrier_id(%barrier3A_69)
    %mul3A_70 = arith.constant 640 : i32
    %mul3A_71 = arith.muli %arg1, %mul3A_70 : i32
    "tpu.region"() ({
      %run_scoped3A = tpu.sem_alloc : memref<!tpu.dma_semaphore, #tpu.memory_space<semaphore_mem>>
      %dma_start3A_72 = arith.constant 0 : i32
      %dma_start3A_73 = tpu.memref_slice %arg5[%arg0, %mul3A_71, %dma_start3A_72] : memref<2x10240x128xf32, #tpu.memory_space<hbm>> -> memref<1x640x128xf32, #tpu.memory_space<hbm>>
      %dma_start3A_74 = tpu.memref_squeeze %dma_start3A_73 : memref<1x640x128xf32, #tpu.memory_space<hbm>> -> memref<640x128xf32, #tpu.memory_space<hbm>>
      %dma_start3A_75 = arith.constant 0 : i32
      %dma_start3A_76 = tpu.memref_slice %arg12[%mul3A_71, %dma_start3A_75] : memref<10240x128xf32, #tpu.memory_space<vmem_shared>> -> memref<640x128xf32, #tpu.memory_space<vmem_shared>>
      tpu.enqueue_dma source(%dma_start3A_76 : memref<640x128xf32, #tpu.memory_space<vmem_shared>>) target(%dma_start3A_74 : memref<640x128xf32, #tpu.memory_space<hbm>>) target_semaphore(%run_scoped3A : memref<!tpu.dma_semaphore, #tpu.memory_space<semaphore_mem>>)
      %dma_wait3A_77 = arith.constant 0 : i32
      %dma_wait3A_78 = tpu.memref_slice %arg5[%arg0, %mul3A_71, %dma_wait3A_77] : memref<2x10240x128xf32, #tpu.memory_space<hbm>> -> memref<1x640x128xf32, #tpu.memory_space<hbm>>
      %dma_wait3A_79 = tpu.memref_squeeze %dma_wait3A_78 : memref<1x640x128xf32, #tpu.memory_space<hbm>> -> memref<640x128xf32, #tpu.memory_space<hbm>>
      %dma_wait3A_80 = arith.constant 0 : i32
      %dma_wait3A_81 = tpu.memref_slice %arg12[%mul3A_71, %dma_wait3A_80] : memref<10240x128xf32, #tpu.memory_space<vmem_shared>> -> memref<640x128xf32, #tpu.memory_space<vmem_shared>>
      tpu.wait_dma2 semaphore(%run_scoped3A : memref<!tpu.dma_semaphore, #tpu.memory_space<semaphore_mem>>) src(%dma_wait3A_81 : memref<640x128xf32, #tpu.memory_space<vmem_shared>>) dst(%dma_wait3A_79 : memref<640x128xf32, #tpu.memory_space<hbm>>)
      tpu.yield
    }) : () -> ()
    return
  }
}

#map = affine_map<(d0, d1) -> (0, 0)>
#map1 = affine_map<(d0, d1) -> (0, 0, 0)>
module attributes {stable_mosaic.version = 14 : i64} {
  func.func @_agg_body(%arg0: i32, %arg1: i32, %arg2: memref<10240x128xf32, #tpu.memory_space<hbm>>, %arg3: memref<2560x128xi32, #tpu.memory_space<hbm>>, %arg4: memref<2560x128xi32, #tpu.memory_space<hbm>>, %arg5: memref<2x10240x128xf32, #tpu.memory_space<hbm>>, %arg6: memref<128xi32, #tpu.memory_space<vmem>>, %arg7: memref<128xi32, #tpu.memory_space<vmem>>, %arg8: memref<128xi32, #tpu.memory_space<vmem>>, %arg9: memref<128xi32, #tpu.memory_space<vmem>>, %arg10: memref<128x128xf32, #tpu.memory_space<vmem>>, %arg11: memref<128x128xf32, #tpu.memory_space<vmem>>, %arg12: memref<10240x128xf32, #tpu.memory_space<vmem_shared>>, %arg13: memref<!tpu.dma_semaphore, #tpu.memory_space<semaphore_mem>>, %arg14: memref<!tpu.dma_semaphore, #tpu.memory_space<semaphore_mem>>, %arg15: memref<!tpu.dma_semaphore, #tpu.memory_space<semaphore_mem>>) attributes {dimension_semantics = [#tpu.dimension_semantics<core_parallel>, #tpu.dimension_semantics<subcore_parallel>], iteration_bounds = array<i64: 2, 16>, scalar_prefetch = 0 : i64, scratch_operands = 10 : i64, tpu.core_type = #tpu.core_type<sc_vector_subcore>, window_params = [{transform_indices = #map}, {transform_indices = #map}, {transform_indices = #map}, {transform_indices = #map1}]} {
    %mul3A = arith.constant 2 : i32
    %mul3A_0 = arith.muli %arg1, %mul3A : i32
    %add3A = arith.addi %mul3A_0, %arg0 : i32
    %broadcast_in_dim3A = arith.constant 0.000000e+00 : f32
    %broadcast_in_dim3A_1 = vector.broadcast %broadcast_in_dim3A : f32 to vector<16xf32>
    %scan3A = arith.constant 0 : i32
    %scan3A_2 = arith.constant 0 : i32
    %scan3A_3 = arith.constant 1024 : i32
    %scan3A_4 = arith.addi %scan3A_2, %scan3A_3 : i32
    %scan3A_5 = arith.constant 1 : i32
    scf.for %scan3A_72 = %scan3A_2 to %scan3A_4 step %scan3A_5  : i32 {
      %jit3A_73 = arith.constant 8 : i32
      %div3A_74 = arith.divsi %scan3A_72, %jit3A_73 : i32
      %sign3A_75 = arith.constant 0 : i32
      %sign3A_76 = arith.cmpi sgt, %scan3A_72, %sign3A_75 : i32
      %sign3A_77 = arith.extui %sign3A_76 : i1 to i32
      %sign3A_78 = arith.constant 0 : i32
      %sign3A_79 = arith.cmpi slt, %scan3A_72, %sign3A_78 : i32
      %sign3A_80 = arith.extui %sign3A_79 : i1 to i32
      %sign3A_81 = arith.subi %sign3A_77, %sign3A_80 : i32
      %sign3A_82 = arith.constant 0 : i32
      %sign3A_83 = arith.cmpi sgt, %jit3A_73, %sign3A_82 : i32
      %sign3A_84 = arith.extui %sign3A_83 : i1 to i32
      %sign3A_85 = arith.constant 0 : i32
      %sign3A_86 = arith.cmpi slt, %jit3A_73, %sign3A_85 : i32
      %sign3A_87 = arith.extui %sign3A_86 : i1 to i32
      %sign3A_88 = arith.subi %sign3A_84, %sign3A_87 : i32
      %ne3A_89 = arith.cmpi ne, %sign3A_81, %sign3A_88 : i32
      %rem3A_90 = arith.remsi %scan3A_72, %jit3A_73 : i32
      %ne3A_91 = arith.constant 0 : i32
      %ne3A_92 = arith.cmpi ne, %rem3A_90, %ne3A_91 : i32
      %and3A_93 = arith.andi %ne3A_89, %ne3A_92 : i1
      %sub3A_94 = arith.constant 1 : i32
      %sub3A_95 = arith.subi %div3A_74, %sub3A_94 : i32
      %select_n3A_96 = arith.select %and3A_93, %sub3A_95, %div3A_74 : i32
      %jit3A_97 = arith.constant 8 : i32
      %eq3A_98 = arith.constant 0 : i32
      %eq3A_99 = arith.cmpi eq, %jit3A_97, %eq3A_98 : i32
      %jit3A_100 = arith.constant 1 : i32
      %select_n3A_101 = arith.select %eq3A_99, %jit3A_100, %jit3A_97 : i32
      %rem3A_102 = arith.remsi %scan3A_72, %select_n3A_101 : i32
      %ne3A_103 = arith.constant 0 : i32
      %ne3A_104 = arith.cmpi ne, %rem3A_102, %ne3A_103 : i32
      %lt3A = arith.constant 0 : i32
      %lt3A_105 = arith.cmpi slt, %rem3A_102, %lt3A : i32
      %lt3A_106 = arith.constant 0 : i32
      %lt3A_107 = arith.cmpi slt, %select_n3A_101, %lt3A_106 : i32
      %ne3A_108 = arith.xori %lt3A_105, %lt3A_107 : i1
      %and3A_109 = arith.andi %ne3A_108, %ne3A_104 : i1
      %add3A_110 = arith.addi %rem3A_102, %select_n3A_101 : i32
      %select_n3A_111 = arith.select %and3A_109, %add3A_110, %rem3A_102 : i32
      %mul3A_112 = arith.constant 16 : i32
      %mul3A_113 = arith.muli %select_n3A_111, %mul3A_112 : i32
      %swap3A = arith.index_cast %select_n3A_96 : i32 to index
      %swap3A_114 = arith.index_cast %mul3A_113 : i32 to index
      %swap3A_115 = tpu.vector_load %arg10[%swap3A, %swap3A_114] {strides = array<i32>} : memref<128x128xf32, #tpu.memory_space<vmem>>, vector<1x16xf32>,
      %swap3A_116 = vector.shape_cast %swap3A_115 : vector<1x16xf32> to vector<16xf32>
      %swap3A_117 = vector.shape_cast %broadcast_in_dim3A_1 : vector<16xf32> to vector<1x16xf32>
      tpu.vector_store %arg10[%swap3A, %swap3A_114], %swap3A_117 {strides = array<i32>} : memref<128x128xf32, #tpu.memory_space<vmem>>, vector<1x16xf32>,
    }
    %scan3A_6 = arith.constant 1024 : i32
    %mul3A_7 = arith.constant 640 : i32
    %mul3A_8 = arith.muli %arg1, %mul3A_7 : i32
    %add3A_9 = arith.constant 0 : i32
    %add3A_10 = arith.addi %mul3A_8, %add3A_9 : i32
    "tpu.region"() ({
      %run_scoped3A = tpu.sem_alloc : memref<!tpu.dma_semaphore, #tpu.memory_space<semaphore_mem>>
      %dma_start3A_72 = arith.constant 0 : i32
      %dma_start3A_73 = tpu.memref_slice %arg12[%add3A_10, %dma_start3A_72] : memref<10240x128xf32, #tpu.memory_space<vmem_shared>> -> memref<128x128xf32, #tpu.memory_space<vmem_shared>>
      %dma_start3A_74 = arith.constant 0 : i32
      %dma_start3A_75 = tpu.memref_slice %arg12[%add3A_10, %dma_start3A_74] : memref<10240x128xf32, #tpu.memory_space<vmem_shared>> -> memref<128x128xf32, #tpu.memory_space<vmem_shared>>
      tpu.enqueue_dma source(%arg10 : memref<128x128xf32, #tpu.memory_space<vmem>>) target(%dma_start3A_75 : memref<128x128xf32, #tpu.memory_space<vmem_shared>>) target_semaphore(%run_scoped3A : memref<!tpu.dma_semaphore, #tpu.memory_space<semaphore_mem>>)
      %dma_wait3A_76 = arith.constant 0 : i32
      %dma_wait3A_77 = tpu.memref_slice %arg12[%add3A_10, %dma_wait3A_76] : memref<10240x128xf32, #tpu.memory_space<vmem_shared>> -> memref<128x128xf32, #tpu.memory_space<vmem_shared>>
      %dma_wait3A_78 = arith.constant 0 : i32
      %dma_wait3A_79 = tpu.memref_slice %arg12[%add3A_10, %dma_wait3A_78] : memref<10240x128xf32, #tpu.memory_space<vmem_shared>> -> memref<128x128xf32, #tpu.memory_space<vmem_shared>>
      tpu.wait_dma2 semaphore(%run_scoped3A : memref<!tpu.dma_semaphore, #tpu.memory_space<semaphore_mem>>) src(%arg10 : memref<128x128xf32, #tpu.memory_space<vmem>>) dst(%dma_wait3A_79 : memref<128x128xf32, #tpu.memory_space<vmem_shared>>)
      tpu.yield
    }) : () -> ()
    %mul3A_11 = arith.constant 640 : i32
    %mul3A_12 = arith.muli %arg1, %mul3A_11 : i32
    %add3A_13 = arith.constant 128 : i32
    %add3A_14 = arith.addi %mul3A_12, %add3A_13 : i32
    "tpu.region"() ({
      %run_scoped3A = tpu.sem_alloc : memref<!tpu.dma_semaphore, #tpu.memory_space<semaphore_mem>>
      %dma_start3A_72 = arith.constant 0 : i32
      %dma_start3A_73 = tpu.memref_slice %arg12[%add3A_14, %dma_start3A_72] : memref<10240x128xf32, #tpu.memory_space<vmem_shared>> -> memref<128x128xf32, #tpu.memory_space<vmem_shared>>
      %dma_start3A_74 = arith.constant 0 : i32
      %dma_start3A_75 = tpu.memref_slice %arg12[%add3A_14, %dma_start3A_74] : memref<10240x128xf32, #tpu.memory_space<vmem_shared>> -> memref<128x128xf32, #tpu.memory_space<vmem_shared>>
      tpu.enqueue_dma source(%arg10 : memref<128x128xf32, #tpu.memory_space<vmem>>) target(%dma_start3A_75 : memref<128x128xf32, #tpu.memory_space<vmem_shared>>) target_semaphore(%run_scoped3A : memref<!tpu.dma_semaphore, #tpu.memory_space<semaphore_mem>>)
      %dma_wait3A_76 = arith.constant 0 : i32
      %dma_wait3A_77 = tpu.memref_slice %arg12[%add3A_14, %dma_wait3A_76] : memref<10240x128xf32, #tpu.memory_space<vmem_shared>> -> memref<128x128xf32, #tpu.memory_space<vmem_shared>>
      %dma_wait3A_78 = arith.constant 0 : i32
      %dma_wait3A_79 = tpu.memref_slice %arg12[%add3A_14, %dma_wait3A_78] : memref<10240x128xf32, #tpu.memory_space<vmem_shared>> -> memref<128x128xf32, #tpu.memory_space<vmem_shared>>
      tpu.wait_dma2 semaphore(%run_scoped3A : memref<!tpu.dma_semaphore, #tpu.memory_space<semaphore_mem>>) src(%arg10 : memref<128x128xf32, #tpu.memory_space<vmem>>) dst(%dma_wait3A_79 : memref<128x128xf32, #tpu.memory_space<vmem_shared>>)
      tpu.yield
    }) : () -> ()
    %mul3A_15 = arith.constant 640 : i32
    %mul3A_16 = arith.muli %arg1, %mul3A_15 : i32
    %add3A_17 = arith.constant 256 : i32
    %add3A_18 = arith.addi %mul3A_16, %add3A_17 : i32
    "tpu.region"() ({
      %run_scoped3A = tpu.sem_alloc : memref<!tpu.dma_semaphore, #tpu.memory_space<semaphore_mem>>
      %dma_start3A_72 = arith.constant 0 : i32
      %dma_start3A_73 = tpu.memref_slice %arg12[%add3A_18, %dma_start3A_72] : memref<10240x128xf32, #tpu.memory_space<vmem_shared>> -> memref<128x128xf32, #tpu.memory_space<vmem_shared>>
      %dma_start3A_74 = arith.constant 0 : i32
      %dma_start3A_75 = tpu.memref_slice %arg12[%add3A_18, %dma_start3A_74] : memref<10240x128xf32, #tpu.memory_space<vmem_shared>> -> memref<128x128xf32, #tpu.memory_space<vmem_shared>>
      tpu.enqueue_dma source(%arg10 : memref<128x128xf32, #tpu.memory_space<vmem>>) target(%dma_start3A_75 : memref<128x128xf32, #tpu.memory_space<vmem_shared>>) target_semaphore(%run_scoped3A : memref<!tpu.dma_semaphore, #tpu.memory_space<semaphore_mem>>)
      %dma_wait3A_76 = arith.constant 0 : i32
      %dma_wait3A_77 = tpu.memref_slice %arg12[%add3A_18, %dma_wait3A_76] : memref<10240x128xf32, #tpu.memory_space<vmem_shared>> -> memref<128x128xf32, #tpu.memory_space<vmem_shared>>
      %dma_wait3A_78 = arith.constant 0 : i32
      %dma_wait3A_79 = tpu.memref_slice %arg12[%add3A_18, %dma_wait3A_78] : memref<10240x128xf32, #tpu.memory_space<vmem_shared>> -> memref<128x128xf32, #tpu.memory_space<vmem_shared>>
      tpu.wait_dma2 semaphore(%run_scoped3A : memref<!tpu.dma_semaphore, #tpu.memory_space<semaphore_mem>>) src(%arg10 : memref<128x128xf32, #tpu.memory_space<vmem>>) dst(%dma_wait3A_79 : memref<128x128xf32, #tpu.memory_space<vmem_shared>>)
      tpu.yield
    }) : () -> ()
    %mul3A_19 = arith.constant 640 : i32
    %mul3A_20 = arith.muli %arg1, %mul3A_19 : i32
    %add3A_21 = arith.constant 384 : i32
    %add3A_22 = arith.addi %mul3A_20, %add3A_21 : i32
    "tpu.region"() ({
      %run_scoped3A = tpu.sem_alloc : memref<!tpu.dma_semaphore, #tpu.memory_space<semaphore_mem>>
      %dma_start3A_72 = arith.constant 0 : i32
      %dma_start3A_73 = tpu.memref_slice %arg12[%add3A_22, %dma_start3A_72] : memref<10240x128xf32, #tpu.memory_space<vmem_shared>> -> memref<128x128xf32, #tpu.memory_space<vmem_shared>>
      %dma_start3A_74 = arith.constant 0 : i32
      %dma_start3A_75 = tpu.memref_slice %arg12[%add3A_22, %dma_start3A_74] : memref<10240x128xf32, #tpu.memory_space<vmem_shared>> -> memref<128x128xf32, #tpu.memory_space<vmem_shared>>
      tpu.enqueue_dma source(%arg10 : memref<128x128xf32, #tpu.memory_space<vmem>>) target(%dma_start3A_75 : memref<128x128xf32, #tpu.memory_space<vmem_shared>>) target_semaphore(%run_scoped3A : memref<!tpu.dma_semaphore, #tpu.memory_space<semaphore_mem>>)
      %dma_wait3A_76 = arith.constant 0 : i32
      %dma_wait3A_77 = tpu.memref_slice %arg12[%add3A_22, %dma_wait3A_76] : memref<10240x128xf32, #tpu.memory_space<vmem_shared>> -> memref<128x128xf32, #tpu.memory_space<vmem_shared>>
      %dma_wait3A_78 = arith.constant 0 : i32
      %dma_wait3A_79 = tpu.memref_slice %arg12[%add3A_22, %dma_wait3A_78] : memref<10240x128xf32, #tpu.memory_space<vmem_shared>> -> memref<128x128xf32, #tpu.memory_space<vmem_shared>>
      tpu.wait_dma2 semaphore(%run_scoped3A : memref<!tpu.dma_semaphore, #tpu.memory_space<semaphore_mem>>) src(%arg10 : memref<128x128xf32, #tpu.memory_space<vmem>>) dst(%dma_wait3A_79 : memref<128x128xf32, #tpu.memory_space<vmem_shared>>)
      tpu.yield
    }) : () -> ()
    %mul3A_23 = arith.constant 640 : i32
    %mul3A_24 = arith.muli %arg1, %mul3A_23 : i32
    %add3A_25 = arith.constant 512 : i32
    %add3A_26 = arith.addi %mul3A_24, %add3A_25 : i32
    "tpu.region"() ({
      %run_scoped3A = tpu.sem_alloc : memref<!tpu.dma_semaphore, #tpu.memory_space<semaphore_mem>>
      %dma_start3A_72 = arith.constant 0 : i32
      %dma_start3A_73 = tpu.memref_slice %arg12[%add3A_26, %dma_start3A_72] : memref<10240x128xf32, #tpu.memory_space<vmem_shared>> -> memref<128x128xf32, #tpu.memory_space<vmem_shared>>
      %dma_start3A_74 = arith.constant 0 : i32
      %dma_start3A_75 = tpu.memref_slice %arg12[%add3A_26, %dma_start3A_74] : memref<10240x128xf32, #tpu.memory_space<vmem_shared>> -> memref<128x128xf32, #tpu.memory_space<vmem_shared>>
      tpu.enqueue_dma source(%arg10 : memref<128x128xf32, #tpu.memory_space<vmem>>) target(%dma_start3A_75 : memref<128x128xf32, #tpu.memory_space<vmem_shared>>) target_semaphore(%run_scoped3A : memref<!tpu.dma_semaphore, #tpu.memory_space<semaphore_mem>>)
      %dma_wait3A_76 = arith.constant 0 : i32
      %dma_wait3A_77 = tpu.memref_slice %arg12[%add3A_26, %dma_wait3A_76] : memref<10240x128xf32, #tpu.memory_space<vmem_shared>> -> memref<128x128xf32, #tpu.memory_space<vmem_shared>>
      %dma_wait3A_78 = arith.constant 0 : i32
      %dma_wait3A_79 = tpu.memref_slice %arg12[%add3A_26, %dma_wait3A_78] : memref<10240x128xf32, #tpu.memory_space<vmem_shared>> -> memref<128x128xf32, #tpu.memory_space<vmem_shared>>
      tpu.wait_dma2 semaphore(%run_scoped3A : memref<!tpu.dma_semaphore, #tpu.memory_space<semaphore_mem>>) src(%arg10 : memref<128x128xf32, #tpu.memory_space<vmem>>) dst(%dma_wait3A_79 : memref<128x128xf32, #tpu.memory_space<vmem_shared>>)
      tpu.yield
    }) : () -> ()
    %barrier3A = arith.constant 0 : index
    tpu.barrier barrier_id(%barrier3A)
    %eq3A = arith.constant 0 : i32
    %eq3A_27 = arith.cmpi eq, %arg0, %eq3A : i32
    %mul3A_28 = arith.constant 80 : i32
    %mul3A_29 = arith.muli %arg1, %mul3A_28 : i32
    %mul3A_30 = arith.constant 80 : i32
    %mul3A_31 = arith.muli %arg1, %mul3A_30 : i32
    %add3A_32 = arith.constant 1280 : i32
    %add3A_33 = arith.addi %add3A_32, %mul3A_31 : i32
    %select_n3A = arith.select %eq3A_27, %mul3A_29, %add3A_33 : i32
    %eq3A_34 = arith.constant 0 : i32
    %eq3A_35 = arith.cmpi eq, %arg0, %eq3A_34 : i32
    %jit3A = arith.constant 80 : i32
    %jit3A_36 = arith.constant 80 : i32
    %select_n3A_37 = arith.select %eq3A_35, %jit3A, %jit3A_36 : i32
    "tpu.region"() ({
      %run_scoped3A = tpu.sem_alloc : memref<!tpu.dma_semaphore, #tpu.memory_space<semaphore_mem>>
      %dma_start3A_72 = arith.constant 0 : i32
      %dma_start3A_73 = tpu.memref_slice %arg3[%select_n3A, %dma_start3A_72] : memref<2560x128xi32, #tpu.memory_space<hbm>> -> memref<1x128xi32, #tpu.memory_space<hbm>>
      %dma_start3A_74 = tpu.memref_squeeze %dma_start3A_73 : memref<1x128xi32, #tpu.memory_space<hbm>> -> memref<128xi32, #tpu.memory_space<hbm>>
      %dma_start3A_75 = arith.constant 0 : i32
      %dma_start3A_76 = tpu.memref_slice %arg3[%select_n3A, %dma_start3A_75] : memref<2560x128xi32, #tpu.memory_space<hbm>> -> memref<1x128xi32, #tpu.memory_space<hbm>>
      %dma_start3A_77 = tpu.memref_squeeze %dma_start3A_76 : memref<1x128xi32, #tpu.memory_space<hbm>> -> memref<128xi32, #tpu.memory_space<hbm>>
      tpu.enqueue_dma source(%dma_start3A_77 : memref<128xi32, #tpu.memory_space<hbm>>) target(%arg6 : memref<128xi32, #tpu.memory_space<vmem>>) target_semaphore(%run_scoped3A : memref<!tpu.dma_semaphore, #tpu.memory_space<semaphore_mem>>)
      %dma_wait3A_78 = arith.constant 0 : i32
      %dma_wait3A_79 = tpu.memref_slice %arg3[%select_n3A, %dma_wait3A_78] : memref<2560x128xi32, #tpu.memory_space<hbm>> -> memref<1x128xi32, #tpu.memory_space<hbm>>
      %dma_wait3A_80 = tpu.memref_squeeze %dma_wait3A_79 : memref<1x128xi32, #tpu.memory_space<hbm>> -> memref<128xi32, #tpu.memory_space<hbm>>
      %dma_wait3A_81 = arith.constant 0 : i32
      %dma_wait3A_82 = tpu.memref_slice %arg3[%select_n3A, %dma_wait3A_81] : memref<2560x128xi32, #tpu.memory_space<hbm>> -> memref<1x128xi32, #tpu.memory_space<hbm>>
      %dma_wait3A_83 = tpu.memref_squeeze %dma_wait3A_82 : memref<1x128xi32, #tpu.memory_space<hbm>> -> memref<128xi32, #tpu.memory_space<hbm>>
      tpu.wait_dma2 semaphore(%run_scoped3A : memref<!tpu.dma_semaphore, #tpu.memory_space<semaphore_mem>>) src(%dma_wait3A_83 : memref<128xi32, #tpu.memory_space<hbm>>) dst(%arg6 : memref<128xi32, #tpu.memory_space<vmem>>)
      tpu.yield
    }) : () -> ()
    "tpu.region"() ({
      %run_scoped3A = tpu.sem_alloc : memref<!tpu.dma_semaphore, #tpu.memory_space<semaphore_mem>>
      %dma_start3A_72 = arith.constant 0 : i32
      %dma_start3A_73 = tpu.memref_slice %arg4[%select_n3A, %dma_start3A_72] : memref<2560x128xi32, #tpu.memory_space<hbm>> -> memref<1x128xi32, #tpu.memory_space<hbm>>
      %dma_start3A_74 = tpu.memref_squeeze %dma_start3A_73 : memref<1x128xi32, #tpu.memory_space<hbm>> -> memref<128xi32, #tpu.memory_space<hbm>>
      %dma_start3A_75 = arith.constant 0 : i32
      %dma_start3A_76 = tpu.memref_slice %arg4[%select_n3A, %dma_start3A_75] : memref<2560x128xi32, #tpu.memory_space<hbm>> -> memref<1x128xi32, #tpu.memory_space<hbm>>
      %dma_start3A_77 = tpu.memref_squeeze %dma_start3A_76 : memref<1x128xi32, #tpu.memory_space<hbm>> -> memref<128xi32, #tpu.memory_space<hbm>>
      tpu.enqueue_dma source(%dma_start3A_77 : memref<128xi32, #tpu.memory_space<hbm>>) target(%arg8 : memref<128xi32, #tpu.memory_space<vmem>>) target_semaphore(%run_scoped3A : memref<!tpu.dma_semaphore, #tpu.memory_space<semaphore_mem>>)
      %dma_wait3A_78 = arith.constant 0 : i32
      %dma_wait3A_79 = tpu.memref_slice %arg4[%select_n3A, %dma_wait3A_78] : memref<2560x128xi32, #tpu.memory_space<hbm>> -> memref<1x128xi32, #tpu.memory_space<hbm>>
      %dma_wait3A_80 = tpu.memref_squeeze %dma_wait3A_79 : memref<1x128xi32, #tpu.memory_space<hbm>> -> memref<128xi32, #tpu.memory_space<hbm>>
      %dma_wait3A_81 = arith.constant 0 : i32
      %dma_wait3A_82 = tpu.memref_slice %arg4[%select_n3A, %dma_wait3A_81] : memref<2560x128xi32, #tpu.memory_space<hbm>> -> memref<1x128xi32, #tpu.memory_space<hbm>>
      %dma_wait3A_83 = tpu.memref_squeeze %dma_wait3A_82 : memref<1x128xi32, #tpu.memory_space<hbm>> -> memref<128xi32, #tpu.memory_space<hbm>>
      tpu.wait_dma2 semaphore(%run_scoped3A : memref<!tpu.dma_semaphore, #tpu.memory_space<semaphore_mem>>) src(%dma_wait3A_83 : memref<128xi32, #tpu.memory_space<hbm>>) dst(%arg8 : memref<128xi32, #tpu.memory_space<vmem>>)
      tpu.yield
    }) : () -> ()
    %dma_start3A = arith.constant 0 : i32
    %dma_start3A_38 = arith.constant 0 : i32
    %dma_start3A_39 = tpu.memref_slice %arg2[%dma_start3A, %dma_start3A_38] : memref<10240x128xf32, #tpu.memory_space<hbm>> -> memref<10240x128xf32, #tpu.memory_space<hbm>>
    tpu.enqueue_indirect_dma source(%dma_start3A_39 : memref<10240x128xf32, #tpu.memory_space<hbm>>) target(%arg10 : memref<128x128xf32, #tpu.memory_space<vmem>>) offsets(%arg6 : memref<128xi32, #tpu.memory_space<vmem>>) semaphore(%arg14 : memref<!tpu.dma_semaphore, #tpu.memory_space<semaphore_mem>>)
    %jit3A_40 = arith.constant 2 : i32
    %div3A = arith.divsi %select_n3A_37, %jit3A_40 : i32
    %sign3A = arith.constant 0 : i32
    %sign3A_41 = arith.cmpi sgt, %select_n3A_37, %sign3A : i32
    %sign3A_42 = arith.extui %sign3A_41 : i1 to i32
    %sign3A_43 = arith.constant 0 : i32
    %sign3A_44 = arith.cmpi slt, %select_n3A_37, %sign3A_43 : i32
    %sign3A_45 = arith.extui %sign3A_44 : i1 to i32
    %sign3A_46 = arith.subi %sign3A_42, %sign3A_45 : i32
    %sign3A_47 = arith.constant 0 : i32
    %sign3A_48 = arith.cmpi sgt, %jit3A_40, %sign3A_47 : i32
    %sign3A_49 = arith.extui %sign3A_48 : i1 to i32
    %sign3A_50 = arith.constant 0 : i32
    %sign3A_51 = arith.cmpi slt, %jit3A_40, %sign3A_50 : i32
    %sign3A_52 = arith.extui %sign3A_51 : i1 to i32
    %sign3A_53 = arith.subi %sign3A_49, %sign3A_52 : i32
    %ne3A = arith.cmpi ne, %sign3A_46, %sign3A_53 : i32
    %rem3A = arith.remsi %select_n3A_37, %jit3A_40 : i32
    %ne3A_54 = arith.constant 0 : i32
    %ne3A_55 = arith.cmpi ne, %rem3A, %ne3A_54 : i32
    %and3A = arith.andi %ne3A, %ne3A_55 : i1
    %sub3A = arith.constant 1 : i32
    %sub3A_56 = arith.subi %div3A, %sub3A : i32
    %select_n3A_57 = arith.select %and3A, %sub3A_56, %div3A : i32
    %while3A = arith.constant 0 : i32
    %while3A_58 = arith.constant 0 : i32
    %while3A_59 = arith.subi %select_n3A_57, %while3A_58 : i32
    %while3A_60 = arith.addi %while3A_58, %while3A_59 : i32
    %while3A_61 = arith.constant 1 : i32
    %while3A_62 = arith.divsi %while3A_59, %while3A_61 : i32
    %while3A_63 = arith.muli %while3A_62, %while3A_61 : i32
    %while3A_64 = arith.addi %while3A_58, %while3A_63 : i32
    %while3A_65 = arith.constant 1 : i32
    scf.for %while3A_72 = %while3A_58 to %while3A_64 step %while3A_65  : i32 {
      %mul3A_73 = arith.constant 2 : i32
      %mul3A_74 = arith.muli %while3A_72, %mul3A_73 : i32
      %add3A_75 = arith.addi %select_n3A, %mul3A_74 : i32
      %add3A_76 = arith.constant 1 : i32
      %add3A_77 = arith.addi %add3A_75, %add3A_76 : i32
      %dma_start3A_78 = arith.constant 0 : i32
      %dma_start3A_79 = tpu.memref_slice %arg3[%add3A_77, %dma_start3A_78] : memref<2560x128xi32, #tpu.memory_space<hbm>> -> memref<1x128xi32, #tpu.memory_space<hbm>>
      %dma_start3A_80 = tpu.memref_squeeze %dma_start3A_79 : memref<1x128xi32, #tpu.memory_space<hbm>> -> memref<128xi32, #tpu.memory_space<hbm>>
      %dma_start3A_81 = arith.constant 0 : i32
      %dma_start3A_82 = tpu.memref_slice %arg3[%add3A_77, %dma_start3A_81] : memref<2560x128xi32, #tpu.memory_space<hbm>> -> memref<1x128xi32, #tpu.memory_space<hbm>>
      %dma_start3A_83 = tpu.memref_squeeze %dma_start3A_82 : memref<1x128xi32, #tpu.memory_space<hbm>> -> memref<128xi32, #tpu.memory_space<hbm>>
      tpu.enqueue_dma source(%dma_start3A_83 : memref<128xi32, #tpu.memory_space<hbm>>) target(%arg7 : memref<128xi32, #tpu.memory_space<vmem>>) target_semaphore(%arg13 : memref<!tpu.dma_semaphore, #tpu.memory_space<semaphore_mem>>)
      %add3A_84 = arith.addi %select_n3A, %mul3A_74 : i32
      %add3A_85 = arith.constant 1 : i32
      %add3A_86 = arith.addi %add3A_84, %add3A_85 : i32
      %dma_start3A_87 = arith.constant 0 : i32
      %dma_start3A_88 = tpu.memref_slice %arg4[%add3A_86, %dma_start3A_87] : memref<2560x128xi32, #tpu.memory_space<hbm>> -> memref<1x128xi32, #tpu.memory_space<hbm>>
      %dma_start3A_89 = tpu.memref_squeeze %dma_start3A_88 : memref<1x128xi32, #tpu.memory_space<hbm>> -> memref<128xi32, #tpu.memory_space<hbm>>
      %dma_start3A_90 = arith.constant 0 : i32
      %dma_start3A_91 = tpu.memref_slice %arg4[%add3A_86, %dma_start3A_90] : memref<2560x128xi32, #tpu.memory_space<hbm>> -> memref<1x128xi32, #tpu.memory_space<hbm>>
      %dma_start3A_92 = tpu.memref_squeeze %dma_start3A_91 : memref<1x128xi32, #tpu.memory_space<hbm>> -> memref<128xi32, #tpu.memory_space<hbm>>
      tpu.enqueue_dma source(%dma_start3A_92 : memref<128xi32, #tpu.memory_space<hbm>>) target(%arg9 : memref<128xi32, #tpu.memory_space<vmem>>) target_semaphore(%arg13 : memref<!tpu.dma_semaphore, #tpu.memory_space<semaphore_mem>>)
      %dma_wait3A_93 = arith.constant 0 : i32
      %dma_wait3A_94 = tpu.memref_slice %arg3[%add3A_77, %dma_wait3A_93] : memref<2560x128xi32, #tpu.memory_space<hbm>> -> memref<1x128xi32, #tpu.memory_space<hbm>>
      %dma_wait3A_95 = tpu.memref_squeeze %dma_wait3A_94 : memref<1x128xi32, #tpu.memory_space<hbm>> -> memref<128xi32, #tpu.memory_space<hbm>>
      %dma_wait3A_96 = arith.constant 0 : i32
      %dma_wait3A_97 = tpu.memref_slice %arg3[%add3A_77, %dma_wait3A_96] : memref<2560x128xi32, #tpu.memory_space<hbm>> -> memref<1x128xi32, #tpu.memory_space<hbm>>
      %dma_wait3A_98 = tpu.memref_squeeze %dma_wait3A_97 : memref<1x128xi32, #tpu.memory_space<hbm>> -> memref<128xi32, #tpu.memory_space<hbm>>
      tpu.wait_dma2 semaphore(%arg13 : memref<!tpu.dma_semaphore, #tpu.memory_space<semaphore_mem>>) src(%dma_wait3A_98 : memref<128xi32, #tpu.memory_space<hbm>>) dst(%arg7 : memref<128xi32, #tpu.memory_space<vmem>>)
      %dma_wait3A_99 = arith.constant 0 : i32
      %dma_wait3A_100 = tpu.memref_slice %arg4[%add3A_86, %dma_wait3A_99] : memref<2560x128xi32, #tpu.memory_space<hbm>> -> memref<1x128xi32, #tpu.memory_space<hbm>>
      %dma_wait3A_101 = tpu.memref_squeeze %dma_wait3A_100 : memref<1x128xi32, #tpu.memory_space<hbm>> -> memref<128xi32, #tpu.memory_space<hbm>>
      %dma_wait3A_102 = arith.constant 0 : i32
      %dma_wait3A_103 = tpu.memref_slice %arg4[%add3A_86, %dma_wait3A_102] : memref<2560x128xi32, #tpu.memory_space<hbm>> -> memref<1x128xi32, #tpu.memory_space<hbm>>
      %dma_wait3A_104 = tpu.memref_squeeze %dma_wait3A_103 : memref<1x128xi32, #tpu.memory_space<hbm>> -> memref<128xi32, #tpu.memory_space<hbm>>
      tpu.wait_dma2 semaphore(%arg13 : memref<!tpu.dma_semaphore, #tpu.memory_space<semaphore_mem>>) src(%dma_wait3A_104 : memref<128xi32, #tpu.memory_space<hbm>>) dst(%arg9 : memref<128xi32, #tpu.memory_space<vmem>>)
      %dma_start3A_105 = arith.constant 0 : i32
      %dma_start3A_106 = arith.constant 0 : i32
      %dma_start3A_107 = tpu.memref_slice %arg2[%dma_start3A_105, %dma_start3A_106] : memref<10240x128xf32, #tpu.memory_space<hbm>> -> memref<10240x128xf32, #tpu.memory_space<hbm>>
      tpu.enqueue_indirect_dma source(%dma_start3A_107 : memref<10240x128xf32, #tpu.memory_space<hbm>>) target(%arg11 : memref<128x128xf32, #tpu.memory_space<vmem>>) offsets(%arg7 : memref<128xi32, #tpu.memory_space<vmem>>) semaphore(%arg15 : memref<!tpu.dma_semaphore, #tpu.memory_space<semaphore_mem>>)
      %dma_wait3A_108 = arith.constant 0 : i32
      %dma_wait3A_109 = arith.constant 0 : i32
      %dma_wait3A_110 = tpu.memref_slice %arg2[%dma_wait3A_108, %dma_wait3A_109] : memref<10240x128xf32, #tpu.memory_space<hbm>> -> memref<10240x128xf32, #tpu.memory_space<hbm>>
      tpu.wait_indirect_dma semaphore(%arg14 : memref<!tpu.dma_semaphore, #tpu.memory_space<semaphore_mem>>) src(%dma_wait3A_110 : memref<10240x128xf32, #tpu.memory_space<hbm>>) dst(%arg10 : memref<128x128xf32, #tpu.memory_space<vmem>>)
      "tpu.region"() ({
        %run_scoped3A = tpu.sem_alloc : memref<!tpu.dma_semaphore, #tpu.memory_space<semaphore_mem>>
        %dma_start3A_147 = arith.constant 0 : i32
        %dma_start3A_148 = arith.constant 0 : i32
        %dma_start3A_149 = tpu.memref_slice %arg12[%dma_start3A_147, %dma_start3A_148] : memref<10240x128xf32, #tpu.memory_space<vmem_shared>> -> memref<10240x128xf32, #tpu.memory_space<vmem_shared>>
        tpu.enqueue_indirect_dma source(%arg10 : memref<128x128xf32, #tpu.memory_space<vmem>>) target(%dma_start3A_149 : memref<10240x128xf32, #tpu.memory_space<vmem_shared>>) offsets(%arg8 : memref<128xi32, #tpu.memory_space<vmem>>) semaphore(%run_scoped3A : memref<!tpu.dma_semaphore, #tpu.memory_space<semaphore_mem>>) {add = true}
        %dma_wait3A_150 = arith.constant 0 : i32
        %dma_wait3A_151 = arith.constant 0 : i32
        %dma_wait3A_152 = tpu.memref_slice %arg12[%dma_wait3A_150, %dma_wait3A_151] : memref<10240x128xf32, #tpu.memory_space<vmem_shared>> -> memref<10240x128xf32, #tpu.memory_space<vmem_shared>>
        tpu.wait_indirect_dma semaphore(%run_scoped3A : memref<!tpu.dma_semaphore, #tpu.memory_space<semaphore_mem>>) src(%arg10 : memref<128x128xf32, #tpu.memory_space<vmem>>) dst(%dma_wait3A_152 : memref<10240x128xf32, #tpu.memory_space<vmem_shared>>)
        tpu.yield
      }) : () -> ()
      %add3A_111 = arith.constant 2 : i32
      %add3A_112 = arith.addi %mul3A_74, %add3A_111 : i32
      %sub3A_113 = arith.constant 1 : i32
      %sub3A_114 = arith.subi %select_n3A_37, %sub3A_113 : i32
      %min3A = arith.minsi %add3A_112, %sub3A_114 : i32
      %add3A_115 = arith.addi %select_n3A, %min3A : i32
      %dma_start3A_116 = arith.constant 0 : i32
      %dma_start3A_117 = tpu.memref_slice %arg3[%add3A_115, %dma_start3A_116] : memref<2560x128xi32, #tpu.memory_space<hbm>> -> memref<1x128xi32, #tpu.memory_space<hbm>>
      %dma_start3A_118 = tpu.memref_squeeze %dma_start3A_117 : memref<1x128xi32, #tpu.memory_space<hbm>> -> memref<128xi32, #tpu.memory_space<hbm>>
      %dma_start3A_119 = arith.constant 0 : i32
      %dma_start3A_120 = tpu.memref_slice %arg3[%add3A_115, %dma_start3A_119] : memref<2560x128xi32, #tpu.memory_space<hbm>> -> memref<1x128xi32, #tpu.memory_space<hbm>>
      %dma_start3A_121 = tpu.memref_squeeze %dma_start3A_120 : memref<1x128xi32, #tpu.memory_space<hbm>> -> memref<128xi32, #tpu.memory_space<hbm>>
      tpu.enqueue_dma source(%dma_start3A_121 : memref<128xi32, #tpu.memory_space<hbm>>) target(%arg6 : memref<128xi32, #tpu.memory_space<vmem>>) target_semaphore(%arg13 : memref<!tpu.dma_semaphore, #tpu.memory_space<semaphore_mem>>)
      %add3A_122 = arith.addi %select_n3A, %min3A : i32
      %dma_start3A_123 = arith.constant 0 : i32
      %dma_start3A_124 = tpu.memref_slice %arg4[%add3A_122, %dma_start3A_123] : memref<2560x128xi32, #tpu.memory_space<hbm>> -> memref<1x128xi32, #tpu.memory_space<hbm>>
      %dma_start3A_125 = tpu.memref_squeeze %dma_start3A_124 : memref<1x128xi32, #tpu.memory_space<hbm>> -> memref<128xi32, #tpu.memory_space<hbm>>
      %dma_start3A_126 = arith.constant 0 : i32
      %dma_start3A_127 = tpu.memref_slice %arg4[%add3A_122, %dma_start3A_126] : memref<2560x128xi32, #tpu.memory_space<hbm>> -> memref<1x128xi32, #tpu.memory_space<hbm>>
      %dma_start3A_128 = tpu.memref_squeeze %dma_start3A_127 : memref<1x128xi32, #tpu.memory_space<hbm>> -> memref<128xi32, #tpu.memory_space<hbm>>
      tpu.enqueue_dma source(%dma_start3A_128 : memref<128xi32, #tpu.memory_space<hbm>>) target(%arg8 : memref<128xi32, #tpu.memory_space<vmem>>) target_semaphore(%arg13 : memref<!tpu.dma_semaphore, #tpu.memory_space<semaphore_mem>>)
      %dma_wait3A_129 = arith.constant 0 : i32
      %dma_wait3A_130 = tpu.memref_slice %arg3[%add3A_115, %dma_wait3A_129] : memref<2560x128xi32, #tpu.memory_space<hbm>> -> memref<1x128xi32, #tpu.memory_space<hbm>>
      %dma_wait3A_131 = tpu.memref_squeeze %dma_wait3A_130 : memref<1x128xi32, #tpu.memory_space<hbm>> -> memref<128xi32, #tpu.memory_space<hbm>>
      %dma_wait3A_132 = arith.constant 0 : i32
      %dma_wait3A_133 = tpu.memref_slice %arg3[%add3A_115, %dma_wait3A_132] : memref<2560x128xi32, #tpu.memory_space<hbm>> -> memref<1x128xi32, #tpu.memory_space<hbm>>
      %dma_wait3A_134 = tpu.memref_squeeze %dma_wait3A_133 : memref<1x128xi32, #tpu.memory_space<hbm>> -> memref<128xi32, #tpu.memory_space<hbm>>
      tpu.wait_dma2 semaphore(%arg13 : memref<!tpu.dma_semaphore, #tpu.memory_space<semaphore_mem>>) src(%dma_wait3A_134 : memref<128xi32, #tpu.memory_space<hbm>>) dst(%arg6 : memref<128xi32, #tpu.memory_space<vmem>>)
      %dma_wait3A_135 = arith.constant 0 : i32
      %dma_wait3A_136 = tpu.memref_slice %arg4[%add3A_122, %dma_wait3A_135] : memref<2560x128xi32, #tpu.memory_space<hbm>> -> memref<1x128xi32, #tpu.memory_space<hbm>>
      %dma_wait3A_137 = tpu.memref_squeeze %dma_wait3A_136 : memref<1x128xi32, #tpu.memory_space<hbm>> -> memref<128xi32, #tpu.memory_space<hbm>>
      %dma_wait3A_138 = arith.constant 0 : i32
      %dma_wait3A_139 = tpu.memref_slice %arg4[%add3A_122, %dma_wait3A_138] : memref<2560x128xi32, #tpu.memory_space<hbm>> -> memref<1x128xi32, #tpu.memory_space<hbm>>
      %dma_wait3A_140 = tpu.memref_squeeze %dma_wait3A_139 : memref<1x128xi32, #tpu.memory_space<hbm>> -> memref<128xi32, #tpu.memory_space<hbm>>
      tpu.wait_dma2 semaphore(%arg13 : memref<!tpu.dma_semaphore, #tpu.memory_space<semaphore_mem>>) src(%dma_wait3A_140 : memref<128xi32, #tpu.memory_space<hbm>>) dst(%arg8 : memref<128xi32, #tpu.memory_space<vmem>>)
      %dma_start3A_141 = arith.constant 0 : i32
      %dma_start3A_142 = arith.constant 0 : i32
      %dma_start3A_143 = tpu.memref_slice %arg2[%dma_start3A_141, %dma_start3A_142] : memref<10240x128xf32, #tpu.memory_space<hbm>> -> memref<10240x128xf32, #tpu.memory_space<hbm>>
      tpu.enqueue_indirect_dma source(%dma_start3A_143 : memref<10240x128xf32, #tpu.memory_space<hbm>>) target(%arg10 : memref<128x128xf32, #tpu.memory_space<vmem>>) offsets(%arg6 : memref<128xi32, #tpu.memory_space<vmem>>) semaphore(%arg14 : memref<!tpu.dma_semaphore, #tpu.memory_space<semaphore_mem>>)
      %dma_wait3A_144 = arith.constant 0 : i32
      %dma_wait3A_145 = arith.constant 0 : i32
      %dma_wait3A_146 = tpu.memref_slice %arg2[%dma_wait3A_144, %dma_wait3A_145] : memref<10240x128xf32, #tpu.memory_space<hbm>> -> memref<10240x128xf32, #tpu.memory_space<hbm>>
      tpu.wait_indirect_dma semaphore(%arg15 : memref<!tpu.dma_semaphore, #tpu.memory_space<semaphore_mem>>) src(%dma_wait3A_146 : memref<10240x128xf32, #tpu.memory_space<hbm>>) dst(%arg11 : memref<128x128xf32, #tpu.memory_space<vmem>>)
      "tpu.region"() ({
        %run_scoped3A = tpu.sem_alloc : memref<!tpu.dma_semaphore, #tpu.memory_space<semaphore_mem>>
        %dma_start3A_147 = arith.constant 0 : i32
        %dma_start3A_148 = arith.constant 0 : i32
        %dma_start3A_149 = tpu.memref_slice %arg12[%dma_start3A_147, %dma_start3A_148] : memref<10240x128xf32, #tpu.memory_space<vmem_shared>> -> memref<10240x128xf32, #tpu.memory_space<vmem_shared>>
        tpu.enqueue_indirect_dma source(%arg11 : memref<128x128xf32, #tpu.memory_space<vmem>>) target(%dma_start3A_149 : memref<10240x128xf32, #tpu.memory_space<vmem_shared>>) offsets(%arg9 : memref<128xi32, #tpu.memory_space<vmem>>) semaphore(%run_scoped3A : memref<!tpu.dma_semaphore, #tpu.memory_space<semaphore_mem>>) {add = true}
        %dma_wait3A_150 = arith.constant 0 : i32
        %dma_wait3A_151 = arith.constant 0 : i32
        %dma_wait3A_152 = tpu.memref_slice %arg12[%dma_wait3A_150, %dma_wait3A_151] : memref<10240x128xf32, #tpu.memory_space<vmem_shared>> -> memref<10240x128xf32, #tpu.memory_space<vmem_shared>>
        tpu.wait_indirect_dma semaphore(%run_scoped3A : memref<!tpu.dma_semaphore, #tpu.memory_space<semaphore_mem>>) src(%arg11 : memref<128x128xf32, #tpu.memory_space<vmem>>) dst(%dma_wait3A_152 : memref<10240x128xf32, #tpu.memory_space<vmem_shared>>)
        tpu.yield
      }) : () -> ()
    }
    %while3A_66 = arith.constant 1 : i32
    scf.for %while3A_72 = %while3A_64 to %while3A_60 step %while3A_66  : i32 {
      %mul3A_73 = arith.constant 2 : i32
      %mul3A_74 = arith.muli %while3A_72, %mul3A_73 : i32
      %add3A_75 = arith.addi %select_n3A, %mul3A_74 : i32
      %add3A_76 = arith.constant 1 : i32
      %add3A_77 = arith.addi %add3A_75, %add3A_76 : i32
      %dma_start3A_78 = arith.constant 0 : i32
      %dma_start3A_79 = tpu.memref_slice %arg3[%add3A_77, %dma_start3A_78] : memref<2560x128xi32, #tpu.memory_space<hbm>> -> memref<1x128xi32, #tpu.memory_space<hbm>>
      %dma_start3A_80 = tpu.memref_squeeze %dma_start3A_79 : memref<1x128xi32, #tpu.memory_space<hbm>> -> memref<128xi32, #tpu.memory_space<hbm>>
      %dma_start3A_81 = arith.constant 0 : i32
      %dma_start3A_82 = tpu.memref_slice %arg3[%add3A_77, %dma_start3A_81] : memref<2560x128xi32, #tpu.memory_space<hbm>> -> memref<1x128xi32, #tpu.memory_space<hbm>>
      %dma_start3A_83 = tpu.memref_squeeze %dma_start3A_82 : memref<1x128xi32, #tpu.memory_space<hbm>> -> memref<128xi32, #tpu.memory_space<hbm>>
      tpu.enqueue_dma source(%dma_start3A_83 : memref<128xi32, #tpu.memory_space<hbm>>) target(%arg7 : memref<128xi32, #tpu.memory_space<vmem>>) target_semaphore(%arg13 : memref<!tpu.dma_semaphore, #tpu.memory_space<semaphore_mem>>)
      %add3A_84 = arith.addi %select_n3A, %mul3A_74 : i32
      %add3A_85 = arith.constant 1 : i32
      %add3A_86 = arith.addi %add3A_84, %add3A_85 : i32
      %dma_start3A_87 = arith.constant 0 : i32
      %dma_start3A_88 = tpu.memref_slice %arg4[%add3A_86, %dma_start3A_87] : memref<2560x128xi32, #tpu.memory_space<hbm>> -> memref<1x128xi32, #tpu.memory_space<hbm>>
      %dma_start3A_89 = tpu.memref_squeeze %dma_start3A_88 : memref<1x128xi32, #tpu.memory_space<hbm>> -> memref<128xi32, #tpu.memory_space<hbm>>
      %dma_start3A_90 = arith.constant 0 : i32
      %dma_start3A_91 = tpu.memref_slice %arg4[%add3A_86, %dma_start3A_90] : memref<2560x128xi32, #tpu.memory_space<hbm>> -> memref<1x128xi32, #tpu.memory_space<hbm>>
      %dma_start3A_92 = tpu.memref_squeeze %dma_start3A_91 : memref<1x128xi32, #tpu.memory_space<hbm>> -> memref<128xi32, #tpu.memory_space<hbm>>
      tpu.enqueue_dma source(%dma_start3A_92 : memref<128xi32, #tpu.memory_space<hbm>>) target(%arg9 : memref<128xi32, #tpu.memory_space<vmem>>) target_semaphore(%arg13 : memref<!tpu.dma_semaphore, #tpu.memory_space<semaphore_mem>>)
      %dma_wait3A_93 = arith.constant 0 : i32
      %dma_wait3A_94 = tpu.memref_slice %arg3[%add3A_77, %dma_wait3A_93] : memref<2560x128xi32, #tpu.memory_space<hbm>> -> memref<1x128xi32, #tpu.memory_space<hbm>>
      %dma_wait3A_95 = tpu.memref_squeeze %dma_wait3A_94 : memref<1x128xi32, #tpu.memory_space<hbm>> -> memref<128xi32, #tpu.memory_space<hbm>>
      %dma_wait3A_96 = arith.constant 0 : i32
      %dma_wait3A_97 = tpu.memref_slice %arg3[%add3A_77, %dma_wait3A_96] : memref<2560x128xi32, #tpu.memory_space<hbm>> -> memref<1x128xi32, #tpu.memory_space<hbm>>
      %dma_wait3A_98 = tpu.memref_squeeze %dma_wait3A_97 : memref<1x128xi32, #tpu.memory_space<hbm>> -> memref<128xi32, #tpu.memory_space<hbm>>
      tpu.wait_dma2 semaphore(%arg13 : memref<!tpu.dma_semaphore, #tpu.memory_space<semaphore_mem>>) src(%dma_wait3A_98 : memref<128xi32, #tpu.memory_space<hbm>>) dst(%arg7 : memref<128xi32, #tpu.memory_space<vmem>>)
      %dma_wait3A_99 = arith.constant 0 : i32
      %dma_wait3A_100 = tpu.memref_slice %arg4[%add3A_86, %dma_wait3A_99] : memref<2560x128xi32, #tpu.memory_space<hbm>> -> memref<1x128xi32, #tpu.memory_space<hbm>>
      %dma_wait3A_101 = tpu.memref_squeeze %dma_wait3A_100 : memref<1x128xi32, #tpu.memory_space<hbm>> -> memref<128xi32, #tpu.memory_space<hbm>>
      %dma_wait3A_102 = arith.constant 0 : i32
      %dma_wait3A_103 = tpu.memref_slice %arg4[%add3A_86, %dma_wait3A_102] : memref<2560x128xi32, #tpu.memory_space<hbm>> -> memref<1x128xi32, #tpu.memory_space<hbm>>
      %dma_wait3A_104 = tpu.memref_squeeze %dma_wait3A_103 : memref<1x128xi32, #tpu.memory_space<hbm>> -> memref<128xi32, #tpu.memory_space<hbm>>
      tpu.wait_dma2 semaphore(%arg13 : memref<!tpu.dma_semaphore, #tpu.memory_space<semaphore_mem>>) src(%dma_wait3A_104 : memref<128xi32, #tpu.memory_space<hbm>>) dst(%arg9 : memref<128xi32, #tpu.memory_space<vmem>>)
      %dma_start3A_105 = arith.constant 0 : i32
      %dma_start3A_106 = arith.constant 0 : i32
      %dma_start3A_107 = tpu.memref_slice %arg2[%dma_start3A_105, %dma_start3A_106] : memref<10240x128xf32, #tpu.memory_space<hbm>> -> memref<10240x128xf32, #tpu.memory_space<hbm>>
      tpu.enqueue_indirect_dma source(%dma_start3A_107 : memref<10240x128xf32, #tpu.memory_space<hbm>>) target(%arg11 : memref<128x128xf32, #tpu.memory_space<vmem>>) offsets(%arg7 : memref<128xi32, #tpu.memory_space<vmem>>) semaphore(%arg15 : memref<!tpu.dma_semaphore, #tpu.memory_space<semaphore_mem>>)
      %dma_wait3A_108 = arith.constant 0 : i32
      %dma_wait3A_109 = arith.constant 0 : i32
      %dma_wait3A_110 = tpu.memref_slice %arg2[%dma_wait3A_108, %dma_wait3A_109] : memref<10240x128xf32, #tpu.memory_space<hbm>> -> memref<10240x128xf32, #tpu.memory_space<hbm>>
      tpu.wait_indirect_dma semaphore(%arg14 : memref<!tpu.dma_semaphore, #tpu.memory_space<semaphore_mem>>) src(%dma_wait3A_110 : memref<10240x128xf32, #tpu.memory_space<hbm>>) dst(%arg10 : memref<128x128xf32, #tpu.memory_space<vmem>>)
      "tpu.region"() ({
        %run_scoped3A = tpu.sem_alloc : memref<!tpu.dma_semaphore, #tpu.memory_space<semaphore_mem>>
        %dma_start3A_147 = arith.constant 0 : i32
        %dma_start3A_148 = arith.constant 0 : i32
        %dma_start3A_149 = tpu.memref_slice %arg12[%dma_start3A_147, %dma_start3A_148] : memref<10240x128xf32, #tpu.memory_space<vmem_shared>> -> memref<10240x128xf32, #tpu.memory_space<vmem_shared>>
        tpu.enqueue_indirect_dma source(%arg10 : memref<128x128xf32, #tpu.memory_space<vmem>>) target(%dma_start3A_149 : memref<10240x128xf32, #tpu.memory_space<vmem_shared>>) offsets(%arg8 : memref<128xi32, #tpu.memory_space<vmem>>) semaphore(%run_scoped3A : memref<!tpu.dma_semaphore, #tpu.memory_space<semaphore_mem>>) {add = true}
        %dma_wait3A_150 = arith.constant 0 : i32
        %dma_wait3A_151 = arith.constant 0 : i32
        %dma_wait3A_152 = tpu.memref_slice %arg12[%dma_wait3A_150, %dma_wait3A_151] : memref<10240x128xf32, #tpu.memory_space<vmem_shared>> -> memref<10240x128xf32, #tpu.memory_space<vmem_shared>>
        tpu.wait_indirect_dma semaphore(%run_scoped3A : memref<!tpu.dma_semaphore, #tpu.memory_space<semaphore_mem>>) src(%arg10 : memref<128x128xf32, #tpu.memory_space<vmem>>) dst(%dma_wait3A_152 : memref<10240x128xf32, #tpu.memory_space<vmem_shared>>)
        tpu.yield
      }) : () -> ()
      %add3A_111 = arith.constant 2 : i32
      %add3A_112 = arith.addi %mul3A_74, %add3A_111 : i32
      %sub3A_113 = arith.constant 1 : i32
      %sub3A_114 = arith.subi %select_n3A_37, %sub3A_113 : i32
      %min3A = arith.minsi %add3A_112, %sub3A_114 : i32
      %add3A_115 = arith.addi %select_n3A, %min3A : i32
      %dma_start3A_116 = arith.constant 0 : i32
      %dma_start3A_117 = tpu.memref_slice %arg3[%add3A_115, %dma_start3A_116] : memref<2560x128xi32, #tpu.memory_space<hbm>> -> memref<1x128xi32, #tpu.memory_space<hbm>>
      %dma_start3A_118 = tpu.memref_squeeze %dma_start3A_117 : memref<1x128xi32, #tpu.memory_space<hbm>> -> memref<128xi32, #tpu.memory_space<hbm>>
      %dma_start3A_119 = arith.constant 0 : i32
      %dma_start3A_120 = tpu.memref_slice %arg3[%add3A_115, %dma_start3A_119] : memref<2560x128xi32, #tpu.memory_space<hbm>> -> memref<1x128xi32, #tpu.memory_space<hbm>>
      %dma_start3A_121 = tpu.memref_squeeze %dma_start3A_120 : memref<1x128xi32, #tpu.memory_space<hbm>> -> memref<128xi32, #tpu.memory_space<hbm>>
      tpu.enqueue_dma source(%dma_start3A_121 : memref<128xi32, #tpu.memory_space<hbm>>) target(%arg6 : memref<128xi32, #tpu.memory_space<vmem>>) target_semaphore(%arg13 : memref<!tpu.dma_semaphore, #tpu.memory_space<semaphore_mem>>)
      %add3A_122 = arith.addi %select_n3A, %min3A : i32
      %dma_start3A_123 = arith.constant 0 : i32
      %dma_start3A_124 = tpu.memref_slice %arg4[%add3A_122, %dma_start3A_123] : memref<2560x128xi32, #tpu.memory_space<hbm>> -> memref<1x128xi32, #tpu.memory_space<hbm>>
      %dma_start3A_125 = tpu.memref_squeeze %dma_start3A_124 : memref<1x128xi32, #tpu.memory_space<hbm>> -> memref<128xi32, #tpu.memory_space<hbm>>
      %dma_start3A_126 = arith.constant 0 : i32
      %dma_start3A_127 = tpu.memref_slice %arg4[%add3A_122, %dma_start3A_126] : memref<2560x128xi32, #tpu.memory_space<hbm>> -> memref<1x128xi32, #tpu.memory_space<hbm>>
      %dma_start3A_128 = tpu.memref_squeeze %dma_start3A_127 : memref<1x128xi32, #tpu.memory_space<hbm>> -> memref<128xi32, #tpu.memory_space<hbm>>
      tpu.enqueue_dma source(%dma_start3A_128 : memref<128xi32, #tpu.memory_space<hbm>>) target(%arg8 : memref<128xi32, #tpu.memory_space<vmem>>) target_semaphore(%arg13 : memref<!tpu.dma_semaphore, #tpu.memory_space<semaphore_mem>>)
      %dma_wait3A_129 = arith.constant 0 : i32
      %dma_wait3A_130 = tpu.memref_slice %arg3[%add3A_115, %dma_wait3A_129] : memref<2560x128xi32, #tpu.memory_space<hbm>> -> memref<1x128xi32, #tpu.memory_space<hbm>>
      %dma_wait3A_131 = tpu.memref_squeeze %dma_wait3A_130 : memref<1x128xi32, #tpu.memory_space<hbm>> -> memref<128xi32, #tpu.memory_space<hbm>>
      %dma_wait3A_132 = arith.constant 0 : i32
      %dma_wait3A_133 = tpu.memref_slice %arg3[%add3A_115, %dma_wait3A_132] : memref<2560x128xi32, #tpu.memory_space<hbm>> -> memref<1x128xi32, #tpu.memory_space<hbm>>
      %dma_wait3A_134 = tpu.memref_squeeze %dma_wait3A_133 : memref<1x128xi32, #tpu.memory_space<hbm>> -> memref<128xi32, #tpu.memory_space<hbm>>
      tpu.wait_dma2 semaphore(%arg13 : memref<!tpu.dma_semaphore, #tpu.memory_space<semaphore_mem>>) src(%dma_wait3A_134 : memref<128xi32, #tpu.memory_space<hbm>>) dst(%arg6 : memref<128xi32, #tpu.memory_space<vmem>>)
      %dma_wait3A_135 = arith.constant 0 : i32
      %dma_wait3A_136 = tpu.memref_slice %arg4[%add3A_122, %dma_wait3A_135] : memref<2560x128xi32, #tpu.memory_space<hbm>> -> memref<1x128xi32, #tpu.memory_space<hbm>>
      %dma_wait3A_137 = tpu.memref_squeeze %dma_wait3A_136 : memref<1x128xi32, #tpu.memory_space<hbm>> -> memref<128xi32, #tpu.memory_space<hbm>>
      %dma_wait3A_138 = arith.constant 0 : i32
      %dma_wait3A_139 = tpu.memref_slice %arg4[%add3A_122, %dma_wait3A_138] : memref<2560x128xi32, #tpu.memory_space<hbm>> -> memref<1x128xi32, #tpu.memory_space<hbm>>
      %dma_wait3A_140 = tpu.memref_squeeze %dma_wait3A_139 : memref<1x128xi32, #tpu.memory_space<hbm>> -> memref<128xi32, #tpu.memory_space<hbm>>
      tpu.wait_dma2 semaphore(%arg13 : memref<!tpu.dma_semaphore, #tpu.memory_space<semaphore_mem>>) src(%dma_wait3A_140 : memref<128xi32, #tpu.memory_space<hbm>>) dst(%arg8 : memref<128xi32, #tpu.memory_space<vmem>>)
      %dma_start3A_141 = arith.constant 0 : i32
      %dma_start3A_142 = arith.constant 0 : i32
      %dma_start3A_143 = tpu.memref_slice %arg2[%dma_start3A_141, %dma_start3A_142] : memref<10240x128xf32, #tpu.memory_space<hbm>> -> memref<10240x128xf32, #tpu.memory_space<hbm>>
      tpu.enqueue_indirect_dma source(%dma_start3A_143 : memref<10240x128xf32, #tpu.memory_space<hbm>>) target(%arg10 : memref<128x128xf32, #tpu.memory_space<vmem>>) offsets(%arg6 : memref<128xi32, #tpu.memory_space<vmem>>) semaphore(%arg14 : memref<!tpu.dma_semaphore, #tpu.memory_space<semaphore_mem>>)
      %dma_wait3A_144 = arith.constant 0 : i32
      %dma_wait3A_145 = arith.constant 0 : i32
      %dma_wait3A_146 = tpu.memref_slice %arg2[%dma_wait3A_144, %dma_wait3A_145] : memref<10240x128xf32, #tpu.memory_space<hbm>> -> memref<10240x128xf32, #tpu.memory_space<hbm>>
      tpu.wait_indirect_dma semaphore(%arg15 : memref<!tpu.dma_semaphore, #tpu.memory_space<semaphore_mem>>) src(%dma_wait3A_146 : memref<10240x128xf32, #tpu.memory_space<hbm>>) dst(%arg11 : memref<128x128xf32, #tpu.memory_space<vmem>>)
      "tpu.region"() ({
        %run_scoped3A = tpu.sem_alloc : memref<!tpu.dma_semaphore, #tpu.memory_space<semaphore_mem>>
        %dma_start3A_147 = arith.constant 0 : i32
        %dma_start3A_148 = arith.constant 0 : i32
        %dma_start3A_149 = tpu.memref_slice %arg12[%dma_start3A_147, %dma_start3A_148] : memref<10240x128xf32, #tpu.memory_space<vmem_shared>> -> memref<10240x128xf32, #tpu.memory_space<vmem_shared>>
        tpu.enqueue_indirect_dma source(%arg11 : memref<128x128xf32, #tpu.memory_space<vmem>>) target(%dma_start3A_149 : memref<10240x128xf32, #tpu.memory_space<vmem_shared>>) offsets(%arg9 : memref<128xi32, #tpu.memory_space<vmem>>) semaphore(%run_scoped3A : memref<!tpu.dma_semaphore, #tpu.memory_space<semaphore_mem>>) {add = true}
        %dma_wait3A_150 = arith.constant 0 : i32
        %dma_wait3A_151 = arith.constant 0 : i32
        %dma_wait3A_152 = tpu.memref_slice %arg12[%dma_wait3A_150, %dma_wait3A_151] : memref<10240x128xf32, #tpu.memory_space<vmem_shared>> -> memref<10240x128xf32, #tpu.memory_space<vmem_shared>>
        tpu.wait_indirect_dma semaphore(%run_scoped3A : memref<!tpu.dma_semaphore, #tpu.memory_space<semaphore_mem>>) src(%arg11 : memref<128x128xf32, #tpu.memory_space<vmem>>) dst(%dma_wait3A_152 : memref<10240x128xf32, #tpu.memory_space<vmem_shared>>)
        tpu.yield
      }) : () -> ()
    }
    %dma_wait3A = arith.constant 0 : i32
    %dma_wait3A_67 = arith.constant 0 : i32
    %dma_wait3A_68 = tpu.memref_slice %arg2[%dma_wait3A, %dma_wait3A_67] : memref<10240x128xf32, #tpu.memory_space<hbm>> -> memref<10240x128xf32, #tpu.memory_space<hbm>>
    tpu.wait_indirect_dma semaphore(%arg14 : memref<!tpu.dma_semaphore, #tpu.memory_space<semaphore_mem>>) src(%dma_wait3A_68 : memref<10240x128xf32, #tpu.memory_space<hbm>>) dst(%arg10 : memref<128x128xf32, #tpu.memory_space<vmem>>)
    %barrier3A_69 = arith.constant 0 : index
    tpu.barrier barrier_id(%barrier3A_69)
    %mul3A_70 = arith.constant 640 : i32
    %mul3A_71 = arith.muli %arg1, %mul3A_70 : i32
    "tpu.region"() ({
      %run_scoped3A = tpu.sem_alloc : memref<!tpu.dma_semaphore, #tpu.memory_space<semaphore_mem>>
      %dma_start3A_72 = arith.constant 0 : i32
      %dma_start3A_73 = tpu.memref_slice %arg5[%arg0, %mul3A_71, %dma_start3A_72] : memref<2x10240x128xf32, #tpu.memory_space<hbm>> -> memref<1x640x128xf32, #tpu.memory_space<hbm>>
      %dma_start3A_74 = tpu.memref_squeeze %dma_start3A_73 : memref<1x640x128xf32, #tpu.memory_space<hbm>> -> memref<640x128xf32, #tpu.memory_space<hbm>>
      %dma_start3A_75 = arith.constant 0 : i32
      %dma_start3A_76 = tpu.memref_slice %arg12[%mul3A_71, %dma_start3A_75] : memref<10240x128xf32, #tpu.memory_space<vmem_shared>> -> memref<640x128xf32, #tpu.memory_space<vmem_shared>>
      tpu.enqueue_dma source(%dma_start3A_76 : memref<640x128xf32, #tpu.memory_space<vmem_shared>>) target(%dma_start3A_74 : memref<640x128xf32, #tpu.memory_space<hbm>>) target_semaphore(%run_scoped3A : memref<!tpu.dma_semaphore, #tpu.memory_space<semaphore_mem>>)
      %dma_wait3A_77 = arith.constant 0 : i32
      %dma_wait3A_78 = tpu.memref_slice %arg5[%arg0, %mul3A_71, %dma_wait3A_77] : memref<2x10240x128xf32, #tpu.memory_space<hbm>> -> memref<1x640x128xf32, #tpu.memory_space<hbm>>
      %dma_wait3A_79 = tpu.memref_squeeze %dma_wait3A_78 : memref<1x640x128xf32, #tpu.memory_space<hbm>> -> memref<640x128xf32, #tpu.memory_space<hbm>>
      %dma_wait3A_80 = arith.constant 0 : i32
      %dma_wait3A_81 = tpu.memref_slice %arg12[%mul3A_71, %dma_wait3A_80] : memref<10240x128xf32, #tpu.memory_space<vmem_shared>> -> memref<640x128xf32, #tpu.memory_space<vmem_shared>>
      tpu.wait_dma2 semaphore(%run_scoped3A : memref<!tpu.dma_semaphore, #tpu.memory_space<semaphore_mem>>) src(%dma_wait3A_81 : memref<640x128xf32, #tpu.memory_space<vmem_shared>>) dst(%dma_wait3A_79 : memref<640x128xf32, #tpu.memory_space<hbm>>)
      tpu.yield
    }) : () -> ()
    return
  }
}

#map = affine_map<(d0, d1) -> (0, 0)>
module attributes {stable_mosaic.version = 14 : i64} {
  func.func @_deg_body(%arg0: i32, %arg1: i32, %arg2: memref<2560x128xi32, #tpu.memory_space<hbm>>, %arg3: memref<2560x128xi32, #tpu.memory_space<hbm>>, %arg4: memref<32x10240xf32, #tpu.memory_space<hbm>>, %arg5: memref<32x10240xf32, #tpu.memory_space<hbm>>, %arg6: memref<80x128xi32, #tpu.memory_space<vmem>>, %arg7: memref<80x128xi32, #tpu.memory_space<vmem>>, %arg8: memref<10240xf32, #tpu.memory_space<vmem>>, %arg9: memref<10240xf32, #tpu.memory_space<vmem>>, %arg10: memref<!tpu.dma_semaphore, #tpu.memory_space<semaphore_mem>>) attributes {dimension_semantics = [#tpu.dimension_semantics<core_parallel>, #tpu.dimension_semantics<subcore_parallel>], iteration_bounds = array<i64: 2, 16>, scalar_prefetch = 0 : i64, scratch_operands = 5 : i64, tpu.core_type = #tpu.core_type<sc_vector_subcore>, window_params = [{transform_indices = #map}, {transform_indices = #map}, {transform_indices = #map}, {transform_indices = #map}]} {
    %mul3A = arith.constant 2 : i32
    %mul3A_0 = arith.muli %arg1, %mul3A : i32
    %add3A = arith.addi %mul3A_0, %arg0 : i32
    %broadcast_in_dim3A = arith.constant 0.000000e+00 : f32
    %broadcast_in_dim3A_1 = vector.broadcast %broadcast_in_dim3A : f32 to vector<16xf32>
    %broadcast_in_dim3A_2 = arith.constant 1.000000e+00 : f32
    %broadcast_in_dim3A_3 = vector.broadcast %broadcast_in_dim3A_2 : f32 to vector<16xf32>
    %mul3A_4 = arith.constant 80 : i32
    %mul3A_5 = arith.muli %add3A, %mul3A_4 : i32
    %dma_start3A = arith.constant 0 : i32
    %dma_start3A_6 = tpu.memref_slice %arg2[%mul3A_5, %dma_start3A] : memref<2560x128xi32, #tpu.memory_space<hbm>> -> memref<80x128xi32, #tpu.memory_space<hbm>>
    %dma_start3A_7 = arith.constant 0 : i32
    %dma_start3A_8 = tpu.memref_slice %arg2[%mul3A_5, %dma_start3A_7] : memref<2560x128xi32, #tpu.memory_space<hbm>> -> memref<80x128xi32, #tpu.memory_space<hbm>>
    tpu.enqueue_dma source(%dma_start3A_8 : memref<80x128xi32, #tpu.memory_space<hbm>>) target(%arg6 : memref<80x128xi32, #tpu.memory_space<vmem>>) target_semaphore(%arg10 : memref<!tpu.dma_semaphore, #tpu.memory_space<semaphore_mem>>)
    %mul3A_9 = arith.constant 80 : i32
    %mul3A_10 = arith.muli %add3A, %mul3A_9 : i32
    %dma_start3A_11 = arith.constant 0 : i32
    %dma_start3A_12 = tpu.memref_slice %arg3[%mul3A_10, %dma_start3A_11] : memref<2560x128xi32, #tpu.memory_space<hbm>> -> memref<80x128xi32, #tpu.memory_space<hbm>>
    %dma_start3A_13 = arith.constant 0 : i32
    %dma_start3A_14 = tpu.memref_slice %arg3[%mul3A_10, %dma_start3A_13] : memref<2560x128xi32, #tpu.memory_space<hbm>> -> memref<80x128xi32, #tpu.memory_space<hbm>>
    tpu.enqueue_dma source(%dma_start3A_14 : memref<80x128xi32, #tpu.memory_space<hbm>>) target(%arg7 : memref<80x128xi32, #tpu.memory_space<vmem>>) target_semaphore(%arg10 : memref<!tpu.dma_semaphore, #tpu.memory_space<semaphore_mem>>)
    %scan3A = arith.constant 0 : i32
    %scan3A_15 = arith.constant 0 : i32
    %scan3A_16 = arith.constant 640 : i32
    %scan3A_17 = arith.addi %scan3A_15, %scan3A_16 : i32
    %scan3A_18 = arith.constant 1 : i32
    scf.for %scan3A_39 = %scan3A_15 to %scan3A_17 step %scan3A_18  : i32 {
      %mul3A_40 = arith.constant 16 : i32
      %mul3A_41 = arith.muli %scan3A_39, %mul3A_40 : i32
      %swap3A = arith.index_cast %mul3A_41 : i32 to index
      %swap3A_42 = tpu.vector_load %arg8[%swap3A] {strides = array<i32>} : memref<10240xf32, #tpu.memory_space<vmem>>, vector<16xf32>,
      tpu.vector_store %arg8[%swap3A], %broadcast_in_dim3A_1 {strides = array<i32>} : memref<10240xf32, #tpu.memory_space<vmem>>, vector<16xf32>,
      %mul3A_43 = arith.constant 16 : i32
      %mul3A_44 = arith.muli %scan3A_39, %mul3A_43 : i32
      %swap3A_45 = arith.index_cast %mul3A_44 : i32 to index
      %swap3A_46 = tpu.vector_load %arg9[%swap3A_45] {strides = array<i32>} : memref<10240xf32, #tpu.memory_space<vmem>>, vector<16xf32>,
      tpu.vector_store %arg9[%swap3A_45], %broadcast_in_dim3A_1 {strides = array<i32>} : memref<10240xf32, #tpu.memory_space<vmem>>, vector<16xf32>,
    }
    %scan3A_19 = arith.constant 640 : i32
    %dma_wait3A = arith.constant 0 : i32
    %dma_wait3A_20 = tpu.memref_slice %arg2[%mul3A_5, %dma_wait3A] : memref<2560x128xi32, #tpu.memory_space<hbm>> -> memref<80x128xi32, #tpu.memory_space<hbm>>
    %dma_wait3A_21 = arith.constant 0 : i32
    %dma_wait3A_22 = tpu.memref_slice %arg2[%mul3A_5, %dma_wait3A_21] : memref<2560x128xi32, #tpu.memory_space<hbm>> -> memref<80x128xi32, #tpu.memory_space<hbm>>
    tpu.wait_dma2 semaphore(%arg10 : memref<!tpu.dma_semaphore, #tpu.memory_space<semaphore_mem>>) src(%dma_wait3A_22 : memref<80x128xi32, #tpu.memory_space<hbm>>) dst(%arg6 : memref<80x128xi32, #tpu.memory_space<vmem>>)
    %dma_wait3A_23 = arith.constant 0 : i32
    %dma_wait3A_24 = tpu.memref_slice %arg3[%mul3A_10, %dma_wait3A_23] : memref<2560x128xi32, #tpu.memory_space<hbm>> -> memref<80x128xi32, #tpu.memory_space<hbm>>
    %dma_wait3A_25 = arith.constant 0 : i32
    %dma_wait3A_26 = tpu.memref_slice %arg3[%mul3A_10, %dma_wait3A_25] : memref<2560x128xi32, #tpu.memory_space<hbm>> -> memref<80x128xi32, #tpu.memory_space<hbm>>
    tpu.wait_dma2 semaphore(%arg10 : memref<!tpu.dma_semaphore, #tpu.memory_space<semaphore_mem>>) src(%dma_wait3A_26 : memref<80x128xi32, #tpu.memory_space<hbm>>) dst(%arg7 : memref<80x128xi32, #tpu.memory_space<vmem>>)
    %scan3A_27 = arith.constant 0 : i32
    %scan3A_28 = arith.constant 0 : i32
    %scan3A_29 = arith.constant 80 : i32
    %scan3A_30 = arith.addi %scan3A_28, %scan3A_29 : i32
    %scan3A_31 = arith.constant 1 : i32
    scf.for %scan3A_39 = %scan3A_28 to %scan3A_30 step %scan3A_31  : i32 {
      %get3A = arith.index_cast %scan3A_39 : i32 to index
      %get3A_40 = arith.constant 0 : index
      %get3A_41 = tpu.vector_load %arg6[%get3A, %get3A_40] {strides = array<i32>} : memref<80x128xi32, #tpu.memory_space<vmem>>, vector<16xi32>,
      tpu.vector_store_idx %arg8[%get3A_41], %broadcast_in_dim3A_3 {add = true} : memref<10240xf32, #tpu.memory_space<vmem>>[vector<16xi32>], vector<16xf32>,
      %get3A_42 = arith.index_cast %scan3A_39 : i32 to index
      %get3A_43 = arith.constant 16 : index
      %get3A_44 = tpu.vector_load %arg6[%get3A_42, %get3A_43] {strides = array<i32>} : memref<80x128xi32, #tpu.memory_space<vmem>>, vector<16xi32>,
      tpu.vector_store_idx %arg8[%get3A_44], %broadcast_in_dim3A_3 {add = true} : memref<10240xf32, #tpu.memory_space<vmem>>[vector<16xi32>], vector<16xf32>,
      %get3A_45 = arith.index_cast %scan3A_39 : i32 to index
      %get3A_46 = arith.constant 32 : index
      %get3A_47 = tpu.vector_load %arg6[%get3A_45, %get3A_46] {strides = array<i32>} : memref<80x128xi32, #tpu.memory_space<vmem>>, vector<16xi32>,
      tpu.vector_store_idx %arg8[%get3A_47], %broadcast_in_dim3A_3 {add = true} : memref<10240xf32, #tpu.memory_space<vmem>>[vector<16xi32>], vector<16xf32>,
      %get3A_48 = arith.index_cast %scan3A_39 : i32 to index
      %get3A_49 = arith.constant 48 : index
      %get3A_50 = tpu.vector_load %arg6[%get3A_48, %get3A_49] {strides = array<i32>} : memref<80x128xi32, #tpu.memory_space<vmem>>, vector<16xi32>,
      tpu.vector_store_idx %arg8[%get3A_50], %broadcast_in_dim3A_3 {add = true} : memref<10240xf32, #tpu.memory_space<vmem>>[vector<16xi32>], vector<16xf32>,
      %get3A_51 = arith.index_cast %scan3A_39 : i32 to index
      %get3A_52 = arith.constant 64 : index
      %get3A_53 = tpu.vector_load %arg6[%get3A_51, %get3A_52] {strides = array<i32>} : memref<80x128xi32, #tpu.memory_space<vmem>>, vector<16xi32>,
      tpu.vector_store_idx %arg8[%get3A_53], %broadcast_in_dim3A_3 {add = true} : memref<10240xf32, #tpu.memory_space<vmem>>[vector<16xi32>], vector<16xf32>,
      %get3A_54 = arith.index_cast %scan3A_39 : i32 to index
      %get3A_55 = arith.constant 80 : index
      %get3A_56 = tpu.vector_load %arg6[%get3A_54, %get3A_55] {strides = array<i32>} : memref<80x128xi32, #tpu.memory_space<vmem>>, vector<16xi32>,
      tpu.vector_store_idx %arg8[%get3A_56], %broadcast_in_dim3A_3 {add = true} : memref<10240xf32, #tpu.memory_space<vmem>>[vector<16xi32>], vector<16xf32>,
      %get3A_57 = arith.index_cast %scan3A_39 : i32 to index
      %get3A_58 = arith.constant 96 : index
      %get3A_59 = tpu.vector_load %arg6[%get3A_57, %get3A_58] {strides = array<i32>} : memref<80x128xi32, #tpu.memory_space<vmem>>, vector<16xi32>,
      tpu.vector_store_idx %arg8[%get3A_59], %broadcast_in_dim3A_3 {add = true} : memref<10240xf32, #tpu.memory_space<vmem>>[vector<16xi32>], vector<16xf32>,
      %get3A_60 = arith.index_cast %scan3A_39 : i32 to index
      %get3A_61 = arith.constant 112 : index
      %get3A_62 = tpu.vector_load %arg6[%get3A_60, %get3A_61] {strides = array<i32>} : memref<80x128xi32, #tpu.memory_space<vmem>>, vector<16xi32>,
      tpu.vector_store_idx %arg8[%get3A_62], %broadcast_in_dim3A_3 {add = true} : memref<10240xf32, #tpu.memory_space<vmem>>[vector<16xi32>], vector<16xf32>,
    }
    %scan3A_32 = arith.constant 80 : i32
    %scan3A_33 = arith.constant 0 : i32
    %scan3A_34 = arith.constant 0 : i32
    %scan3A_35 = arith.constant 80 : i32
    %scan3A_36 = arith.addi %scan3A_34, %scan3A_35 : i32
    %scan3A_37 = arith.constant 1 : i32
    scf.for %scan3A_39 = %scan3A_34 to %scan3A_36 step %scan3A_37  : i32 {
      %get3A = arith.index_cast %scan3A_39 : i32 to index
      %get3A_40 = arith.constant 0 : index
      %get3A_41 = tpu.vector_load %arg7[%get3A, %get3A_40] {strides = array<i32>} : memref<80x128xi32, #tpu.memory_space<vmem>>, vector<16xi32>,
      tpu.vector_store_idx %arg9[%get3A_41], %broadcast_in_dim3A_3 {add = true} : memref<10240xf32, #tpu.memory_space<vmem>>[vector<16xi32>], vector<16xf32>,
      %get3A_42 = arith.index_cast %scan3A_39 : i32 to index
      %get3A_43 = arith.constant 16 : index
      %get3A_44 = tpu.vector_load %arg7[%get3A_42, %get3A_43] {strides = array<i32>} : memref<80x128xi32, #tpu.memory_space<vmem>>, vector<16xi32>,
      tpu.vector_store_idx %arg9[%get3A_44], %broadcast_in_dim3A_3 {add = true} : memref<10240xf32, #tpu.memory_space<vmem>>[vector<16xi32>], vector<16xf32>,
      %get3A_45 = arith.index_cast %scan3A_39 : i32 to index
      %get3A_46 = arith.constant 32 : index
      %get3A_47 = tpu.vector_load %arg7[%get3A_45, %get3A_46] {strides = array<i32>} : memref<80x128xi32, #tpu.memory_space<vmem>>, vector<16xi32>,
      tpu.vector_store_idx %arg9[%get3A_47], %broadcast_in_dim3A_3 {add = true} : memref<10240xf32, #tpu.memory_space<vmem>>[vector<16xi32>], vector<16xf32>,
      %get3A_48 = arith.index_cast %scan3A_39 : i32 to index
      %get3A_49 = arith.constant 48 : index
      %get3A_50 = tpu.vector_load %arg7[%get3A_48, %get3A_49] {strides = array<i32>} : memref<80x128xi32, #tpu.memory_space<vmem>>, vector<16xi32>,
      tpu.vector_store_idx %arg9[%get3A_50], %broadcast_in_dim3A_3 {add = true} : memref<10240xf32, #tpu.memory_space<vmem>>[vector<16xi32>], vector<16xf32>,
      %get3A_51 = arith.index_cast %scan3A_39 : i32 to index
      %get3A_52 = arith.constant 64 : index
      %get3A_53 = tpu.vector_load %arg7[%get3A_51, %get3A_52] {strides = array<i32>} : memref<80x128xi32, #tpu.memory_space<vmem>>, vector<16xi32>,
      tpu.vector_store_idx %arg9[%get3A_53], %broadcast_in_dim3A_3 {add = true} : memref<10240xf32, #tpu.memory_space<vmem>>[vector<16xi32>], vector<16xf32>,
      %get3A_54 = arith.index_cast %scan3A_39 : i32 to index
      %get3A_55 = arith.constant 80 : index
      %get3A_56 = tpu.vector_load %arg7[%get3A_54, %get3A_55] {strides = array<i32>} : memref<80x128xi32, #tpu.memory_space<vmem>>, vector<16xi32>,
      tpu.vector_store_idx %arg9[%get3A_56], %broadcast_in_dim3A_3 {add = true} : memref<10240xf32, #tpu.memory_space<vmem>>[vector<16xi32>], vector<16xf32>,
      %get3A_57 = arith.index_cast %scan3A_39 : i32 to index
      %get3A_58 = arith.constant 96 : index
      %get3A_59 = tpu.vector_load %arg7[%get3A_57, %get3A_58] {strides = array<i32>} : memref<80x128xi32, #tpu.memory_space<vmem>>, vector<16xi32>,
      tpu.vector_store_idx %arg9[%get3A_59], %broadcast_in_dim3A_3 {add = true} : memref<10240xf32, #tpu.memory_space<vmem>>[vector<16xi32>], vector<16xf32>,
      %get3A_60 = arith.index_cast %scan3A_39 : i32 to index
      %get3A_61 = arith.constant 112 : index
      %get3A_62 = tpu.vector_load %arg7[%get3A_60, %get3A_61] {strides = array<i32>} : memref<80x128xi32, #tpu.memory_space<vmem>>, vector<16xi32>,
      tpu.vector_store_idx %arg9[%get3A_62], %broadcast_in_dim3A_3 {add = true} : memref<10240xf32, #tpu.memory_space<vmem>>[vector<16xi32>], vector<16xf32>,
    }
    %scan3A_38 = arith.constant 80 : i32
    "tpu.region"() ({
      %run_scoped3A = tpu.sem_alloc : memref<!tpu.dma_semaphore, #tpu.memory_space<semaphore_mem>>
      %dma_start3A_39 = arith.constant 0 : i32
      %dma_start3A_40 = tpu.memref_slice %arg4[%add3A, %dma_start3A_39] : memref<32x10240xf32, #tpu.memory_space<hbm>> -> memref<1x10240xf32, #tpu.memory_space<hbm>>
      %dma_start3A_41 = tpu.memref_squeeze %dma_start3A_40 : memref<1x10240xf32, #tpu.memory_space<hbm>> -> memref<10240xf32, #tpu.memory_space<hbm>>
      %dma_start3A_42 = arith.constant 0 : i32
      %dma_start3A_43 = tpu.memref_slice %arg4[%add3A, %dma_start3A_42] : memref<32x10240xf32, #tpu.memory_space<hbm>> -> memref<1x10240xf32, #tpu.memory_space<hbm>>
      %dma_start3A_44 = tpu.memref_squeeze %dma_start3A_43 : memref<1x10240xf32, #tpu.memory_space<hbm>> -> memref<10240xf32, #tpu.memory_space<hbm>>
      tpu.enqueue_dma source(%arg8 : memref<10240xf32, #tpu.memory_space<vmem>>) target(%dma_start3A_44 : memref<10240xf32, #tpu.memory_space<hbm>>) target_semaphore(%run_scoped3A : memref<!tpu.dma_semaphore, #tpu.memory_space<semaphore_mem>>)
      %dma_wait3A_45 = arith.constant 0 : i32
      %dma_wait3A_46 = tpu.memref_slice %arg4[%add3A, %dma_wait3A_45] : memref<32x10240xf32, #tpu.memory_space<hbm>> -> memref<1x10240xf32, #tpu.memory_space<hbm>>
      %dma_wait3A_47 = tpu.memref_squeeze %dma_wait3A_46 : memref<1x10240xf32, #tpu.memory_space<hbm>> -> memref<10240xf32, #tpu.memory_space<hbm>>
      %dma_wait3A_48 = arith.constant 0 : i32
      %dma_wait3A_49 = tpu.memref_slice %arg4[%add3A, %dma_wait3A_48] : memref<32x10240xf32, #tpu.memory_space<hbm>> -> memref<1x10240xf32, #tpu.memory_space<hbm>>
      %dma_wait3A_50 = tpu.memref_squeeze %dma_wait3A_49 : memref<1x10240xf32, #tpu.memory_space<hbm>> -> memref<10240xf32, #tpu.memory_space<hbm>>
      tpu.wait_dma2 semaphore(%run_scoped3A : memref<!tpu.dma_semaphore, #tpu.memory_space<semaphore_mem>>) src(%arg8 : memref<10240xf32, #tpu.memory_space<vmem>>) dst(%dma_wait3A_50 : memref<10240xf32, #tpu.memory_space<hbm>>)
      tpu.yield
    }) : () -> ()
    "tpu.region"() ({
      %run_scoped3A = tpu.sem_alloc : memref<!tpu.dma_semaphore, #tpu.memory_space<semaphore_mem>>
      %dma_start3A_39 = arith.constant 0 : i32
      %dma_start3A_40 = tpu.memref_slice %arg5[%add3A, %dma_start3A_39] : memref<32x10240xf32, #tpu.memory_space<hbm>> -> memref<1x10240xf32, #tpu.memory_space<hbm>>
      %dma_start3A_41 = tpu.memref_squeeze %dma_start3A_40 : memref<1x10240xf32, #tpu.memory_space<hbm>> -> memref<10240xf32, #tpu.memory_space<hbm>>
      %dma_start3A_42 = arith.constant 0 : i32
      %dma_start3A_43 = tpu.memref_slice %arg5[%add3A, %dma_start3A_42] : memref<32x10240xf32, #tpu.memory_space<hbm>> -> memref<1x10240xf32, #tpu.memory_space<hbm>>
      %dma_start3A_44 = tpu.memref_squeeze %dma_start3A_43 : memref<1x10240xf32, #tpu.memory_space<hbm>> -> memref<10240xf32, #tpu.memory_space<hbm>>
      tpu.enqueue_dma source(%arg9 : memref<10240xf32, #tpu.memory_space<vmem>>) target(%dma_start3A_44 : memref<10240xf32, #tpu.memory_space<hbm>>) target_semaphore(%run_scoped3A : memref<!tpu.dma_semaphore, #tpu.memory_space<semaphore_mem>>)
      %dma_wait3A_45 = arith.constant 0 : i32
      %dma_wait3A_46 = tpu.memref_slice %arg5[%add3A, %dma_wait3A_45] : memref<32x10240xf32, #tpu.memory_space<hbm>> -> memref<1x10240xf32, #tpu.memory_space<hbm>>
      %dma_wait3A_47 = tpu.memref_squeeze %dma_wait3A_46 : memref<1x10240xf32, #tpu.memory_space<hbm>> -> memref<10240xf32, #tpu.memory_space<hbm>>
      %dma_wait3A_48 = arith.constant 0 : i32
      %dma_wait3A_49 = tpu.memref_slice %arg5[%add3A, %dma_wait3A_48] : memref<32x10240xf32, #tpu.memory_space<hbm>> -> memref<1x10240xf32, #tpu.memory_space<hbm>>
      %dma_wait3A_50 = tpu.memref_squeeze %dma_wait3A_49 : memref<1x10240xf32, #tpu.memory_space<hbm>> -> memref<10240xf32, #tpu.memory_space<hbm>>
      tpu.wait_dma2 semaphore(%run_scoped3A : memref<!tpu.dma_semaphore, #tpu.memory_space<semaphore_mem>>) src(%arg9 : memref<10240xf32, #tpu.memory_space<vmem>>) dst(%dma_wait3A_50 : memref<10240xf32, #tpu.memory_space<hbm>>)
      tpu.yield
    }) : () -> ()
    return
  }
}

module attributes {stable_mosaic.version = 14 : i64} {
  func.func @_tc1_body(%arg0: memref<10000x128xf32, #tpu.memory_space<vmem>>, %arg1: memref<128x128xf32, #tpu.memory_space<vmem>>, %arg2: memref<10240x32xf32, #tpu.memory_space<vmem>>, %arg3: memref<10240x128xf32, #tpu.memory_space<vmem>>) attributes {dimension_semantics = [], scalar_prefetch = 0 : i64, scratch_operands = 0 : i64, tpu.core_type = #tpu.core_type<tc>} {
    %get3A = arith.constant 0 : index
    %get3A_0 = arith.constant 0 : index
    %get3A_1 = vector.load %arg0[%get3A, %get3A_0] : memref<10000x128xf32, #tpu.memory_space<vmem>>, vector<10000x128xf32>
    %get3A_2 = arith.constant 0 : index
    %get3A_3 = arith.constant 0 : index
    %get3A_4 = vector.load %arg1[%get3A_2, %get3A_3] : memref<128x128xf32, #tpu.memory_space<vmem>>, vector<128x128xf32>
    %dot_general3A = arith.constant dense<0.000000e+00> : vector<10000x128xf32>
    %dot_general3A_5 = tpu.matmul %get3A_1, %get3A_4, %dot_general3A {dimension_numbers = #tpu.dot_dimension_numbers<[1], [0], [0], [1], [0, 0, 1, 1], [], []>, transpose_lhs_hint = false} : vector<10000x128xf32>, vector<128x128xf32>, vector<10000x128xf32> -> vector<10000x128xf32>
    %get3A_6 = arith.constant 0 : index
    %get3A_7 = arith.constant 0 : index
    %get3A_8 = vector.load %arg2[%get3A_6, %get3A_7] : memref<10240x32xf32, #tpu.memory_space<vmem>>, vector<10240x32xf32>
    %reduce_sum3A = arith.constant dense<0.000000e+00> : vector<10240xf32>
    %reduce_sum3A_9 = vector.multi_reduction <add>, %get3A_8, %reduce_sum3A [1] : vector<10240x32xf32> to vector<10240xf32>
    %broadcast_in_dim3A = vector.shape_cast %reduce_sum3A_9 : vector<10240xf32> to vector<10240x1xf32>
    %gt3A = arith.constant 0.000000e+00 : f32
    %gt3A_10 = vector.broadcast %gt3A : f32 to vector<10240x1xf32>
    %gt3A_11 = arith.cmpf ogt, %broadcast_in_dim3A, %gt3A_10 : vector<10240x1xf32>
    %max3A = arith.constant 1.000000e+00 : f32
    %max3A_12 = vector.broadcast %max3A : f32 to vector<10240x1xf32>
    %max3A_13 = arith.maximumf %broadcast_in_dim3A, %max3A_12 : vector<10240x1xf32>
    %rsqrt3A = math.rsqrt %max3A_13 : vector<10240x1xf32>
    %jit3A = arith.constant 0.000000e+00 : f32
    %broadcast_in_dim3A_14 = vector.broadcast %jit3A : f32 to vector<10240x1xf32>
    %select_n3A = arith.select %gt3A_11, %rsqrt3A, %broadcast_in_dim3A_14 : vector<10240x1xi1>, vector<10240x1xf32>
    %slice3A = vector.extract_strided_slice %select_n3A {offsets = [0, 0], sizes = [10000, 1], strides = [1, 1]} : vector<10240x1xf32> to vector<10000x1xf32>
    %mul3A = vector.broadcast %slice3A : vector<10000x1xf32> to vector<10000x128xf32>
    %mul3A_15 = arith.mulf %dot_general3A_5, %mul3A : vector<10000x128xf32>
    %swap3A = arith.constant 0 : index
    %swap3A_16 = arith.constant 0 : index
    %swap3A_17 = vector.load %arg3[%swap3A, %swap3A_16] : memref<10240x128xf32, #tpu.memory_space<vmem>>, vector<10000x128xf32>
    tpu.vector_store %arg3[%swap3A, %swap3A_16], %mul3A_15 {strides = array<i32>} : memref<10240x128xf32, #tpu.memory_space<vmem>>, vector<10000x128xf32>,
    %broadcast_in_dim3A_18 = arith.constant 0.000000e+00 : f32
    %broadcast_in_dim3A_19 = vector.broadcast %broadcast_in_dim3A_18 : f32 to vector<240x128xf32>
    %swap3A_20 = arith.constant 10000 : index
    %swap3A_21 = arith.constant 0 : index
    %swap3A_22 = vector.load %arg3[%swap3A_20, %swap3A_21] : memref<10240x128xf32, #tpu.memory_space<vmem>>, vector<240x128xf32>
    tpu.vector_store %arg3[%swap3A_20, %swap3A_21], %broadcast_in_dim3A_19 {strides = array<i32>} : memref<10240x128xf32, #tpu.memory_space<vmem>>, vector<240x128xf32>,
    return
  }
}

module attributes {stable_mosaic.version = 14 : i64} {
  func.func @_tc2_body(%arg0: memref<2x10240x128xf32, #tpu.memory_space<vmem>>, %arg1: memref<10240x32xf32, #tpu.memory_space<vmem>>, %arg2: memref<10240x32xf32, #tpu.memory_space<vmem>>, %arg3: memref<1x128xf32, #tpu.memory_space<vmem>>, %arg4: memref<128x128xf32, #tpu.memory_space<vmem>>, %arg5: memref<10240x128xf32, #tpu.memory_space<vmem>>) attributes {dimension_semantics = [], scalar_prefetch = 0 : i64, scratch_operands = 0 : i64, tpu.core_type = #tpu.core_type<tc>} {
    %get3A = arith.constant 0 : index
    %get3A_0 = arith.constant 0 : index
    %get3A_1 = arith.constant 0 : index
    %get3A_2 = vector.load %arg0[%get3A, %get3A_0, %get3A_1] : memref<2x10240x128xf32, #tpu.memory_space<vmem>>, vector<1x10000x128xf32>
    %get3A_3 = vector.shape_cast %get3A_2 : vector<1x10000x128xf32> to vector<10000x128xf32>
    %get3A_4 = arith.constant 1 : index
    %get3A_5 = arith.constant 0 : index
    %get3A_6 = arith.constant 0 : index
    %get3A_7 = vector.load %arg0[%get3A_4, %get3A_5, %get3A_6] : memref<2x10240x128xf32, #tpu.memory_space<vmem>>, vector<1x10000x128xf32>
    %get3A_8 = vector.shape_cast %get3A_7 : vector<1x10000x128xf32> to vector<10000x128xf32>
    %add3A = arith.addf %get3A_3, %get3A_8 : vector<10000x128xf32>
    %get3A_9 = arith.constant 0 : index
    %get3A_10 = arith.constant 0 : index
    %get3A_11 = vector.load %arg1[%get3A_9, %get3A_10] : memref<10240x32xf32, #tpu.memory_space<vmem>>, vector<10240x32xf32>
    %reduce_sum3A = arith.constant dense<0.000000e+00> : vector<10240xf32>
    %reduce_sum3A_12 = vector.multi_reduction <add>, %get3A_11, %reduce_sum3A [1] : vector<10240x32xf32> to vector<10240xf32>
    %broadcast_in_dim3A = vector.shape_cast %reduce_sum3A_12 : vector<10240xf32> to vector<10240x1xf32>
    %gt3A = arith.constant 0.000000e+00 : f32
    %gt3A_13 = vector.broadcast %gt3A : f32 to vector<10240x1xf32>
    %gt3A_14 = arith.cmpf ogt, %broadcast_in_dim3A, %gt3A_13 : vector<10240x1xf32>
    %max3A = arith.constant 1.000000e+00 : f32
    %max3A_15 = vector.broadcast %max3A : f32 to vector<10240x1xf32>
    %max3A_16 = arith.maximumf %broadcast_in_dim3A, %max3A_15 : vector<10240x1xf32>
    %rsqrt3A = math.rsqrt %max3A_16 : vector<10240x1xf32>
    %jit3A = arith.constant 0.000000e+00 : f32
    %broadcast_in_dim3A_17 = vector.broadcast %jit3A : f32 to vector<10240x1xf32>
    %select_n3A = arith.select %gt3A_14, %rsqrt3A, %broadcast_in_dim3A_17 : vector<10240x1xi1>, vector<10240x1xf32>
    %slice3A = vector.extract_strided_slice %select_n3A {offsets = [0, 0], sizes = [10000, 1], strides = [1, 1]} : vector<10240x1xf32> to vector<10000x1xf32>
    %mul3A = vector.broadcast %slice3A : vector<10000x1xf32> to vector<10000x128xf32>
    %mul3A_18 = arith.mulf %add3A, %mul3A : vector<10000x128xf32>
    %get3A_19 = arith.constant 0 : index
    %get3A_20 = arith.constant 0 : index
    %get3A_21 = vector.load %arg3[%get3A_19, %get3A_20] : memref<1x128xf32, #tpu.memory_space<vmem>>, vector<1x128xf32>
    %add3A_22 = vector.broadcast %get3A_21 : vector<1x128xf32> to vector<10000x128xf32>
    %add3A_23 = arith.addf %mul3A_18, %add3A_22 : vector<10000x128xf32>
    %max3A_24 = arith.constant 0.000000e+00 : f32
    %max3A_25 = vector.broadcast %max3A_24 : f32 to vector<10000x128xf32>
    %max3A_26 = arith.maximumf %add3A_23, %max3A_25 : vector<10000x128xf32>
    %get3A_27 = arith.constant 0 : index
    %get3A_28 = arith.constant 0 : index
    %get3A_29 = vector.load %arg4[%get3A_27, %get3A_28] : memref<128x128xf32, #tpu.memory_space<vmem>>, vector<128x128xf32>
    %dot_general3A = arith.constant dense<0.000000e+00> : vector<10000x128xf32>
    %dot_general3A_30 = tpu.matmul %max3A_26, %get3A_29, %dot_general3A {dimension_numbers = #tpu.dot_dimension_numbers<[1], [0], [0], [1], [0, 0, 1, 1], [], []>, transpose_lhs_hint = false} : vector<10000x128xf32>, vector<128x128xf32>, vector<10000x128xf32> -> vector<10000x128xf32>
    %get3A_31 = arith.constant 0 : index
    %get3A_32 = arith.constant 0 : index
    %get3A_33 = vector.load %arg2[%get3A_31, %get3A_32] : memref<10240x32xf32, #tpu.memory_space<vmem>>, vector<10240x32xf32>
    %reduce_sum3A_34 = arith.constant dense<0.000000e+00> : vector<10240xf32>
    %reduce_sum3A_35 = vector.multi_reduction <add>, %get3A_33, %reduce_sum3A_34 [1] : vector<10240x32xf32> to vector<10240xf32>
    %broadcast_in_dim3A_36 = vector.shape_cast %reduce_sum3A_35 : vector<10240xf32> to vector<10240x1xf32>
    %gt3A_37 = arith.constant 0.000000e+00 : f32
    %gt3A_38 = vector.broadcast %gt3A_37 : f32 to vector<10240x1xf32>
    %gt3A_39 = arith.cmpf ogt, %broadcast_in_dim3A_36, %gt3A_38 : vector<10240x1xf32>
    %max3A_40 = arith.constant 1.000000e+00 : f32
    %max3A_41 = vector.broadcast %max3A_40 : f32 to vector<10240x1xf32>
    %max3A_42 = arith.maximumf %broadcast_in_dim3A_36, %max3A_41 : vector<10240x1xf32>
    %rsqrt3A_43 = math.rsqrt %max3A_42 : vector<10240x1xf32>
    %jit3A_44 = arith.constant 0.000000e+00 : f32
    %broadcast_in_dim3A_45 = vector.broadcast %jit3A_44 : f32 to vector<10240x1xf32>
    %select_n3A_46 = arith.select %gt3A_39, %rsqrt3A_43, %broadcast_in_dim3A_45 : vector<10240x1xi1>, vector<10240x1xf32>
    %slice3A_47 = vector.extract_strided_slice %select_n3A_46 {offsets = [0, 0], sizes = [10000, 1], strides = [1, 1]} : vector<10240x1xf32> to vector<10000x1xf32>
    %mul3A_48 = vector.broadcast %slice3A_47 : vector<10000x1xf32> to vector<10000x128xf32>
    %mul3A_49 = arith.mulf %dot_general3A_30, %mul3A_48 : vector<10000x128xf32>
    %swap3A = arith.constant 0 : index
    %swap3A_50 = arith.constant 0 : index
    %swap3A_51 = vector.load %arg5[%swap3A, %swap3A_50] : memref<10240x128xf32, #tpu.memory_space<vmem>>, vector<10000x128xf32>
    tpu.vector_store %arg5[%swap3A, %swap3A_50], %mul3A_49 {strides = array<i32>} : memref<10240x128xf32, #tpu.memory_space<vmem>>, vector<10000x128xf32>,
    %broadcast_in_dim3A_52 = arith.constant 0.000000e+00 : f32
    %broadcast_in_dim3A_53 = vector.broadcast %broadcast_in_dim3A_52 : f32 to vector<240x128xf32>
    %swap3A_54 = arith.constant 10000 : index
    %swap3A_55 = arith.constant 0 : index
    %swap3A_56 = vector.load %arg5[%swap3A_54, %swap3A_55] : memref<10240x128xf32, #tpu.memory_space<vmem>>, vector<240x128xf32>
    tpu.vector_store %arg5[%swap3A_54, %swap3A_55], %broadcast_in_dim3A_53 {strides = array<i32>} : memref<10240x128xf32, #tpu.memory_space<vmem>>, vector<240x128xf32>,
    return
  }
}

module attributes {stable_mosaic.version = 14 : i64} {
  func.func @_tc3_body(%arg0: memref<2x10240x128xf32, #tpu.memory_space<vmem>>, %arg1: memref<10240x32xf32, #tpu.memory_space<vmem>>, %arg2: memref<1x128xf32, #tpu.memory_space<vmem>>, %arg3: memref<10000x128xf32, #tpu.memory_space<vmem>>) attributes {dimension_semantics = [], scalar_prefetch = 0 : i64, scratch_operands = 0 : i64, tpu.core_type = #tpu.core_type<tc>} {
    %get3A = arith.constant 0 : index
    %get3A_0 = arith.constant 0 : index
    %get3A_1 = arith.constant 0 : index
    %get3A_2 = vector.load %arg0[%get3A, %get3A_0, %get3A_1] : memref<2x10240x128xf32, #tpu.memory_space<vmem>>, vector<1x10000x128xf32>
    %get3A_3 = vector.shape_cast %get3A_2 : vector<1x10000x128xf32> to vector<10000x128xf32>
    %get3A_4 = arith.constant 1 : index
    %get3A_5 = arith.constant 0 : index
    %get3A_6 = arith.constant 0 : index
    %get3A_7 = vector.load %arg0[%get3A_4, %get3A_5, %get3A_6] : memref<2x10240x128xf32, #tpu.memory_space<vmem>>, vector<1x10000x128xf32>
    %get3A_8 = vector.shape_cast %get3A_7 : vector<1x10000x128xf32> to vector<10000x128xf32>
    %add3A = arith.addf %get3A_3, %get3A_8 : vector<10000x128xf32>
    %get3A_9 = arith.constant 0 : index
    %get3A_10 = arith.constant 0 : index
    %get3A_11 = vector.load %arg1[%get3A_9, %get3A_10] : memref<10240x32xf32, #tpu.memory_space<vmem>>, vector<10240x32xf32>
    %reduce_sum3A = arith.constant dense<0.000000e+00> : vector<10240xf32>
    %reduce_sum3A_12 = vector.multi_reduction <add>, %get3A_11, %reduce_sum3A [1] : vector<10240x32xf32> to vector<10240xf32>
    %broadcast_in_dim3A = vector.shape_cast %reduce_sum3A_12 : vector<10240xf32> to vector<10240x1xf32>
    %gt3A = arith.constant 0.000000e+00 : f32
    %gt3A_13 = vector.broadcast %gt3A : f32 to vector<10240x1xf32>
    %gt3A_14 = arith.cmpf ogt, %broadcast_in_dim3A, %gt3A_13 : vector<10240x1xf32>
    %max3A = arith.constant 1.000000e+00 : f32
    %max3A_15 = vector.broadcast %max3A : f32 to vector<10240x1xf32>
    %max3A_16 = arith.maximumf %broadcast_in_dim3A, %max3A_15 : vector<10240x1xf32>
    %rsqrt3A = math.rsqrt %max3A_16 : vector<10240x1xf32>
    %jit3A = arith.constant 0.000000e+00 : f32
    %broadcast_in_dim3A_17 = vector.broadcast %jit3A : f32 to vector<10240x1xf32>
    %select_n3A = arith.select %gt3A_14, %rsqrt3A, %broadcast_in_dim3A_17 : vector<10240x1xi1>, vector<10240x1xf32>
    %slice3A = vector.extract_strided_slice %select_n3A {offsets = [0, 0], sizes = [10000, 1], strides = [1, 1]} : vector<10240x1xf32> to vector<10000x1xf32>
    %mul3A = vector.broadcast %slice3A : vector<10000x1xf32> to vector<10000x128xf32>
    %mul3A_18 = arith.mulf %add3A, %mul3A : vector<10000x128xf32>
    %get3A_19 = arith.constant 0 : index
    %get3A_20 = arith.constant 0 : index
    %get3A_21 = vector.load %arg2[%get3A_19, %get3A_20] : memref<1x128xf32, #tpu.memory_space<vmem>>, vector<1x128xf32>
    %add3A_22 = vector.broadcast %get3A_21 : vector<1x128xf32> to vector<10000x128xf32>
    %add3A_23 = arith.addf %mul3A_18, %add3A_22 : vector<10000x128xf32>
    %max3A_24 = arith.constant 0.000000e+00 : f32
    %max3A_25 = vector.broadcast %max3A_24 : f32 to vector<10000x128xf32>
    %max3A_26 = arith.maximumf %add3A_23, %max3A_25 : vector<10000x128xf32>
    %swap3A = arith.constant 0 : index
    %swap3A_27 = arith.constant 0 : index
    %swap3A_28 = vector.load %arg3[%swap3A, %swap3A_27] : memref<10000x128xf32, #tpu.memory_space<vmem>>, vector<10000x128xf32>
    tpu.vector_store %arg3[%swap3A, %swap3A_27], %max3A_26 {strides = array<i32>} : memref<10000x128xf32, #tpu.memory_space<vmem>>, vector<10000x128xf32>,
    return
  }
}

</mosaic_0001>

<sc_bundles>
// kernel: kernel.11.cloned.1.call-start
scs
__scs_entry_jumppad:
0x0: {  	(pc) =	sbr.rel $0x88, $3  }
0x1: {  	(tag) =	ssettag $0x0;
	lr =	simm.s32 $0x1  }
0x2: {  	[smem:$0x3F9B] =	sst lr;
	_ =	strace $0xD0000000  }
0x3: {  	_ = 	snop  }
0x4: {  	_ = 	snop  }
0x5: {  	_ = 	snop  }
0x6: {  	_ = 	snop  }
0x7: {  	_ = 	snop  }
__scs_overlays_trampoline_lowered:
0x8: {  	[smem:$0x3FAA] =	sst s0  }
0x9: {  	[smem:$0x3FAB] =	sst s1  }
0xa: {  	[smem:$0x3FAC] =	sst s2  }
0xb: {  	[smem:$0x3FAD] =	sst s3  }
0xc: {  	[smem:$0x3FAE] =	sst s4  }
0xd: {  	[smem:$0x3FAF] =	sst s5  }
0xe: {  	[smem:$0x3FB0] =	sst s6  }
0xf: {  	[smem:$0x3FB1] =	sst s7  }
0x10: {  	[smem:$0x3FB2] =	sst s8  }
0x11: {  	[smem:$0x3FB3] =	sst s9;
	s0 =	simm.s32 @!p0 $0x0  }
0x12: {  	s1 =	sld [smem:$0x3F99];
	s0 =	simm.s32 @p0 $0x1  }
0x13: {  	[smem:$0x3FB4] =	sst s0;
	s0 =	simm.s32 @!p1 $0x0  }
0x14: {  	s2 =	sld [smem:$0x3F98];
	s0 =	simm.s32 @p1 $0x1  }
0x15: {  	[smem:$0x3FB5] =	sst s0;
	s0 =	simm.s32 @!p2 $0x0  }
0x16: {  	s3 =	sld [smem:$0x3FDB];
	s0 =	simm.s32 @p2 $0x1  }
0x17: {  	s4 =	simm.s32 $0x1BF5;
	[smem:$0x3FB7] =	sst s0  }
0x18: {  	s0 =	sld [smem:$0x3F9A];
	_ =	swait.ge [sflag:s4], $0x0  }
0x19: {  	s7 =	sld [smem:$0x3F9B]  }
0x1a: {  	s8 =	sadd.s32 $0xFFFFE003, lr  }
0x1b: {  	s9 =	sadd.s32 $0xFFFFFEF7, lr;
	s5 =	simm.s32 $0xFFFFFFFF;
	p2 =	slt.u32 s8, $0xFFFFF086  }
0x1c: {  	p1 =	slt.u32 s9, $0xF7A;
	s5 =	simm.s32 @!p2 $0x0  }
0x1d: {  	s5 =	simm.s32 @p1 $0x1;
	p0 =	seq.s32 s7, s2  }
0x1e: {  	s7 =	smul.u32 @!p0 $0xF7A, s2;
	p2 =	seq.s32 @!p0 s5, $0x0  }
0x1f: {  	s9 =	smul.u32 $0xF7A, s1;
	s8 =	simm.s32 @!p0 $0x1BF5;
	p2 =	por !p2, p0  }
0x20: {  	[sflag:s8] =	ssyncset.s32 @!p0 $0xFFFFF086;
	s6 =	sadd.s32 @!p0 s3, s7;
	s7 =	simm.s32 @!p0 $0x108  }
0x21: {  	s3 =	sadd.s32 s3, s9;
	s6 =	sadd.s32 @!p0 $0x88, s6;
	s7 =	simm.s32 @p2 $0x1082  }
0x22: {  	[simem:s7], [sflag:s8] =	dma.local @!p0 [hbm:s6], $0xF7A  }
0x23: {  	s9 =	sor.u32 $0xD0000000, s2;
	s6 =	simm.s32 $0x108;
	_ =	swait.ge @!p0 [sflag:s8], $0x0  }
0x24: {  	s3 =	sadd.s32 $0x88, s3;
	s6 =	simm.s32 @!p1 $0x1082;
	[sflag:s4] =	ssyncset.s32 $0xFFFFF086  }
0x25: {  	[simem:s6], [sflag:s4] =	dma.local [hbm:s3], $0xF7A  }
0x26: {  	[smem:$0x3F9B] =	sst s1;
	(tag) =	ssettag s2;
	_ =	strace s9  }
0x27: {  	s1 =	sld [smem:$0x3FAB]  }
0x28: {  	s2 =	sld [smem:$0x3FAC]  }
0x29: {  	s4 =	sld [smem:$0x3FAE]  }
0x2a: {  	p0 =	seq.s32 s5, $0x0;
	s5 =	sld [smem:$0x3FAF]  }
0x2b: {  	s6 =	sld [smem:$0x3FB0]  }
0x2c: {  	s7 =	sld [smem:$0x3FB1]  }
0x2d: {  	s3 =	simm.s32 $0x108;
	s8 =	sld [smem:$0x3FB2]  }
0x2e: {  	s3 =	simm.s32 @!p0 $0x1082;
	s9 =	sld [smem:$0x3FB3]  }
0x2f: {  	lr =	sadd.s32 s0, s3;
	s0 =	sld [smem:$0x3FAA]  }
0x30: {  	s3 =	sld [smem:$0x3FAD]  }
0x31: {  	[smem:$0x3FB6] =	sst s10  }
0x32: {  	s10 =	sld [smem:$0x3FB4];
	_ =	sdelay $0x3  }
0x33: {  	p0 =	seq.s32 s10, $0x1;
	s10 =	sld [smem:$0x3FB6];
	_ =	sdelay $0x3  }
0x34: {  	[smem:$0x3FB6] =	sst s10  }
0x35: {  	s10 =	sld [smem:$0x3FB5];
	_ =	sdelay $0x3  }
0x36: {  	p1 =	seq.s32 s10, $0x1;
	s10 =	sld [smem:$0x3FB6];
	_ =	sdelay $0x3  }
0x37: {  	[smem:$0x3FB6] =	sst s10  }
0x38: {  	s10 =	sld [smem:$0x3FB7]  }
0x39: {  	_ = 	snop;
	(pc) =	sbr.ind lr, $3  }
0x3a: {  	_ = 	snop  }
0x3b: {  	_ = 	snop  }
0x3c: {  	p2 =	seq.s32 s10, $0x1;
	s10 =	sld [smem:$0x3FB6]  }
0x3d: {  	_ =	shalt  }
0x3e: {  	_ =	shalt  }
0x3f: {  	_ =	shalt  }
0x40: {  	_ =	shalt  }
0x41: {  	_ =	shalt  }
0x42: {  	_ =	shalt  }
0x43: {  	_ =	shalt  }
0x44: {  	_ =	shalt  }
0x45: {  	_ =	shalt  }
0x46: {  	_ =	shalt  }
0x47: {  	_ =	shalt  }
0x48: {  	_ =	shalt  }
0x49: {  	_ =	shalt  }
0x4a: {  	_ =	shalt  }
0x4b: {  	_ =	shalt  }
0x4c: {  	_ =	shalt  }
0x4d: {  	_ =	shalt  }
0x4e: {  	_ =	shalt  }
0x4f: {  	_ =	shalt  }
0x50: {  	_ =	shalt  }
0x51: {  	_ =	shalt  }
0x52: {  	_ =	shalt  }
0x53: {  	_ =	shalt  }
0x54: {  	_ =	shalt  }
0x55: {  	_ =	shalt  }
0x56: {  	_ =	shalt  }
0x57: {  	_ =	shalt  }
0x58: {  	_ =	shalt  }
0x59: {  	_ =	shalt  }
0x5a: {  	_ =	shalt  }
0x5b: {  	_ =	shalt  }
0x5c: {  	_ =	shalt  }
0x5d: {  	_ =	shalt  }
0x5e: {  	_ =	shalt  }
0x5f: {  	_ =	shalt  }
0x60: {  	_ =	shalt  }
0x61: {  	_ =	shalt  }
0x62: {  	_ =	shalt  }
0x63: {  	_ =	shalt  }
0x64: {  	_ =	shalt  }
0x65: {  	_ =	shalt  }
0x66: {  	_ =	shalt  }
0x67: {  	_ =	shalt  }
0x68: {  	_ =	shalt  }
0x69: {  	_ =	shalt  }
0x6a: {  	_ =	shalt  }
0x6b: {  	_ =	shalt  }
0x6c: {  	_ =	shalt  }
0x6d: {  	_ =	shalt  }
0x6e: {  	_ =	shalt  }
0x6f: {  	_ =	shalt  }
0x70: {  	_ =	shalt  }
0x71: {  	_ =	shalt  }
0x72: {  	_ =	shalt  }
0x73: {  	_ =	shalt  }
0x74: {  	_ =	shalt  }
0x75: {  	_ =	shalt  }
0x76: {  	_ =	shalt  }
0x77: {  	_ =	shalt  }
0x78: {  	_ =	shalt  }
0x79: {  	_ =	shalt  }
0x7a: {  	_ =	shalt  }
0x7b: {  	_ =	shalt  }
0x7c: {  	_ =	shalt  }
0x7d: {  	_ =	shalt  }
0x7e: {  	_ =	shalt  }
0x7f: {  	_ =	shalt  }
0x80: {  	_ =	shalt  }
0x81: {  	_ =	shalt  }
0x82: {  	_ =	shalt  }
0x83: {  	_ =	shalt  }
0x84: {  	_ =	shalt  }
0x85: {  	_ =	shalt  }
0x86: {  	_ =	shalt  }
0x87: {  	_ =	shalt  }
.Lfunc_end0:
.L_simem_size_0:
called_computation.1_lowered:
.L_overlay_start_0:
0x88: {  	s2 =	sld [smem:$0x3FD9]  }
0x89: {  	s3 =	sld [smem:$0x3FFE];
	_ =	sdelay $0x1  }
0x8a: {  	s1 =	srdreg.scid  }
0x8b: {  	s0 =	sand.u32 $0x1, s1  }
0x8c: {  	s17 =	sshll.u32 s0, $0xA;
	s2 =	sadd.s32 s3, s2  }
0x8d: {  	s2 =	sadd.s32 s2, s17  }
0x8e: {  	[smem:$0x3FC2] =	sst s2  }
0x8f: {  	_ = 	snop  }
0x90: {  	s2 =	sld [smem:$0x3FD0];
	(tm) =	ssettm $0x1  }
0x91: {  	s18 =	sld [smem:$0x3FFB];
	_ =	sdelay $0x3  }
0x92: {  	_ =	strace s18  }
0x93: {  	s3 =	sld [smem:$0x3FFC];
	_ =	sdelay $0x3  }
0x94: {  	_ =	strace s3  }
0x95: {  	s3 =	sld [smem:$0x3FFD];
	_ =	sdelay $0x3  }
0x96: {  	_ =	strace s3  }
0x97: {  	_ =	strace $0x8FFFFFFF  }
0x98: {  	s19 =	sld [smem:$0x3FDB];
	_ =	sdelay $0x1  }
0x99: {  	s4 =	simm.s32 $_scs_section_size  }
0x9a: {  	s5 =	simm.s32 $_size__tile_overlayer_lowered;
	s6 =	simm.s32 $_tile_overlayer_lowered  }
0x9b: {  	s22 =	simm.s32 $0x1BFF;
	s21 =	sshll.u32 s6, $0x1;
	s3 =	sadd.s32 s4, s19  }
0x9c: {  	s7 =	simm.s32 $0x0;
	s20 =	sshll.u32 s5, $0x1;
	s5 =	sadd.s32 s21, s3  }
0x9d: {  	[timem:s7], [sflag:s22] =	dma.local [hbm:s5], s20  }
0x9e: {  	_ =	swait.ge [sflag:s22], s20  }
0x9f: {  	s4 =	ssub.s32 $0x0, s20;
	[sflag:s22] =	ssyncset.done $0x0  }
0xa0: {  	[sflag:s22] =	ssyncadd.s32 s4;
	_ =	sdelay $0x1  }
0xa1: {  	s23 =	simm.s32 $0x1B8B  }
0xa2: {  	_ =	swait.ge [sflag:s23], $0x1  }
0xa3: {  	[sflag:s23] =	ssyncset.done $0x0  }
0xa4: {  	s25 =	simm.s32 $0x1B8E;
	s24 =	sld [smem:$0x3FFE];
	[sflag:s23] =	ssyncadd.s32 $0xFFFFFFFF  }
0xa5: {  	s26 =	simm.s32 $execute0_lowered;
	[smem:$0x3FD2] =	sst s25  }
0xa6: {  	s5 =	sshll.u32 s26, $0x1;
	_ =	strace $0x80000049;
	[dreg:$0x1] =	wrdreg $0xFFFFFFFF  }
0xa7: {  	s28 =	simm.s32 $_size_execute0_lowered;
	s3 =	sadd.s32 s3, s5;
	[dreg:$0x0] =	wrdreg $0x0  }
0xa8: {  	s5 =	sshll.u32 s28, $0x1;
	[dreg:$0x2] =	wrdreg s3  }
0xa9: {  	[dreg:$0x3] =	wrdreg s5  }
0xaa: {  	[dreg:$0x4] =	wrdreg $0xC0  }
0xab: {  	_ =	task [dreg:s7], $0x5FFFF  }
0xac: {  	[dreg:$0x1] =	wrdreg $0xFFFFFFFF  }
0xad: {  	[dreg:$0x0] =	wrdreg $0x60  }
0xae: {  	[dreg:$0x2] =	wrdreg s24  }
0xaf: {  	[dreg:$0x3] =	wrdreg s2  }
0xb0: {  	[dreg:$0x4] =	wrdreg $0x82000  }
0xb1: {  	[dreg:$0x5] =	wrdreg $0x9  }
0xb2: {  	_ =	task.clear_ibuf [dreg:s7], $0x6FFFF;
	_ =	strace $0x90000049  }
0xb3: {  	s29 =	simm.s32 $0x9;
	_ =	strace $0x8000004B  }
0xb4: {  	_ =	swait.ge [sflag:s29], $0x1  }
0xb5: {  	[sflag:s29] =	ssyncadd.s32 $0xFFFFFFFF  }
0xb6: {  	_ =	strace $0x9000004B  }
0xb7: {  	_ =	sfence  }
0xb8: {  	s30 =	sld [smem:$0x0];
	_ =	sdelay $0x2  }
0xb9: {  	s31 =	sshll.u32 s1, $0xD;
	s1 =	sshrl.u32 s1, $0x2  }
0xba: {  	s3 =	sand.u32 $0x4000, s31;
	s1 =	sadd.s32 s1, s30  }
0xbb: {  	s0 =	sor.u32 s3, s0;
	s1 =	sshll.u32 s1, $0x11  }
0xbc: {  	s0 =	sor.u32 s1, s0  }
0xbd: {  	s0 =	sadd.s32 $0x8F2B, s0  }
0xbe: {  	[sflag:s0] =	ssyncadd.remote.s32 $0x1  }
0xbf: {  	_ =	sfence.sel $0xFFFF  }
0xc0: {  	[dreg:$0x0] =	wrdreg $0xFFFFFFFF;
	(pc) =	sbr.abs _section_cstart, $3  }
0xc1: {  	[dreg:$0x1] =	wrdreg $0xFFFFFFFF  }
0xc2: {  	_ =	task.clear_ibuf [dreg:s7], $0x2FFFF;
	_ =	strace $0x9FFFFFFF  }
0xc3: {  	(tm) =	ssettm $0x7FFFFFFF  }
tec
execute0_lowered:
.L_overlay_start_1:
0x0: {  	(tag) =	ssettag $0x1  }
0x1: {  	s0 =	rddreg [dreg:$0x0]  }
0x2: {  	s1 =	rddreg [dreg:$0x1]  }
0x3: {  	s2 =	rddreg [dreg:$0x2];
	s3 =	srdreg.scid;
	s4 =	simm.s32 $0x0  }
0x4: {  	s10 =	stileid.u32;
	s19 =	simm.s32 $0x200;
	s20 =	simm.s32 $0x4  }
0x5: {  	s21 =	simm.s32 $0x100;
	s22 =	simm.s32 $0x80;
	s23 =	simm.s32 $0x180  }
0x6: {  	s28 =	simm.s32 $0x3;
	s29 =	simm.s32 $0x0;
	s8 =	smul.u32 $0x14000, s10  }
0x7: {  	s3 =	sand.u32 $0x1, s3;
	[smem:$0x7FF] =	sst s4;
	s24 =	smul.u32 $0x50000, s10  }
0x8: {  	s5 =	sadd.s32 $0x20200, s0;
	s6 =	sadd.s32 $0x2200, s0;
	s10 =	smul.u32 $0x50, s10  }
0x9: {  	s7 =	smul.u32 $0x140000, s3;
	_ =	strace $0x8000004A;
	s9 =	ssub.s32 $0x2, s3  }
0xa: {  	p0 =	seq.s32 s3, $0x0;
	s11 =	sshrl.u32 s9, $0x1;
	s25 =	sshrl.u32 s24, $0x2  }
0xb: {  	s3 =	sadd.s32 $0x500, s10;
	s24 =	simm.s32 $0x1;
	s7 =	sadd.s32 s8, s7  }
0xc: {  	s16 =	ssub.s32 s9, s11;
	s3 =	smov.u32 @p0 s10;
	s7 =	sshrl.u32 s7, $0x3  }
0xd: {  	s11 =	sshll.u32 s3, $0x4;
	s16 =	smax.u32 s16, $0x1;
	s0 =	sadd.s32 s7, s0  }
0xe: {  	s7 =	sadd.s32 s25, s2;
	s13 =	sadd.s32 s6, s11;
	s14 =	sadd.s32 s1, s11  }
0xf: {  	s31 =	sadd.s32 $0x4F0, s11;
	s25 =	simm.s32 $0x4200;
	s26 =	sadd.s32 $0x4000, s7  }
0x10: {  	s30 =	sadd.s32 $0x8000, s7;
	s10 =	sadd.s32 $0xC000, s7;
	s12 =	sadd.s32 $0x10000, s7  }
0x11: {  	s15 =	sadd.s32 $0x48200, s0;
	s17 =	sadd.s32 s6, s31;
	[dreg:$0x4] =	wrdreg s26  }
0x12: {  	v0 =	vimm.f32 $0.0e+00;
	s18 =	sadd.s32 s1, s31;
	[dreg:$0x5] =	wrdreg s30;
	s26 =	simm.s32 $0x2  }
.LBB2_1:
0x13: {  	s0 =	sand.u32 $0xFE00, s4  }
0x14: {  	s3 =	sand.u32 $0x70, s4;
	s30 =	sshrl.u32 s0, $0x2  }
0x15: {  	s0 =	simm.s32 $0x40;
	s3 =	sor.u32 s3, s30;
	s30 =	simm.s32 $0x0  }
.LBB2_2:
0x16: {  	p0 =	sne.s32 s0, $0xFFC0  }
0x17: {  	[tilespmem:s3+$0x200] =	vst v0;
	s30 =	sadd.s32 $0x10, s30;
	s3 =	smov.u32 s0;
	s0 =	sadd.s32 $0x40, s0  }
.Ltmp0:
0x18: {  	(pc) =	sbr.rel @p0 .LBB2_2-.Ltmp0, $4  }
0x19: {  	_ = 	snop  }
0x1a: {  	s3 =	sand.u32 $0xFE00, s3  }
0x1b: {  	s31 =	sand.u32 $0x70, s30;
	s3 =	sshrl.u32 s3, $0x2  }
0x1c: {  	s3 =	sor.u32 s31, s3  }
0x1d: {  	[tilespmem:s3+$0x200] =	vst v0  }
0x1e: {  	[spmem:s7] =	stream.linear.scatter [tilespmem:s19], [sflag:$0x4], $0x4000, $0x38;
	[tilespmem:$0x1C200] =	vst v63  }
0x1f: {  	_ =	swait.ge [sflag:s20], $0x4000  }
0x20: {  	[sflag:s20] =	ssyncset.done $0x0  }
0x21: {  	s0 =	rddreg [dreg:$0x4];
	[sflag:s20] =	ssyncadd.s32 $0xFFFFC000  }
0x22: {  	[spmem:s0] =	stream.linear.scatter [tilespmem:s19], [sflag:$0x4], $0x4000, $0x38;
	[tilespmem:$0x1C200] =	vst v63  }
0x23: {  	_ =	swait.ge [sflag:s20], $0x4000  }
0x24: {  	[sflag:s20] =	ssyncset.done $0x0  }
0x25: {  	s3 =	rddreg [dreg:$0x5];
	[sflag:s20] =	ssyncadd.s32 $0xFFFFC000  }
0x26: {  	[spmem:s3] =	stream.linear.scatter [tilespmem:s19], [sflag:$0x4], $0x4000, $0x38;
	[tilespmem:$0x1C200] =	vst v63  }
0x27: {  	_ =	swait.ge [sflag:s20], $0x4000  }
0x28: {  	[sflag:s20] =	ssyncset.done $0x0  }
0x29: {  	[sflag:s20] =	ssyncadd.s32 $0xFFFFC000  }
0x2a: {  	[spmem:s10] =	stream.linear.scatter [tilespmem:s19], [sflag:$0x4], $0x4000, $0x38;
	[tilespmem:$0x1C200] =	vst v63  }
0x2b: {  	_ =	swait.ge [sflag:s20], $0x4000  }
0x2c: {  	[sflag:s20] =	ssyncset.done $0x0  }
0x2d: {  	[sflag:s20] =	ssyncadd.s32 $0xFFFFC000  }
0x2e: {  	[spmem:s12] =	stream.linear.scatter [tilespmem:s19], [sflag:$0x4], $0x4000, $0x38;
	[tilespmem:$0x1C200] =	vst v63  }
0x2f: {  	_ =	swait.ge [sflag:s20], $0x4000  }
0x30: {  	[sflag:s20] =	ssyncset.done $0x0  }
0x31: {  	[sflag:s20] =	ssyncadd.s32 $0xFFFFC000  }
0x32: {  	[bflag:$0x0] =	sbarrier.arrive $0xFFFF  }
0x33: {  	[tilespmem:s4], [sflag:$0x4] =	stream.linear.gather [hbm4b:s13+s4], $0x80, $0x38;
	[tilespmem:$0x1C200] =	vst v63  }
0x34: {  	_ =	swait.ge [sflag:s20], $0x80  }
0x35: {  	s0 =	sadd.s32 $0x20, s11;
	[sflag:s20] =	ssyncset.done $0x0  }
0x36: {  	s30 =	simm.s32 $0x0;
	s8 =	sadd.s32 $0xFFFFFFE0, s0;
	[sflag:s20] =	ssyncadd.s32 $0xFFFFFF80  }
0x37: {  	[tilespmem:s21], [sflag:$0x4] =	stream.linear.gather [hbm4b:s14+s4], $0x80, $0x38;
	[tilespmem:$0x1C200] =	vst v63  }
0x38: {  	s30 =	sand.u32 $0x60, s30;
	s3 =	sand.u32 $0xFFFFF80, s8;
	_ =	swait.ge [sflag:s20], $0x80  }
0x39: {  	s3 =	sor.u32 s3, s30;
	[sflag:s20] =	ssyncset.done $0x0  }
0x3a: {  	s3 =	sor.u32 $0x10, s3;
	[sflag:s20] =	ssyncadd.s32 $0xFFFFFF80  }
0x3b: {  	[tilespmem:s19], [sflag:$0x2] =	stream.indirect.gather [hbm4b:s5+s22], $0x80, s4, s22, $0xb8;
	[tilespmem:$0x1C200] =	vst v63  }
0x3c: {  	s30 =	sadd.s32 s6, s3  }
0x3d: {  	[tilespmem:s22], [sflag:$0x1] =	stream.linear.gather [hbm4b:s30+s4], $0x80, $0x38;
	[tilespmem:$0x1C200] =	vst v63  }
0x3e: {  	s3 =	sadd.s32 s1, s3  }
0x3f: {  	[tilespmem:s23], [sflag:$0x1] =	stream.linear.gather [hbm4b:s3+s4], $0x80, $0x38;
	[tilespmem:$0x1C200] =	vst v63  }
0x40: {  	_ =	swait.ge [sflag:s24], $0x80  }
0x41: {  	[sflag:s24] =	ssyncset.done $0x0  }
0x42: {  	[sflag:s24] =	ssyncadd.s32 $0xFFFFFF80  }
0x43: {  	_ =	swait.ge [sflag:s24], $0x80  }
0x44: {  	[sflag:s24] =	ssyncset.done $0x0  }
0x45: {  	[sflag:s24] =	ssyncadd.s32 $0xFFFFFF80  }
0x46: {  	[tilespmem:s25], [sflag:$0x3] =	stream.indirect.gather [hbm4b:s5+s22], $0x80, s22, s22, $0xb8;
	[tilespmem:$0x1C200] =	vst v63  }
0x47: {  	_ =	swait.ge [sflag:s26], $0x4000  }
0x48: {  	[sflag:s26] =	ssyncset.done $0x0  }
0x49: {  	s9 =	simm.s32 $0x20;
	[sflag:s26] =	ssyncadd.s32 $0xFFFFC000  }
0x4a: {  	[spmem:s2] =	stream.indirect.scatter.add.f32 [tilespmem:s19], [sflag:$0x4], $0x80, s21, s22, $0xb8;
	[tilespmem:$0x1C200] =	vst v63  }
0x4b: {  	s0 =	sand.u32 $0xFFFFF80, s0;
	s3 =	sand.u32 $0x70, s9;
	_ =	swait.ge [sflag:s20], $0x4000  }
0x4c: {  	s0 =	sor.u32 s3, s0;
	[sflag:s20] =	ssyncset.done $0x0  }
0x4d: {  	s3 =	sadd.s32 s6, s0;
	[sflag:s20] =	ssyncadd.s32 $0xFFFFC000  }
0x4e: {  	[tilespmem:s4], [sflag:$0x1] =	stream.linear.gather [hbm4b:s3+s4], $0x80, $0x38;
	[tilespmem:$0x1C200] =	vst v63  }
0x4f: {  	s0 =	sadd.s32 s1, s0  }
0x50: {  	[tilespmem:s21], [sflag:$0x1] =	stream.linear.gather [hbm4b:s0+s4], $0x80, $0x38;
	[tilespmem:$0x1C200] =	vst v63  }
0x51: {  	_ =	swait.ge [sflag:s24], $0x80  }
0x52: {  	[sflag:s24] =	ssyncset.done $0x0  }
0x53: {  	[sflag:s24] =	ssyncadd.s32 $0xFFFFFF80  }
0x54: {  	_ =	swait.ge [sflag:s24], $0x80  }
0x55: {  	s8 =	sadd.s32 $0x40, s11;
	[sflag:s24] =	ssyncset.done $0x0  }
0x56: {  	s30 =	simm.s32 $0x20;
	s9 =	sadd.s32 $0xFFFFFFE0, s8;
	[sflag:s24] =	ssyncadd.s32 $0xFFFFFF80  }
0x57: {  	[tilespmem:s19], [sflag:$0x2] =	stream.indirect.gather [hbm4b:s5+s22], $0x80, s4, s22, $0xb8;
	[tilespmem:$0x1C200] =	vst v63  }
0x58: {  	s31 =	sand.u32 $0x60, s30;
	s3 =	sand.u32 $0xFFFFF80, s9;
	_ =	swait.ge [sflag:s28], $0x4000  }
0x59: {  	s30 =	simm.s32 $0x40;
	s3 =	sor.u32 s3, s31;
	[sflag:s28] =	ssyncset.done $0x0  }
0x5a: {  	s31 =	simm.s32 $0x60;
	s0 =	sand.u32 $0xFFFFF80, s8;
	[sflag:s28] =	ssyncadd.s32 $0xFFFFC000  }
.LBB2_4:
0x5b: {  	p0 =	sne.s32 s31, $0x4E0  }
0x5c: {  	s3 =	sor.u32 $0x10, s3;
	s8 =	smov.u32 s31;
	s31 =	sadd.s32 $0x20, s31  }
0x5d: {  	[spmem:s2] =	stream.indirect.scatter.add.f32 [tilespmem:s25], [sflag:$0x4], $0x80, s23, s22, $0xb8;
	[tilespmem:$0x1C200] =	vst v63  }
0x5e: {  	_ =	swait.ge [sflag:s20], $0x4000  }
0x5f: {  	[sflag:s20] =	ssyncset.done $0x0  }
0x60: {  	s9 =	sadd.s32 s6, s3;
	[sflag:s20] =	ssyncadd.s32 $0xFFFFC000  }
0x61: {  	[tilespmem:s22], [sflag:$0x1] =	stream.linear.gather [hbm4b:s9+s4], $0x80, $0x38;
	[tilespmem:$0x1C200] =	vst v63  }
0x62: {  	s3 =	sadd.s32 s1, s3  }
0x63: {  	[tilespmem:s23], [sflag:$0x1] =	stream.linear.gather [hbm4b:s3+s4], $0x80, $0x38;
	[tilespmem:$0x1C200] =	vst v63  }
0x64: {  	_ =	swait.ge [sflag:s24], $0x80  }
0x65: {  	[sflag:s24] =	ssyncset.done $0x0  }
0x66: {  	[sflag:s24] =	ssyncadd.s32 $0xFFFFFF80  }
0x67: {  	_ =	swait.ge [sflag:s24], $0x80  }
0x68: {  	[sflag:s24] =	ssyncset.done $0x0  }
0x69: {  	[sflag:s24] =	ssyncadd.s32 $0xFFFFFF80  }
0x6a: {  	[tilespmem:s25], [sflag:$0x3] =	stream.indirect.gather [hbm4b:s5+s22], $0x80, s22, s22, $0xb8;
	[tilespmem:$0x1C200] =	vst v63  }
0x6b: {  	_ =	swait.ge [sflag:s26], $0x4000  }
0x6c: {  	[sflag:s26] =	ssyncset.done $0x0  }
0x6d: {  	[sflag:s26] =	ssyncadd.s32 $0xFFFFC000  }
0x6e: {  	[spmem:s2] =	stream.indirect.scatter.add.f32 [tilespmem:s19], [sflag:$0x4], $0x80, s21, s22, $0xb8;
	[tilespmem:$0x1C200] =	vst v63  }
0x6f: {  	s3 =	sand.u32 $0x70, s30;
	s30 =	smov.u32 s8;
	_ =	swait.ge [sflag:s20], $0x4000  }
0x70: {  	s0 =	sor.u32 s3, s0;
	[sflag:s20] =	ssyncset.done $0x0  }
0x71: {  	s3 =	sadd.s32 s6, s0;
	[sflag:s20] =	ssyncadd.s32 $0xFFFFC000  }
0x72: {  	[tilespmem:s4], [sflag:$0x1] =	stream.linear.gather [hbm4b:s3+s4], $0x80, $0x38;
	[tilespmem:$0x1C200] =	vst v63  }
0x73: {  	s0 =	sadd.s32 s1, s0  }
0x74: {  	[tilespmem:s21], [sflag:$0x1] =	stream.linear.gather [hbm4b:s0+s4], $0x80, $0x38;
	[tilespmem:$0x1C200] =	vst v63  }
0x75: {  	_ =	swait.ge [sflag:s24], $0x80  }
0x76: {  	[sflag:s24] =	ssyncset.done $0x0  }
0x77: {  	[sflag:s24] =	ssyncadd.s32 $0xFFFFFF80  }
0x78: {  	_ =	swait.ge [sflag:s24], $0x80  }
0x79: {  	[sflag:s24] =	ssyncset.done $0x0  }
.Ltmp1:
0x7a: {  	s0 =	sadd.s32 s30, s11;
	[sflag:s24] =	ssyncadd.s32 $0xFFFFFF80;
	(pc) =	sbr.rel @p0 .LBB2_4-.Ltmp1, $4  }
0x7b: {  	[tilespmem:s19], [sflag:$0x2] =	stream.indirect.gather [hbm4b:s5+s22], $0x80, s4, s22, $0xb8;
	[tilespmem:$0x1C200] =	vst v63  }
0x7c: {  	s8 =	sadd.s32 $0xFFFFFFE0, s30;
	s3 =	sadd.s32 $0xFFFFFFE0, s0;
	_ =	swait.ge [sflag:s28], $0x4000  }
0x7d: {  	s8 =	sand.u32 $0x60, s8;
	s3 =	sand.u32 $0xFFFFF80, s3;
	[sflag:s28] =	ssyncset.done $0x0  }
0x7e: {  	s0 =	sand.u32 $0xFFFFF80, s0;
	s3 =	sor.u32 s3, s8;
	[sflag:s28] =	ssyncadd.s32 $0xFFFFC000  }
0x7f: {  	[spmem:s2] =	stream.indirect.scatter.add.f32 [tilespmem:s25], [sflag:$0x4], $0x80, s23, s22, $0xb8;
	[tilespmem:$0x1C200] =	vst v63  }
0x80: {  	_ =	swait.ge [sflag:s20], $0x4000  }
0x81: {  	s3 =	sor.u32 $0x10, s3;
	[sflag:s20] =	ssyncset.done $0x0  }
0x82: {  	s8 =	sadd.s32 s6, s3;
	[sflag:s20] =	ssyncadd.s32 $0xFFFFC000  }
0x83: {  	[tilespmem:s22], [sflag:$0x1] =	stream.linear.gather [hbm4b:s8+s4], $0x80, $0x38;
	[tilespmem:$0x1C200] =	vst v63  }
0x84: {  	s3 =	sadd.s32 s1, s3  }
0x85: {  	[tilespmem:s23], [sflag:$0x1] =	stream.linear.gather [hbm4b:s3+s4], $0x80, $0x38;
	[tilespmem:$0x1C200] =	vst v63  }
0x86: {  	_ =	swait.ge [sflag:s24], $0x80  }
0x87: {  	[sflag:s24] =	ssyncset.done $0x0  }
0x88: {  	[sflag:s24] =	ssyncadd.s32 $0xFFFFFF80  }
0x89: {  	_ =	swait.ge [sflag:s24], $0x80  }
0x8a: {  	[sflag:s24] =	ssyncset.done $0x0  }
0x8b: {  	[sflag:s24] =	ssyncadd.s32 $0xFFFFFF80  }
0x8c: {  	[tilespmem:s25], [sflag:$0x3] =	stream.indirect.gather [hbm4b:s5+s22], $0x80, s22, s22, $0xb8;
	[tilespmem:$0x1C200] =	vst v63  }
0x8d: {  	_ =	swait.ge [sflag:s26], $0x4000  }
0x8e: {  	[sflag:s26] =	ssyncset.done $0x0  }
0x8f: {  	[sflag:s26] =	ssyncadd.s32 $0xFFFFC000  }
0x90: {  	[spmem:s2] =	stream.indirect.scatter.add.f32 [tilespmem:s19], [sflag:$0x4], $0x80, s21, s22, $0xb8;
	[tilespmem:$0x1C200] =	vst v63  }
0x91: {  	s9 =	sand.u32 $0x70, s30;
	_ =	swait.ge [sflag:s20], $0x4000  }
0x92: {  	s0 =	sor.u32 s9, s0;
	[sflag:s20] =	ssyncset.done $0x0  }
0x93: {  	s3 =	sadd.s32 s6, s0;
	[sflag:s20] =	ssyncadd.s32 $0xFFFFC000  }
0x94: {  	[tilespmem:s4], [sflag:$0x1] =	stream.linear.gather [hbm4b:s3+s4], $0x80, $0x38;
	[tilespmem:$0x1C200] =	vst v63  }
0x95: {  	s0 =	sadd.s32 s1, s0  }
0x96: {  	[tilespmem:s21], [sflag:$0x1] =	stream.linear.gather [hbm4b:s0+s4], $0x80, $0x38;
	[tilespmem:$0x1C200] =	vst v63  }
0x97: {  	_ =	swait.ge [sflag:s24], $0x80  }
0x98: {  	[sflag:s24] =	ssyncset.done $0x0  }
0x99: {  	[sflag:s24] =	ssyncadd.s32 $0xFFFFFF80  }
0x9a: {  	_ =	swait.ge [sflag:s24], $0x80  }
0x9b: {  	[sflag:s24] =	ssyncset.done $0x0  }
0x9c: {  	[sflag:s24] =	ssyncadd.s32 $0xFFFFFF80  }
0x9d: {  	[tilespmem:s19], [sflag:$0x2] =	stream.indirect.gather [hbm4b:s5+s22], $0x80, s4, s22, $0xb8;
	[tilespmem:$0x1C200] =	vst v63  }
0x9e: {  	_ =	swait.ge [sflag:s28], $0x4000  }
0x9f: {  	[sflag:s28] =	ssyncset.done $0x0  }
0xa0: {  	[sflag:s28] =	ssyncadd.s32 $0xFFFFC000  }
0xa1: {  	[spmem:s2] =	stream.indirect.scatter.add.f32 [tilespmem:s25], [sflag:$0x4], $0x80, s23, s22, $0xb8;
	[tilespmem:$0x1C200] =	vst v63  }
0xa2: {  	_ =	swait.ge [sflag:s20], $0x4000  }
0xa3: {  	[sflag:s20] =	ssyncset.done $0x0  }
0xa4: {  	[sflag:s20] =	ssyncadd.s32 $0xFFFFC000  }
0xa5: {  	[tilespmem:s22], [sflag:$0x1] =	stream.linear.gather [hbm4b:s17+s4], $0x80, $0x38;
	[tilespmem:$0x1C200] =	vst v63  }
0xa6: {  	_ = 	snop  }
0xa7: {  	[tilespmem:s23], [sflag:$0x1] =	stream.linear.gather [hbm4b:s18+s4], $0x80, $0x38;
	[tilespmem:$0x1C200] =	vst v63  }
0xa8: {  	_ =	swait.ge [sflag:s24], $0x80  }
0xa9: {  	[sflag:s24] =	ssyncset.done $0x0  }
0xaa: {  	[sflag:s24] =	ssyncadd.s32 $0xFFFFFF80  }
0xab: {  	_ =	swait.ge [sflag:s24], $0x80  }
0xac: {  	[sflag:s24] =	ssyncset.done $0x0  }
0xad: {  	[sflag:s24] =	ssyncadd.s32 $0xFFFFFF80  }
0xae: {  	[tilespmem:s25], [sflag:$0x3] =	stream.indirect.gather [hbm4b:s5+s22], $0x80, s22, s22, $0xb8;
	[tilespmem:$0x1C200] =	vst v63  }
0xaf: {  	_ =	swait.ge [sflag:s26], $0x4000  }
0xb0: {  	[sflag:s26] =	ssyncset.done $0x0  }
0xb1: {  	[sflag:s26] =	ssyncadd.s32 $0xFFFFC000  }
0xb2: {  	[spmem:s2] =	stream.indirect.scatter.add.f32 [tilespmem:s19], [sflag:$0x4], $0x80, s21, s22, $0xb8;
	[tilespmem:$0x1C200] =	vst v63  }
0xb3: {  	_ =	swait.ge [sflag:s20], $0x4000  }
0xb4: {  	[sflag:s20] =	ssyncset.done $0x0  }
0xb5: {  	[sflag:s20] =	ssyncadd.s32 $0xFFFFC000  }
0xb6: {  	[tilespmem:s4], [sflag:$0x1] =	stream.linear.gather [hbm4b:s17+s4], $0x80, $0x38;
	[tilespmem:$0x1C200] =	vst v63  }
0xb7: {  	_ = 	snop  }
0xb8: {  	[tilespmem:s21], [sflag:$0x1] =	stream.linear.gather [hbm4b:s18+s4], $0x80, $0x38;
	[tilespmem:$0x1C200] =	vst v63  }
0xb9: {  	_ =	swait.ge [sflag:s24], $0x80  }
0xba: {  	[sflag:s24] =	ssyncset.done $0x0  }
0xbb: {  	[sflag:s24] =	ssyncadd.s32 $0xFFFFFF80  }
0xbc: {  	_ =	swait.ge [sflag:s24], $0x80  }
0xbd: {  	[sflag:s24] =	ssyncset.done $0x0  }
0xbe: {  	[sflag:s24] =	ssyncadd.s32 $0xFFFFFF80  }
0xbf: {  	[tilespmem:s19], [sflag:$0x2] =	stream.indirect.gather [hbm4b:s5+s22], $0x80, s4, s22, $0xb8;
	[tilespmem:$0x1C200] =	vst v63  }
0xc0: {  	_ =	swait.ge [sflag:s28], $0x4000  }
0xc1: {  	[sflag:s28] =	ssyncset.done $0x0  }
0xc2: {  	[sflag:s28] =	ssyncadd.s32 $0xFFFFC000  }
0xc3: {  	[spmem:s2] =	stream.indirect.scatter.add.f32 [tilespmem:s25], [sflag:$0x4], $0x80, s23, s22, $0xb8;
	[tilespmem:$0x1C200] =	vst v63  }
0xc4: {  	_ =	swait.ge [sflag:s20], $0x4000  }
0xc5: {  	[sflag:s20] =	ssyncset.done $0x0  }
0xc6: {  	[sflag:s20] =	ssyncadd.s32 $0xFFFFC000  }
0xc7: {  	s30 =	stileid.u32;
	_ =	swait.ge [sflag:s26], $0x4000  }
0xc8: {  	s31 =	sshrl.u32 s7, $0x3;
	s29 =	sadd.s32 $0x1, s29;
	[sflag:s26] =	ssyncset.done $0x0  }
0xc9: {  	p0 =	sne.s32 s29, s16;
	s0 =	sshll.u32 s30, $0x6;
	[sflag:s26] =	ssyncadd.s32 $0xFFFFC000  }
.Ltmp2:
0xca: {  	s0 =	sor.u32 $0x1C04, s0;
	[bflag:$0x0] =	sbarrier.arrive $0xFFFF;
	(pc) =	sbr.rel @p0 .LBB2_1-.Ltmp2, $4  }
0xcb: {  	[hbm:s15], [sflag:s0] =	dma.local [spmem:s31], $0x2800  }
0xcc: {  	_ =	swait.ge [sflag:s20], $0x2800  }
0xcd: {  	[sflag:s20] =	ssyncset.done $0x0  }
0xce: {  	[sflag:s20] =	ssyncadd.s32 $0xFFFFD800  }
0xcf: {  	_ =	sfence.sel $0x180000  }
0xd0: {  	[bflag:$0x0] =	sbarrier.arrive $0xFFFF  }
0xd1: {  	_ =	strace $0x9000004A  }
0xd2: {  	s0 =	stileid.u32;
	[bflag:$0x2] =	sbarrier.arrive $0xFFFF  }
0xd3: {  	p0 =	sne.s32 s0, $0x0;
	s0 =	rddreg [dreg:$0x3]  }
0xd4: {  	s0 =	sadd.s32 @!p0 $0x100000, s0  }
0xd5: {  	[sflag:s0] =	ssyncadd.tile.s32 @!p0 $0x1;
	_ =	shalt  }
.Lfunc_end2:
_tile_overlayer_lowered:
.L_overlay_start_2:
0xd6: {  	(tag) =	ssettag $0x2  }
0xd7: {  	s0 =	rddreg [dreg:$0x0];
	s2 =	stileid.u32  }
0xd8: {  	s1 =	rddreg [dreg:$0x1];
	p0 =	sne.s32 s2, $0x0  }
0xd9: {  	s3 =	rddreg [dreg:$0x2];
	[bflag:$0x3] =	sbarrier.arrive $0xFFFF;
	s2 =	simm.s32 @!p0 $0x1C04  }
0xda: {  	[timem:s3], [sflag:s2] =	dma.local @!p0 [hbm:s0], s1  }
0xdb: {  	s0 =	simm.s32 @!p0 $0x4  }
0xdc: {  	_ =	swait.ge @!p0 [sflag:s0], s1  }
0xdd: {  	s1 =	ssub.s32 @!p0 $0x0, s1;
	[sflag:s0] =	ssyncset.done @!p0 $0x0  }
0xde: {  	[sflag:s0] =	ssyncadd.s32 @!p0 s1  }
0xdf: {  	[bflag:$0x3] =	sbarrier.arrive $0xFFFF  }
0xe0: {  	_ =	shalt  }

// kernel: kernel.14.cloned.1.call-start
scs
__scs_entry_jumppad:
0x0: {  	(pc) =	sbr.rel $0x88, $3  }
0x1: {  	(tag) =	ssettag $0x0;
	lr =	simm.s32 $0x1  }
0x2: {  	[smem:$0x3F9B] =	sst lr;
	_ =	strace $0xD0000000  }
0x3: {  	_ = 	snop  }
0x4: {  	_ = 	snop  }
0x5: {  	_ = 	snop  }
0x6: {  	_ = 	snop  }
0x7: {  	_ = 	snop  }
__scs_overlays_trampoline_lowered:
0x8: {  	[smem:$0x3FAA] =	sst s0  }
0x9: {  	[smem:$0x3FAB] =	sst s1  }
0xa: {  	[smem:$0x3FAC] =	sst s2  }
0xb: {  	[smem:$0x3FAD] =	sst s3  }
0xc: {  	[smem:$0x3FAE] =	sst s4  }
0xd: {  	[smem:$0x3FAF] =	sst s5  }
0xe: {  	[smem:$0x3FB0] =	sst s6  }
0xf: {  	[smem:$0x3FB1] =	sst s7  }
0x10: {  	[smem:$0x3FB2] =	sst s8  }
0x11: {  	[smem:$0x3FB3] =	sst s9;
	s0 =	simm.s32 @!p0 $0x0  }
0x12: {  	s1 =	sld [smem:$0x3F99];
	s0 =	simm.s32 @p0 $0x1  }
0x13: {  	[smem:$0x3FB4] =	sst s0;
	s0 =	simm.s32 @!p1 $0x0  }
0x14: {  	s2 =	sld [smem:$0x3F98];
	s0 =	simm.s32 @p1 $0x1  }
0x15: {  	[smem:$0x3FB5] =	sst s0;
	s0 =	simm.s32 @!p2 $0x0  }
0x16: {  	s3 =	sld [smem:$0x3FDB];
	s0 =	simm.s32 @p2 $0x1  }
0x17: {  	s4 =	simm.s32 $0x1BF5;
	[smem:$0x3FB7] =	sst s0  }
0x18: {  	s0 =	sld [smem:$0x3F9A];
	_ =	swait.ge [sflag:s4], $0x0  }
0x19: {  	s7 =	sld [smem:$0x3F9B]  }
0x1a: {  	s8 =	sadd.s32 $0xFFFFE003, lr  }
0x1b: {  	s9 =	sadd.s32 $0xFFFFFEF7, lr;
	s5 =	simm.s32 $0xFFFFFFFF;
	p2 =	slt.u32 s8, $0xFFFFF086  }
0x1c: {  	p1 =	slt.u32 s9, $0xF7A;
	s5 =	simm.s32 @!p2 $0x0  }
0x1d: {  	s5 =	simm.s32 @p1 $0x1;
	p0 =	seq.s32 s7, s2  }
0x1e: {  	s7 =	smul.u32 @!p0 $0xF7A, s2;
	p2 =	seq.s32 @!p0 s5, $0x0  }
0x1f: {  	s9 =	smul.u32 $0xF7A, s1;
	s8 =	simm.s32 @!p0 $0x1BF5;
	p2 =	por !p2, p0  }
0x20: {  	[sflag:s8] =	ssyncset.s32 @!p0 $0xFFFFF086;
	s6 =	sadd.s32 @!p0 s3, s7;
	s7 =	simm.s32 @!p0 $0x108  }
0x21: {  	s3 =	sadd.s32 s3, s9;
	s6 =	sadd.s32 @!p0 $0x88, s6;
	s7 =	simm.s32 @p2 $0x1082  }
0x22: {  	[simem:s7], [sflag:s8] =	dma.local @!p0 [hbm:s6], $0xF7A  }
0x23: {  	s9 =	sor.u32 $0xD0000000, s2;
	s6 =	simm.s32 $0x108;
	_ =	swait.ge @!p0 [sflag:s8], $0x0  }
0x24: {  	s3 =	sadd.s32 $0x88, s3;
	s6 =	simm.s32 @!p1 $0x1082;
	[sflag:s4] =	ssyncset.s32 $0xFFFFF086  }
0x25: {  	[simem:s6], [sflag:s4] =	dma.local [hbm:s3], $0xF7A  }
0x26: {  	[smem:$0x3F9B] =	sst s1;
	(tag) =	ssettag s2;
	_ =	strace s9  }
0x27: {  	s1 =	sld [smem:$0x3FAB]  }
0x28: {  	s2 =	sld [smem:$0x3FAC]  }
0x29: {  	s4 =	sld [smem:$0x3FAE]  }
0x2a: {  	p0 =	seq.s32 s5, $0x0;
	s5 =	sld [smem:$0x3FAF]  }
0x2b: {  	s6 =	sld [smem:$0x3FB0]  }
0x2c: {  	s7 =	sld [smem:$0x3FB1]  }
0x2d: {  	s3 =	simm.s32 $0x108;
	s8 =	sld [smem:$0x3FB2]  }
0x2e: {  	s3 =	simm.s32 @!p0 $0x1082;
	s9 =	sld [smem:$0x3FB3]  }
0x2f: {  	lr =	sadd.s32 s0, s3;
	s0 =	sld [smem:$0x3FAA]  }
0x30: {  	s3 =	sld [smem:$0x3FAD]  }
0x31: {  	[smem:$0x3FB6] =	sst s10  }
0x32: {  	s10 =	sld [smem:$0x3FB4];
	_ =	sdelay $0x3  }
0x33: {  	p0 =	seq.s32 s10, $0x1;
	s10 =	sld [smem:$0x3FB6];
	_ =	sdelay $0x3  }
0x34: {  	[smem:$0x3FB6] =	sst s10  }
0x35: {  	s10 =	sld [smem:$0x3FB5];
	_ =	sdelay $0x3  }
0x36: {  	p1 =	seq.s32 s10, $0x1;
	s10 =	sld [smem:$0x3FB6];
	_ =	sdelay $0x3  }
0x37: {  	[smem:$0x3FB6] =	sst s10  }
0x38: {  	s10 =	sld [smem:$0x3FB7]  }
0x39: {  	_ = 	snop;
	(pc) =	sbr.ind lr, $3  }
0x3a: {  	_ = 	snop  }
0x3b: {  	_ = 	snop  }
0x3c: {  	p2 =	seq.s32 s10, $0x1;
	s10 =	sld [smem:$0x3FB6]  }
0x3d: {  	_ =	shalt  }
0x3e: {  	_ =	shalt  }
0x3f: {  	_ =	shalt  }
0x40: {  	_ =	shalt  }
0x41: {  	_ =	shalt  }
0x42: {  	_ =	shalt  }
0x43: {  	_ =	shalt  }
0x44: {  	_ =	shalt  }
0x45: {  	_ =	shalt  }
0x46: {  	_ =	shalt  }
0x47: {  	_ =	shalt  }
0x48: {  	_ =	shalt  }
0x49: {  	_ =	shalt  }
0x4a: {  	_ =	shalt  }
0x4b: {  	_ =	shalt  }
0x4c: {  	_ =	shalt  }
0x4d: {  	_ =	shalt  }
0x4e: {  	_ =	shalt  }
0x4f: {  	_ =	shalt  }
0x50: {  	_ =	shalt  }
0x51: {  	_ =	shalt  }
0x52: {  	_ =	shalt  }
0x53: {  	_ =	shalt  }
0x54: {  	_ =	shalt  }
0x55: {  	_ =	shalt  }
0x56: {  	_ =	shalt  }
0x57: {  	_ =	shalt  }
0x58: {  	_ =	shalt  }
0x59: {  	_ =	shalt  }
0x5a: {  	_ =	shalt  }
0x5b: {  	_ =	shalt  }
0x5c: {  	_ =	shalt  }
0x5d: {  	_ =	shalt  }
0x5e: {  	_ =	shalt  }
0x5f: {  	_ =	shalt  }
0x60: {  	_ =	shalt  }
0x61: {  	_ =	shalt  }
0x62: {  	_ =	shalt  }
0x63: {  	_ =	shalt  }
0x64: {  	_ =	shalt  }
0x65: {  	_ =	shalt  }
0x66: {  	_ =	shalt  }
0x67: {  	_ =	shalt  }
0x68: {  	_ =	shalt  }
0x69: {  	_ =	shalt  }
0x6a: {  	_ =	shalt  }
0x6b: {  	_ =	shalt  }
0x6c: {  	_ =	shalt  }
0x6d: {  	_ =	shalt  }
0x6e: {  	_ =	shalt  }
0x6f: {  	_ =	shalt  }
0x70: {  	_ =	shalt  }
0x71: {  	_ =	shalt  }
0x72: {  	_ =	shalt  }
0x73: {  	_ =	shalt  }
0x74: {  	_ =	shalt  }
0x75: {  	_ =	shalt  }
0x76: {  	_ =	shalt  }
0x77: {  	_ =	shalt  }
0x78: {  	_ =	shalt  }
0x79: {  	_ =	shalt  }
0x7a: {  	_ =	shalt  }
0x7b: {  	_ =	shalt  }
0x7c: {  	_ =	shalt  }
0x7d: {  	_ =	shalt  }
0x7e: {  	_ =	shalt  }
0x7f: {  	_ =	shalt  }
0x80: {  	_ =	shalt  }
0x81: {  	_ =	shalt  }
0x82: {  	_ =	shalt  }
0x83: {  	_ =	shalt  }
0x84: {  	_ =	shalt  }
0x85: {  	_ =	shalt  }
0x86: {  	_ =	shalt  }
0x87: {  	_ =	shalt  }
.Lfunc_end0:
.L_simem_size_0:
called_computation.2_lowered:
.L_overlay_start_0:
0x88: {  	s2 =	sld [smem:$0x3FD9]  }
0x89: {  	s3 =	sld [smem:$0x3FFE];
	_ =	sdelay $0x1  }
0x8a: {  	s1 =	srdreg.scid  }
0x8b: {  	s0 =	sand.u32 $0x1, s1  }
0x8c: {  	s17 =	sshll.u32 s0, $0xA;
	s2 =	sadd.s32 s3, s2  }
0x8d: {  	s2 =	sadd.s32 s2, s17  }
0x8e: {  	[smem:$0x3FC2] =	sst s2  }
0x8f: {  	_ = 	snop  }
0x90: {  	s2 =	sld [smem:$0x3FD0];
	(tm) =	ssettm $0x1  }
0x91: {  	s18 =	sld [smem:$0x3FFB];
	_ =	sdelay $0x3  }
0x92: {  	_ =	strace s18  }
0x93: {  	s3 =	sld [smem:$0x3FFC];
	_ =	sdelay $0x3  }
0x94: {  	_ =	strace s3  }
0x95: {  	s3 =	sld [smem:$0x3FFD];
	_ =	sdelay $0x3  }
0x96: {  	_ =	strace s3  }
0x97: {  	_ =	strace $0x8FFFFFFF  }
0x98: {  	s19 =	sld [smem:$0x3FDB];
	_ =	sdelay $0x1  }
0x99: {  	s4 =	simm.s32 $_scs_section_size  }
0x9a: {  	s5 =	simm.s32 $_size__tile_overlayer_lowered;
	s6 =	simm.s32 $_tile_overlayer_lowered  }
0x9b: {  	s22 =	simm.s32 $0x1BFF;
	s21 =	sshll.u32 s6, $0x1;
	s3 =	sadd.s32 s4, s19  }
0x9c: {  	s7 =	simm.s32 $0x0;
	s20 =	sshll.u32 s5, $0x1;
	s5 =	sadd.s32 s21, s3  }
0x9d: {  	[timem:s7], [sflag:s22] =	dma.local [hbm:s5], s20  }
0x9e: {  	_ =	swait.ge [sflag:s22], s20  }
0x9f: {  	s4 =	ssub.s32 $0x0, s20;
	[sflag:s22] =	ssyncset.done $0x0  }
0xa0: {  	[sflag:s22] =	ssyncadd.s32 s4;
	_ =	sdelay $0x1  }
0xa1: {  	s23 =	simm.s32 $0x1B8B  }
0xa2: {  	_ =	swait.ge [sflag:s23], $0x1  }
0xa3: {  	[sflag:s23] =	ssyncset.done $0x0  }
0xa4: {  	s25 =	simm.s32 $0x1B8E;
	s24 =	sld [smem:$0x3FFE];
	[sflag:s23] =	ssyncadd.s32 $0xFFFFFFFF  }
0xa5: {  	s26 =	simm.s32 $execute0_lowered;
	[smem:$0x3FD2] =	sst s25  }
0xa6: {  	s5 =	sshll.u32 s26, $0x1;
	_ =	strace $0x8000004C;
	[dreg:$0x1] =	wrdreg $0xFFFFFFFF  }
0xa7: {  	s28 =	simm.s32 $_size_execute0_lowered;
	s3 =	sadd.s32 s3, s5;
	[dreg:$0x0] =	wrdreg $0x0  }
0xa8: {  	s5 =	sshll.u32 s28, $0x1;
	[dreg:$0x2] =	wrdreg s3  }
0xa9: {  	[dreg:$0x3] =	wrdreg s5  }
0xaa: {  	[dreg:$0x4] =	wrdreg $0xC0  }
0xab: {  	_ =	task [dreg:s7], $0x5FFFF  }
0xac: {  	[dreg:$0x1] =	wrdreg $0xFFFFFFFF  }
0xad: {  	[dreg:$0x0] =	wrdreg $0x60  }
0xae: {  	[dreg:$0x2] =	wrdreg s24  }
0xaf: {  	[dreg:$0x3] =	wrdreg s2  }
0xb0: {  	[dreg:$0x4] =	wrdreg $0x82000  }
0xb1: {  	[dreg:$0x5] =	wrdreg $0x9  }
0xb2: {  	_ =	task.clear_ibuf [dreg:s7], $0x6FFFF;
	_ =	strace $0x9000004C  }
0xb3: {  	s29 =	simm.s32 $0x9;
	_ =	strace $0x8000004E  }
0xb4: {  	_ =	swait.ge [sflag:s29], $0x1  }
0xb5: {  	[sflag:s29] =	ssyncadd.s32 $0xFFFFFFFF  }
0xb6: {  	_ =	strace $0x9000004E  }
0xb7: {  	_ =	sfence  }
0xb8: {  	s30 =	sld [smem:$0x0];
	_ =	sdelay $0x2  }
0xb9: {  	s31 =	sshll.u32 s1, $0xD;
	s1 =	sshrl.u32 s1, $0x2  }
0xba: {  	s3 =	sand.u32 $0x4000, s31;
	s1 =	sadd.s32 s1, s30  }
0xbb: {  	s0 =	sor.u32 s3, s0;
	s1 =	sshll.u32 s1, $0x11  }
0xbc: {  	s0 =	sor.u32 s1, s0  }
0xbd: {  	s0 =	sadd.s32 $0x8F2B, s0  }
0xbe: {  	[sflag:s0] =	ssyncadd.remote.s32 $0x1  }
0xbf: {  	_ =	sfence.sel $0xFFFF  }
0xc0: {  	[dreg:$0x0] =	wrdreg $0xFFFFFFFF;
	(pc) =	sbr.abs _section_cstart, $3  }
0xc1: {  	[dreg:$0x1] =	wrdreg $0xFFFFFFFF  }
0xc2: {  	_ =	task.clear_ibuf [dreg:s7], $0x2FFFF;
	_ =	strace $0x9FFFFFFF  }
0xc3: {  	(tm) =	ssettm $0x7FFFFFFF  }
tec
execute0_lowered:
.L_overlay_start_1:
0x0: {  	(tag) =	ssettag $0x1  }
0x1: {  	s0 =	rddreg [dreg:$0x0]  }
0x2: {  	s1 =	rddreg [dreg:$0x1]  }
0x3: {  	s2 =	rddreg [dreg:$0x2];
	s3 =	srdreg.scid;
	s4 =	simm.s32 $0x0  }
0x4: {  	s10 =	stileid.u32;
	s19 =	simm.s32 $0x200;
	s20 =	simm.s32 $0x4  }
0x5: {  	s21 =	simm.s32 $0x100;
	s22 =	simm.s32 $0x80;
	s23 =	simm.s32 $0x180  }
0x6: {  	s28 =	simm.s32 $0x3;
	s29 =	simm.s32 $0x0;
	s8 =	smul.u32 $0x14000, s10  }
0x7: {  	s3 =	sand.u32 $0x1, s3;
	[smem:$0x7FF] =	sst s4;
	s24 =	smul.u32 $0x50000, s10  }
0x8: {  	s5 =	sadd.s32 $0xC200, s0;
	s6 =	sadd.s32 $0x2200, s0;
	s10 =	smul.u32 $0x50, s10  }
0x9: {  	s7 =	smul.u32 $0x140000, s3;
	_ =	strace $0x8000004D;
	s9 =	ssub.s32 $0x2, s3  }
0xa: {  	p0 =	seq.s32 s3, $0x0;
	s11 =	sshrl.u32 s9, $0x1;
	s25 =	sshrl.u32 s24, $0x2  }
0xb: {  	s3 =	sadd.s32 $0x500, s10;
	s24 =	simm.s32 $0x1;
	s7 =	sadd.s32 s8, s7  }
0xc: {  	s16 =	ssub.s32 s9, s11;
	s3 =	smov.u32 @p0 s10;
	s7 =	sshrl.u32 s7, $0x3  }
0xd: {  	s11 =	sshll.u32 s3, $0x4;
	s16 =	smax.u32 s16, $0x1;
	s0 =	sadd.s32 s7, s0  }
0xe: {  	s7 =	sadd.s32 s25, s2;
	s13 =	sadd.s32 s6, s11;
	s14 =	sadd.s32 s1, s11  }
0xf: {  	s31 =	sadd.s32 $0x4F0, s11;
	s25 =	simm.s32 $0x4200;
	s26 =	sadd.s32 $0x4000, s7  }
0x10: {  	s30 =	sadd.s32 $0x8000, s7;
	s10 =	sadd.s32 $0xC000, s7;
	s12 =	sadd.s32 $0x10000, s7  }
0x11: {  	s15 =	sadd.s32 $0x34200, s0;
	s17 =	sadd.s32 s6, s31;
	[dreg:$0x4] =	wrdreg s26  }
0x12: {  	v0 =	vimm.f32 $0.0e+00;
	s18 =	sadd.s32 s1, s31;
	[dreg:$0x5] =	wrdreg s30;
	s26 =	simm.s32 $0x2  }
.LBB2_1:
0x13: {  	s0 =	sand.u32 $0xFE00, s4  }
0x14: {  	s3 =	sand.u32 $0x70, s4;
	s30 =	sshrl.u32 s0, $0x2  }
0x15: {  	s0 =	simm.s32 $0x40;
	s3 =	sor.u32 s3, s30;
	s30 =	simm.s32 $0x0  }
.LBB2_2:
0x16: {  	p0 =	sne.s32 s0, $0xFFC0  }
0x17: {  	[tilespmem:s3+$0x200] =	vst v0;
	s30 =	sadd.s32 $0x10, s30;
	s3 =	smov.u32 s0;
	s0 =	sadd.s32 $0x40, s0  }
.Ltmp0:
0x18: {  	(pc) =	sbr.rel @p0 .LBB2_2-.Ltmp0, $4  }
0x19: {  	_ = 	snop  }
0x1a: {  	s3 =	sand.u32 $0xFE00, s3  }
0x1b: {  	s31 =	sand.u32 $0x70, s30;
	s3 =	sshrl.u32 s3, $0x2  }
0x1c: {  	s3 =	sor.u32 s31, s3  }
0x1d: {  	[tilespmem:s3+$0x200] =	vst v0  }
0x1e: {  	[spmem:s7] =	stream.linear.scatter [tilespmem:s19], [sflag:$0x4], $0x4000, $0x38;
	[tilespmem:$0x1C200] =	vst v63  }
0x1f: {  	_ =	swait.ge [sflag:s20], $0x4000  }
0x20: {  	[sflag:s20] =	ssyncset.done $0x0  }
0x21: {  	s0 =	rddreg [dreg:$0x4];
	[sflag:s20] =	ssyncadd.s32 $0xFFFFC000  }
0x22: {  	[spmem:s0] =	stream.linear.scatter [tilespmem:s19], [sflag:$0x4], $0x4000, $0x38;
	[tilespmem:$0x1C200] =	vst v63  }
0x23: {  	_ =	swait.ge [sflag:s20], $0x4000  }
0x24: {  	[sflag:s20] =	ssyncset.done $0x0  }
0x25: {  	s3 =	rddreg [dreg:$0x5];
	[sflag:s20] =	ssyncadd.s32 $0xFFFFC000  }
0x26: {  	[spmem:s3] =	stream.linear.scatter [tilespmem:s19], [sflag:$0x4], $0x4000, $0x38;
	[tilespmem:$0x1C200] =	vst v63  }
0x27: {  	_ =	swait.ge [sflag:s20], $0x4000  }
0x28: {  	[sflag:s20] =	ssyncset.done $0x0  }
0x29: {  	[sflag:s20] =	ssyncadd.s32 $0xFFFFC000  }
0x2a: {  	[spmem:s10] =	stream.linear.scatter [tilespmem:s19], [sflag:$0x4], $0x4000, $0x38;
	[tilespmem:$0x1C200] =	vst v63  }
0x2b: {  	_ =	swait.ge [sflag:s20], $0x4000  }
0x2c: {  	[sflag:s20] =	ssyncset.done $0x0  }
0x2d: {  	[sflag:s20] =	ssyncadd.s32 $0xFFFFC000  }
0x2e: {  	[spmem:s12] =	stream.linear.scatter [tilespmem:s19], [sflag:$0x4], $0x4000, $0x38;
	[tilespmem:$0x1C200] =	vst v63  }
0x2f: {  	_ =	swait.ge [sflag:s20], $0x4000  }
0x30: {  	[sflag:s20] =	ssyncset.done $0x0  }
0x31: {  	[sflag:s20] =	ssyncadd.s32 $0xFFFFC000  }
0x32: {  	[bflag:$0x0] =	sbarrier.arrive $0xFFFF  }
0x33: {  	[tilespmem:s4], [sflag:$0x4] =	stream.linear.gather [hbm4b:s13+s4], $0x80, $0x38;
	[tilespmem:$0x1C200] =	vst v63  }
0x34: {  	_ =	swait.ge [sflag:s20], $0x80  }
0x35: {  	s0 =	sadd.s32 $0x20, s11;
	[sflag:s20] =	ssyncset.done $0x0  }
0x36: {  	s30 =	simm.s32 $0x0;
	s8 =	sadd.s32 $0xFFFFFFE0, s0;
	[sflag:s20] =	ssyncadd.s32 $0xFFFFFF80  }
0x37: {  	[tilespmem:s21], [sflag:$0x4] =	stream.linear.gather [hbm4b:s14+s4], $0x80, $0x38;
	[tilespmem:$0x1C200] =	vst v63  }
0x38: {  	s30 =	sand.u32 $0x60, s30;
	s3 =	sand.u32 $0xFFFFF80, s8;
	_ =	swait.ge [sflag:s20], $0x80  }
0x39: {  	s3 =	sor.u32 s3, s30;
	[sflag:s20] =	ssyncset.done $0x0  }
0x3a: {  	s3 =	sor.u32 $0x10, s3;
	[sflag:s20] =	ssyncadd.s32 $0xFFFFFF80  }
0x3b: {  	[tilespmem:s19], [sflag:$0x2] =	stream.indirect.gather [hbm4b:s5+s22], $0x80, s4, s22, $0xb8;
	[tilespmem:$0x1C200] =	vst v63  }
0x3c: {  	s30 =	sadd.s32 s6, s3  }
0x3d: {  	[tilespmem:s22], [sflag:$0x1] =	stream.linear.gather [hbm4b:s30+s4], $0x80, $0x38;
	[tilespmem:$0x1C200] =	vst v63  }
0x3e: {  	s3 =	sadd.s32 s1, s3  }
0x3f: {  	[tilespmem:s23], [sflag:$0x1] =	stream.linear.gather [hbm4b:s3+s4], $0x80, $0x38;
	[tilespmem:$0x1C200] =	vst v63  }
0x40: {  	_ =	swait.ge [sflag:s24], $0x80  }
0x41: {  	[sflag:s24] =	ssyncset.done $0x0  }
0x42: {  	[sflag:s24] =	ssyncadd.s32 $0xFFFFFF80  }
0x43: {  	_ =	swait.ge [sflag:s24], $0x80  }
0x44: {  	[sflag:s24] =	ssyncset.done $0x0  }
0x45: {  	[sflag:s24] =	ssyncadd.s32 $0xFFFFFF80  }
0x46: {  	[tilespmem:s25], [sflag:$0x3] =	stream.indirect.gather [hbm4b:s5+s22], $0x80, s22, s22, $0xb8;
	[tilespmem:$0x1C200] =	vst v63  }
0x47: {  	_ =	swait.ge [sflag:s26], $0x4000  }
0x48: {  	[sflag:s26] =	ssyncset.done $0x0  }
0x49: {  	s9 =	simm.s32 $0x20;
	[sflag:s26] =	ssyncadd.s32 $0xFFFFC000  }
0x4a: {  	[spmem:s2] =	stream.indirect.scatter.add.f32 [tilespmem:s19], [sflag:$0x4], $0x80, s21, s22, $0xb8;
	[tilespmem:$0x1C200] =	vst v63  }
0x4b: {  	s0 =	sand.u32 $0xFFFFF80, s0;
	s3 =	sand.u32 $0x70, s9;
	_ =	swait.ge [sflag:s20], $0x4000  }
0x4c: {  	s0 =	sor.u32 s3, s0;
	[sflag:s20] =	ssyncset.done $0x0  }
0x4d: {  	s3 =	sadd.s32 s6, s0;
	[sflag:s20] =	ssyncadd.s32 $0xFFFFC000  }
0x4e: {  	[tilespmem:s4], [sflag:$0x1] =	stream.linear.gather [hbm4b:s3+s4], $0x80, $0x38;
	[tilespmem:$0x1C200] =	vst v63  }
0x4f: {  	s0 =	sadd.s32 s1, s0  }
0x50: {  	[tilespmem:s21], [sflag:$0x1] =	stream.linear.gather [hbm4b:s0+s4], $0x80, $0x38;
	[tilespmem:$0x1C200] =	vst v63  }
0x51: {  	_ =	swait.ge [sflag:s24], $0x80  }
0x52: {  	[sflag:s24] =	ssyncset.done $0x0  }
0x53: {  	[sflag:s24] =	ssyncadd.s32 $0xFFFFFF80  }
0x54: {  	_ =	swait.ge [sflag:s24], $0x80  }
0x55: {  	s8 =	sadd.s32 $0x40, s11;
	[sflag:s24] =	ssyncset.done $0x0  }
0x56: {  	s30 =	simm.s32 $0x20;
	s9 =	sadd.s32 $0xFFFFFFE0, s8;
	[sflag:s24] =	ssyncadd.s32 $0xFFFFFF80  }
0x57: {  	[tilespmem:s19], [sflag:$0x2] =	stream.indirect.gather [hbm4b:s5+s22], $0x80, s4, s22, $0xb8;
	[tilespmem:$0x1C200] =	vst v63  }
0x58: {  	s31 =	sand.u32 $0x60, s30;
	s3 =	sand.u32 $0xFFFFF80, s9;
	_ =	swait.ge [sflag:s28], $0x4000  }
0x59: {  	s30 =	simm.s32 $0x40;
	s3 =	sor.u32 s3, s31;
	[sflag:s28] =	ssyncset.done $0x0  }
0x5a: {  	s31 =	simm.s32 $0x60;
	s0 =	sand.u32 $0xFFFFF80, s8;
	[sflag:s28] =	ssyncadd.s32 $0xFFFFC000  }
.LBB2_4:
0x5b: {  	p0 =	sne.s32 s31, $0x4E0  }
0x5c: {  	s3 =	sor.u32 $0x10, s3;
	s8 =	smov.u32 s31;
	s31 =	sadd.s32 $0x20, s31  }
0x5d: {  	[spmem:s2] =	stream.indirect.scatter.add.f32 [tilespmem:s25], [sflag:$0x4], $0x80, s23, s22, $0xb8;
	[tilespmem:$0x1C200] =	vst v63  }
0x5e: {  	_ =	swait.ge [sflag:s20], $0x4000  }
0x5f: {  	[sflag:s20] =	ssyncset.done $0x0  }
0x60: {  	s9 =	sadd.s32 s6, s3;
	[sflag:s20] =	ssyncadd.s32 $0xFFFFC000  }
0x61: {  	[tilespmem:s22], [sflag:$0x1] =	stream.linear.gather [hbm4b:s9+s4], $0x80, $0x38;
	[tilespmem:$0x1C200] =	vst v63  }
0x62: {  	s3 =	sadd.s32 s1, s3  }
0x63: {  	[tilespmem:s23], [sflag:$0x1] =	stream.linear.gather [hbm4b:s3+s4], $0x80, $0x38;
	[tilespmem:$0x1C200] =	vst v63  }
0x64: {  	_ =	swait.ge [sflag:s24], $0x80  }
0x65: {  	[sflag:s24] =	ssyncset.done $0x0  }
0x66: {  	[sflag:s24] =	ssyncadd.s32 $0xFFFFFF80  }
0x67: {  	_ =	swait.ge [sflag:s24], $0x80  }
0x68: {  	[sflag:s24] =	ssyncset.done $0x0  }
0x69: {  	[sflag:s24] =	ssyncadd.s32 $0xFFFFFF80  }
0x6a: {  	[tilespmem:s25], [sflag:$0x3] =	stream.indirect.gather [hbm4b:s5+s22], $0x80, s22, s22, $0xb8;
	[tilespmem:$0x1C200] =	vst v63  }
0x6b: {  	_ =	swait.ge [sflag:s26], $0x4000  }
0x6c: {  	[sflag:s26] =	ssyncset.done $0x0  }
0x6d: {  	[sflag:s26] =	ssyncadd.s32 $0xFFFFC000  }
0x6e: {  	[spmem:s2] =	stream.indirect.scatter.add.f32 [tilespmem:s19], [sflag:$0x4], $0x80, s21, s22, $0xb8;
	[tilespmem:$0x1C200] =	vst v63  }
0x6f: {  	s3 =	sand.u32 $0x70, s30;
	s30 =	smov.u32 s8;
	_ =	swait.ge [sflag:s20], $0x4000  }
0x70: {  	s0 =	sor.u32 s3, s0;
	[sflag:s20] =	ssyncset.done $0x0  }
0x71: {  	s3 =	sadd.s32 s6, s0;
	[sflag:s20] =	ssyncadd.s32 $0xFFFFC000  }
0x72: {  	[tilespmem:s4], [sflag:$0x1] =	stream.linear.gather [hbm4b:s3+s4], $0x80, $0x38;
	[tilespmem:$0x1C200] =	vst v63  }
0x73: {  	s0 =	sadd.s32 s1, s0  }
0x74: {  	[tilespmem:s21], [sflag:$0x1] =	stream.linear.gather [hbm4b:s0+s4], $0x80, $0x38;
	[tilespmem:$0x1C200] =	vst v63  }
0x75: {  	_ =	swait.ge [sflag:s24], $0x80  }
0x76: {  	[sflag:s24] =	ssyncset.done $0x0  }
0x77: {  	[sflag:s24] =	ssyncadd.s32 $0xFFFFFF80  }
0x78: {  	_ =	swait.ge [sflag:s24], $0x80  }
0x79: {  	[sflag:s24] =	ssyncset.done $0x0  }
.Ltmp1:
0x7a: {  	s0 =	sadd.s32 s30, s11;
	[sflag:s24] =	ssyncadd.s32 $0xFFFFFF80;
	(pc) =	sbr.rel @p0 .LBB2_4-.Ltmp1, $4  }
0x7b: {  	[tilespmem:s19], [sflag:$0x2] =	stream.indirect.gather [hbm4b:s5+s22], $0x80, s4, s22, $0xb8;
	[tilespmem:$0x1C200] =	vst v63  }
0x7c: {  	s8 =	sadd.s32 $0xFFFFFFE0, s30;
	s3 =	sadd.s32 $0xFFFFFFE0, s0;
	_ =	swait.ge [sflag:s28], $0x4000  }
0x7d: {  	s8 =	sand.u32 $0x60, s8;
	s3 =	sand.u32 $0xFFFFF80, s3;
	[sflag:s28] =	ssyncset.done $0x0  }
0x7e: {  	s0 =	sand.u32 $0xFFFFF80, s0;
	s3 =	sor.u32 s3, s8;
	[sflag:s28] =	ssyncadd.s32 $0xFFFFC000  }
0x7f: {  	[spmem:s2] =	stream.indirect.scatter.add.f32 [tilespmem:s25], [sflag:$0x4], $0x80, s23, s22, $0xb8;
	[tilespmem:$0x1C200] =	vst v63  }
0x80: {  	_ =	swait.ge [sflag:s20], $0x4000  }
0x81: {  	s3 =	sor.u32 $0x10, s3;
	[sflag:s20] =	ssyncset.done $0x0  }
0x82: {  	s8 =	sadd.s32 s6, s3;
	[sflag:s20] =	ssyncadd.s32 $0xFFFFC000  }
0x83: {  	[tilespmem:s22], [sflag:$0x1] =	stream.linear.gather [hbm4b:s8+s4], $0x80, $0x38;
	[tilespmem:$0x1C200] =	vst v63  }
0x84: {  	s3 =	sadd.s32 s1, s3  }
0x85: {  	[tilespmem:s23], [sflag:$0x1] =	stream.linear.gather [hbm4b:s3+s4], $0x80, $0x38;
	[tilespmem:$0x1C200] =	vst v63  }
0x86: {  	_ =	swait.ge [sflag:s24], $0x80  }
0x87: {  	[sflag:s24] =	ssyncset.done $0x0  }
0x88: {  	[sflag:s24] =	ssyncadd.s32 $0xFFFFFF80  }
0x89: {  	_ =	swait.ge [sflag:s24], $0x80  }
0x8a: {  	[sflag:s24] =	ssyncset.done $0x0  }
0x8b: {  	[sflag:s24] =	ssyncadd.s32 $0xFFFFFF80  }
0x8c: {  	[tilespmem:s25], [sflag:$0x3] =	stream.indirect.gather [hbm4b:s5+s22], $0x80, s22, s22, $0xb8;
	[tilespmem:$0x1C200] =	vst v63  }
0x8d: {  	_ =	swait.ge [sflag:s26], $0x4000  }
0x8e: {  	[sflag:s26] =	ssyncset.done $0x0  }
0x8f: {  	[sflag:s26] =	ssyncadd.s32 $0xFFFFC000  }
0x90: {  	[spmem:s2] =	stream.indirect.scatter.add.f32 [tilespmem:s19], [sflag:$0x4], $0x80, s21, s22, $0xb8;
	[tilespmem:$0x1C200] =	vst v63  }
0x91: {  	s9 =	sand.u32 $0x70, s30;
	_ =	swait.ge [sflag:s20], $0x4000  }
0x92: {  	s0 =	sor.u32 s9, s0;
	[sflag:s20] =	ssyncset.done $0x0  }
0x93: {  	s3 =	sadd.s32 s6, s0;
	[sflag:s20] =	ssyncadd.s32 $0xFFFFC000  }
0x94: {  	[tilespmem:s4], [sflag:$0x1] =	stream.linear.gather [hbm4b:s3+s4], $0x80, $0x38;
	[tilespmem:$0x1C200] =	vst v63  }
0x95: {  	s0 =	sadd.s32 s1, s0  }
0x96: {  	[tilespmem:s21], [sflag:$0x1] =	stream.linear.gather [hbm4b:s0+s4], $0x80, $0x38;
	[tilespmem:$0x1C200] =	vst v63  }
0x97: {  	_ =	swait.ge [sflag:s24], $0x80  }
0x98: {  	[sflag:s24] =	ssyncset.done $0x0  }
0x99: {  	[sflag:s24] =	ssyncadd.s32 $0xFFFFFF80  }
0x9a: {  	_ =	swait.ge [sflag:s24], $0x80  }
0x9b: {  	[sflag:s24] =	ssyncset.done $0x0  }
0x9c: {  	[sflag:s24] =	ssyncadd.s32 $0xFFFFFF80  }
0x9d: {  	[tilespmem:s19], [sflag:$0x2] =	stream.indirect.gather [hbm4b:s5+s22], $0x80, s4, s22, $0xb8;
	[tilespmem:$0x1C200] =	vst v63  }
0x9e: {  	_ =	swait.ge [sflag:s28], $0x4000  }
0x9f: {  	[sflag:s28] =	ssyncset.done $0x0  }
0xa0: {  	[sflag:s28] =	ssyncadd.s32 $0xFFFFC000  }
0xa1: {  	[spmem:s2] =	stream.indirect.scatter.add.f32 [tilespmem:s25], [sflag:$0x4], $0x80, s23, s22, $0xb8;
	[tilespmem:$0x1C200] =	vst v63  }
0xa2: {  	_ =	swait.ge [sflag:s20], $0x4000  }
0xa3: {  	[sflag:s20] =	ssyncset.done $0x0  }
0xa4: {  	[sflag:s20] =	ssyncadd.s32 $0xFFFFC000  }
0xa5: {  	[tilespmem:s22], [sflag:$0x1] =	stream.linear.gather [hbm4b:s17+s4], $0x80, $0x38;
	[tilespmem:$0x1C200] =	vst v63  }
0xa6: {  	_ = 	snop  }
0xa7: {  	[tilespmem:s23], [sflag:$0x1] =	stream.linear.gather [hbm4b:s18+s4], $0x80, $0x38;
	[tilespmem:$0x1C200] =	vst v63  }
0xa8: {  	_ =	swait.ge [sflag:s24], $0x80  }
0xa9: {  	[sflag:s24] =	ssyncset.done $0x0  }
0xaa: {  	[sflag:s24] =	ssyncadd.s32 $0xFFFFFF80  }
0xab: {  	_ =	swait.ge [sflag:s24], $0x80  }
0xac: {  	[sflag:s24] =	ssyncset.done $0x0  }
0xad: {  	[sflag:s24] =	ssyncadd.s32 $0xFFFFFF80  }
0xae: {  	[tilespmem:s25], [sflag:$0x3] =	stream.indirect.gather [hbm4b:s5+s22], $0x80, s22, s22, $0xb8;
	[tilespmem:$0x1C200] =	vst v63  }
0xaf: {  	_ =	swait.ge [sflag:s26], $0x4000  }
0xb0: {  	[sflag:s26] =	ssyncset.done $0x0  }
0xb1: {  	[sflag:s26] =	ssyncadd.s32 $0xFFFFC000  }
0xb2: {  	[spmem:s2] =	stream.indirect.scatter.add.f32 [tilespmem:s19], [sflag:$0x4], $0x80, s21, s22, $0xb8;
	[tilespmem:$0x1C200] =	vst v63  }
0xb3: {  	_ =	swait.ge [sflag:s20], $0x4000  }
0xb4: {  	[sflag:s20] =	ssyncset.done $0x0  }
0xb5: {  	[sflag:s20] =	ssyncadd.s32 $0xFFFFC000  }
0xb6: {  	[tilespmem:s4], [sflag:$0x1] =	stream.linear.gather [hbm4b:s17+s4], $0x80, $0x38;
	[tilespmem:$0x1C200] =	vst v63  }
0xb7: {  	_ = 	snop  }
0xb8: {  	[tilespmem:s21], [sflag:$0x1] =	stream.linear.gather [hbm4b:s18+s4], $0x80, $0x38;
	[tilespmem:$0x1C200] =	vst v63  }
0xb9: {  	_ =	swait.ge [sflag:s24], $0x80  }
0xba: {  	[sflag:s24] =	ssyncset.done $0x0  }
0xbb: {  	[sflag:s24] =	ssyncadd.s32 $0xFFFFFF80  }
0xbc: {  	_ =	swait.ge [sflag:s24], $0x80  }
0xbd: {  	[sflag:s24] =	ssyncset.done $0x0  }
0xbe: {  	[sflag:s24] =	ssyncadd.s32 $0xFFFFFF80  }
0xbf: {  	[tilespmem:s19], [sflag:$0x2] =	stream.indirect.gather [hbm4b:s5+s22], $0x80, s4, s22, $0xb8;
	[tilespmem:$0x1C200] =	vst v63  }
0xc0: {  	_ =	swait.ge [sflag:s28], $0x4000  }
0xc1: {  	[sflag:s28] =	ssyncset.done $0x0  }
0xc2: {  	[sflag:s28] =	ssyncadd.s32 $0xFFFFC000  }
0xc3: {  	[spmem:s2] =	stream.indirect.scatter.add.f32 [tilespmem:s25], [sflag:$0x4], $0x80, s23, s22, $0xb8;
	[tilespmem:$0x1C200] =	vst v63  }
0xc4: {  	_ =	swait.ge [sflag:s20], $0x4000  }
0xc5: {  	[sflag:s20] =	ssyncset.done $0x0  }
0xc6: {  	[sflag:s20] =	ssyncadd.s32 $0xFFFFC000  }
0xc7: {  	s30 =	stileid.u32;
	_ =	swait.ge [sflag:s26], $0x4000  }
0xc8: {  	s31 =	sshrl.u32 s7, $0x3;
	s29 =	sadd.s32 $0x1, s29;
	[sflag:s26] =	ssyncset.done $0x0  }
0xc9: {  	p0 =	sne.s32 s29, s16;
	s0 =	sshll.u32 s30, $0x6;
	[sflag:s26] =	ssyncadd.s32 $0xFFFFC000  }
.Ltmp2:
0xca: {  	s0 =	sor.u32 $0x1C04, s0;
	[bflag:$0x0] =	sbarrier.arrive $0xFFFF;
	(pc) =	sbr.rel @p0 .LBB2_1-.Ltmp2, $4  }
0xcb: {  	[hbm:s15], [sflag:s0] =	dma.local [spmem:s31], $0x2800  }
0xcc: {  	_ =	swait.ge [sflag:s20], $0x2800  }
0xcd: {  	[sflag:s20] =	ssyncset.done $0x0  }
0xce: {  	[sflag:s20] =	ssyncadd.s32 $0xFFFFD800  }
0xcf: {  	_ =	sfence.sel $0x180000  }
0xd0: {  	[bflag:$0x0] =	sbarrier.arrive $0xFFFF  }
0xd1: {  	_ =	strace $0x9000004D  }
0xd2: {  	s0 =	stileid.u32;
	[bflag:$0x2] =	sbarrier.arrive $0xFFFF  }
0xd3: {  	p0 =	sne.s32 s0, $0x0;
	s0 =	rddreg [dreg:$0x3]  }
0xd4: {  	s0 =	sadd.s32 @!p0 $0x100000, s0  }
0xd5: {  	[sflag:s0] =	ssyncadd.tile.s32 @!p0 $0x1;
	_ =	shalt  }
.Lfunc_end2:
_tile_overlayer_lowered:
.L_overlay_start_2:
0xd6: {  	(tag) =	ssettag $0x2  }
0xd7: {  	s0 =	rddreg [dreg:$0x0];
	s2 =	stileid.u32  }
0xd8: {  	s1 =	rddreg [dreg:$0x1];
	p0 =	sne.s32 s2, $0x0  }
0xd9: {  	s3 =	rddreg [dreg:$0x2];
	[bflag:$0x3] =	sbarrier.arrive $0xFFFF;
	s2 =	simm.s32 @!p0 $0x1C04  }
0xda: {  	[timem:s3], [sflag:s2] =	dma.local @!p0 [hbm:s0], s1  }
0xdb: {  	s0 =	simm.s32 @!p0 $0x4  }
0xdc: {  	_ =	swait.ge @!p0 [sflag:s0], s1  }
0xdd: {  	s1 =	ssub.s32 @!p0 $0x0, s1;
	[sflag:s0] =	ssyncset.done @!p0 $0x0  }
0xde: {  	[sflag:s0] =	ssyncadd.s32 @!p0 s1  }
0xdf: {  	[bflag:$0x3] =	sbarrier.arrive $0xFFFF  }
0xe0: {  	_ =	shalt  }

// kernel: kernel.8.cloned.1.call-start
scs
__scs_entry_jumppad:
0x0: {  	(pc) =	sbr.rel $0x88, $3  }
0x1: {  	(tag) =	ssettag $0x0;
	lr =	simm.s32 $0x1  }
0x2: {  	[smem:$0x3F9B] =	sst lr;
	_ =	strace $0xD0000000  }
0x3: {  	_ = 	snop  }
0x4: {  	_ = 	snop  }
0x5: {  	_ = 	snop  }
0x6: {  	_ = 	snop  }
0x7: {  	_ = 	snop  }
__scs_overlays_trampoline_lowered:
0x8: {  	[smem:$0x3FAA] =	sst s0  }
0x9: {  	[smem:$0x3FAB] =	sst s1  }
0xa: {  	[smem:$0x3FAC] =	sst s2  }
0xb: {  	[smem:$0x3FAD] =	sst s3  }
0xc: {  	[smem:$0x3FAE] =	sst s4  }
0xd: {  	[smem:$0x3FAF] =	sst s5  }
0xe: {  	[smem:$0x3FB0] =	sst s6  }
0xf: {  	[smem:$0x3FB1] =	sst s7  }
0x10: {  	[smem:$0x3FB2] =	sst s8  }
0x11: {  	[smem:$0x3FB3] =	sst s9;
	s0 =	simm.s32 @!p0 $0x0  }
0x12: {  	s1 =	sld [smem:$0x3F99];
	s0 =	simm.s32 @p0 $0x1  }
0x13: {  	[smem:$0x3FB4] =	sst s0;
	s0 =	simm.s32 @!p1 $0x0  }
0x14: {  	s2 =	sld [smem:$0x3F98];
	s0 =	simm.s32 @p1 $0x1  }
0x15: {  	[smem:$0x3FB5] =	sst s0;
	s0 =	simm.s32 @!p2 $0x0  }
0x16: {  	s3 =	sld [smem:$0x3FDB];
	s0 =	simm.s32 @p2 $0x1  }
0x17: {  	s4 =	simm.s32 $0x1BF5;
	[smem:$0x3FB7] =	sst s0  }
0x18: {  	s0 =	sld [smem:$0x3F9A];
	_ =	swait.ge [sflag:s4], $0x0  }
0x19: {  	s7 =	sld [smem:$0x3F9B]  }
0x1a: {  	s8 =	sadd.s32 $0xFFFFE003, lr  }
0x1b: {  	s9 =	sadd.s32 $0xFFFFFEF7, lr;
	s5 =	simm.s32 $0xFFFFFFFF;
	p2 =	slt.u32 s8, $0xFFFFF086  }
0x1c: {  	p1 =	slt.u32 s9, $0xF7A;
	s5 =	simm.s32 @!p2 $0x0  }
0x1d: {  	s5 =	simm.s32 @p1 $0x1;
	p0 =	seq.s32 s7, s2  }
0x1e: {  	s7 =	smul.u32 @!p0 $0xF7A, s2;
	p2 =	seq.s32 @!p0 s5, $0x0  }
0x1f: {  	s9 =	smul.u32 $0xF7A, s1;
	s8 =	simm.s32 @!p0 $0x1BF5;
	p2 =	por !p2, p0  }
0x20: {  	[sflag:s8] =	ssyncset.s32 @!p0 $0xFFFFF086;
	s6 =	sadd.s32 @!p0 s3, s7;
	s7 =	simm.s32 @!p0 $0x108  }
0x21: {  	s3 =	sadd.s32 s3, s9;
	s6 =	sadd.s32 @!p0 $0x88, s6;
	s7 =	simm.s32 @p2 $0x1082  }
0x22: {  	[simem:s7], [sflag:s8] =	dma.local @!p0 [hbm:s6], $0xF7A  }
0x23: {  	s9 =	sor.u32 $0xD0000000, s2;
	s6 =	simm.s32 $0x108;
	_ =	swait.ge @!p0 [sflag:s8], $0x0  }
0x24: {  	s3 =	sadd.s32 $0x88, s3;
	s6 =	simm.s32 @!p1 $0x1082;
	[sflag:s4] =	ssyncset.s32 $0xFFFFF086  }
0x25: {  	[simem:s6], [sflag:s4] =	dma.local [hbm:s3], $0xF7A  }
0x26: {  	[smem:$0x3F9B] =	sst s1;
	(tag) =	ssettag s2;
	_ =	strace s9  }
0x27: {  	s1 =	sld [smem:$0x3FAB]  }
0x28: {  	s2 =	sld [smem:$0x3FAC]  }
0x29: {  	s4 =	sld [smem:$0x3FAE]  }
0x2a: {  	p0 =	seq.s32 s5, $0x0;
	s5 =	sld [smem:$0x3FAF]  }
0x2b: {  	s6 =	sld [smem:$0x3FB0]  }
0x2c: {  	s7 =	sld [smem:$0x3FB1]  }
0x2d: {  	s3 =	simm.s32 $0x108;
	s8 =	sld [smem:$0x3FB2]  }
0x2e: {  	s3 =	simm.s32 @!p0 $0x1082;
	s9 =	sld [smem:$0x3FB3]  }
0x2f: {  	lr =	sadd.s32 s0, s3;
	s0 =	sld [smem:$0x3FAA]  }
0x30: {  	s3 =	sld [smem:$0x3FAD]  }
0x31: {  	[smem:$0x3FB6] =	sst s10  }
0x32: {  	s10 =	sld [smem:$0x3FB4];
	_ =	sdelay $0x3  }
0x33: {  	p0 =	seq.s32 s10, $0x1;
	s10 =	sld [smem:$0x3FB6];
	_ =	sdelay $0x3  }
0x34: {  	[smem:$0x3FB6] =	sst s10  }
0x35: {  	s10 =	sld [smem:$0x3FB5];
	_ =	sdelay $0x3  }
0x36: {  	p1 =	seq.s32 s10, $0x1;
	s10 =	sld [smem:$0x3FB6];
	_ =	sdelay $0x3  }
0x37: {  	[smem:$0x3FB6] =	sst s10  }
0x38: {  	s10 =	sld [smem:$0x3FB7]  }
0x39: {  	_ = 	snop;
	(pc) =	sbr.ind lr, $3  }
0x3a: {  	_ = 	snop  }
0x3b: {  	_ = 	snop  }
0x3c: {  	p2 =	seq.s32 s10, $0x1;
	s10 =	sld [smem:$0x3FB6]  }
0x3d: {  	_ =	shalt  }
0x3e: {  	_ =	shalt  }
0x3f: {  	_ =	shalt  }
0x40: {  	_ =	shalt  }
0x41: {  	_ =	shalt  }
0x42: {  	_ =	shalt  }
0x43: {  	_ =	shalt  }
0x44: {  	_ =	shalt  }
0x45: {  	_ =	shalt  }
0x46: {  	_ =	shalt  }
0x47: {  	_ =	shalt  }
0x48: {  	_ =	shalt  }
0x49: {  	_ =	shalt  }
0x4a: {  	_ =	shalt  }
0x4b: {  	_ =	shalt  }
0x4c: {  	_ =	shalt  }
0x4d: {  	_ =	shalt  }
0x4e: {  	_ =	shalt  }
0x4f: {  	_ =	shalt  }
0x50: {  	_ =	shalt  }
0x51: {  	_ =	shalt  }
0x52: {  	_ =	shalt  }
0x53: {  	_ =	shalt  }
0x54: {  	_ =	shalt  }
0x55: {  	_ =	shalt  }
0x56: {  	_ =	shalt  }
0x57: {  	_ =	shalt  }
0x58: {  	_ =	shalt  }
0x59: {  	_ =	shalt  }
0x5a: {  	_ =	shalt  }
0x5b: {  	_ =	shalt  }
0x5c: {  	_ =	shalt  }
0x5d: {  	_ =	shalt  }
0x5e: {  	_ =	shalt  }
0x5f: {  	_ =	shalt  }
0x60: {  	_ =	shalt  }
0x61: {  	_ =	shalt  }
0x62: {  	_ =	shalt  }
0x63: {  	_ =	shalt  }
0x64: {  	_ =	shalt  }
0x65: {  	_ =	shalt  }
0x66: {  	_ =	shalt  }
0x67: {  	_ =	shalt  }
0x68: {  	_ =	shalt  }
0x69: {  	_ =	shalt  }
0x6a: {  	_ =	shalt  }
0x6b: {  	_ =	shalt  }
0x6c: {  	_ =	shalt  }
0x6d: {  	_ =	shalt  }
0x6e: {  	_ =	shalt  }
0x6f: {  	_ =	shalt  }
0x70: {  	_ =	shalt  }
0x71: {  	_ =	shalt  }
0x72: {  	_ =	shalt  }
0x73: {  	_ =	shalt  }
0x74: {  	_ =	shalt  }
0x75: {  	_ =	shalt  }
0x76: {  	_ =	shalt  }
0x77: {  	_ =	shalt  }
0x78: {  	_ =	shalt  }
0x79: {  	_ =	shalt  }
0x7a: {  	_ =	shalt  }
0x7b: {  	_ =	shalt  }
0x7c: {  	_ =	shalt  }
0x7d: {  	_ =	shalt  }
0x7e: {  	_ =	shalt  }
0x7f: {  	_ =	shalt  }
0x80: {  	_ =	shalt  }
0x81: {  	_ =	shalt  }
0x82: {  	_ =	shalt  }
0x83: {  	_ =	shalt  }
0x84: {  	_ =	shalt  }
0x85: {  	_ =	shalt  }
0x86: {  	_ =	shalt  }
0x87: {  	_ =	shalt  }
.Lfunc_end0:
.L_simem_size_0:
called_computation_lowered:
.L_overlay_start_0:
0x88: {  	s2 =	sld [smem:$0x3FD9]  }
0x89: {  	s3 =	sld [smem:$0x3FFE];
	_ =	sdelay $0x1  }
0x8a: {  	s1 =	srdreg.scid  }
0x8b: {  	s0 =	sand.u32 $0x1, s1  }
0x8c: {  	s17 =	sshll.u32 s0, $0xA;
	s2 =	sadd.s32 s3, s2  }
0x8d: {  	s2 =	sadd.s32 s2, s17  }
0x8e: {  	[smem:$0x3FC2] =	sst s2  }
0x8f: {  	_ = 	snop  }
0x90: {  	s2 =	sld [smem:$0x3FD0];
	(tm) =	ssettm $0x1  }
0x91: {  	s18 =	sld [smem:$0x3FFB];
	_ =	sdelay $0x3  }
0x92: {  	_ =	strace s18  }
0x93: {  	s3 =	sld [smem:$0x3FFC];
	_ =	sdelay $0x3  }
0x94: {  	_ =	strace s3  }
0x95: {  	s3 =	sld [smem:$0x3FFD];
	_ =	sdelay $0x3  }
0x96: {  	_ =	strace s3  }
0x97: {  	_ =	strace $0x8FFFFFFF  }
0x98: {  	s19 =	sld [smem:$0x3FDB];
	_ =	sdelay $0x1  }
0x99: {  	s4 =	simm.s32 $_scs_section_size  }
0x9a: {  	s5 =	simm.s32 $_size__tile_overlayer_lowered;
	s6 =	simm.s32 $_tile_overlayer_lowered  }
0x9b: {  	s22 =	simm.s32 $0x1BFF;
	s21 =	sshll.u32 s6, $0x1;
	s3 =	sadd.s32 s4, s19  }
0x9c: {  	s7 =	simm.s32 $0x0;
	s20 =	sshll.u32 s5, $0x1;
	s5 =	sadd.s32 s21, s3  }
0x9d: {  	[timem:s7], [sflag:s22] =	dma.local [hbm:s5], s20  }
0x9e: {  	_ =	swait.ge [sflag:s22], s20  }
0x9f: {  	s4 =	ssub.s32 $0x0, s20;
	[sflag:s22] =	ssyncset.done $0x0  }
0xa0: {  	[sflag:s22] =	ssyncadd.s32 s4;
	_ =	sdelay $0x1  }
0xa1: {  	s23 =	simm.s32 $0x1B8B  }
0xa2: {  	_ =	swait.ge [sflag:s23], $0x1  }
0xa3: {  	[sflag:s23] =	ssyncset.done $0x0  }
0xa4: {  	s25 =	simm.s32 $0x1B8E;
	s24 =	sld [smem:$0x3FFE];
	[sflag:s23] =	ssyncadd.s32 $0xFFFFFFFF  }
0xa5: {  	s26 =	simm.s32 $execute0_lowered;
	[smem:$0x3FD2] =	sst s25  }
0xa6: {  	s5 =	sshll.u32 s26, $0x1;
	_ =	strace $0x80000046;
	[dreg:$0x1] =	wrdreg $0xFFFFFFFF  }
0xa7: {  	s28 =	simm.s32 $_size_execute0_lowered;
	s3 =	sadd.s32 s3, s5;
	[dreg:$0x0] =	wrdreg $0x0  }
0xa8: {  	s5 =	sshll.u32 s28, $0x1;
	[dreg:$0x2] =	wrdreg s3  }
0xa9: {  	[dreg:$0x3] =	wrdreg s5  }
0xaa: {  	[dreg:$0x4] =	wrdreg $0xC0  }
0xab: {  	_ =	task [dreg:s7], $0x5FFFF  }
0xac: {  	[dreg:$0x1] =	wrdreg $0xFFFFFFFF  }
0xad: {  	[dreg:$0x0] =	wrdreg $0x60  }
0xae: {  	[dreg:$0x2] =	wrdreg s24  }
0xaf: {  	[dreg:$0x3] =	wrdreg s2  }
0xb0: {  	[dreg:$0x4] =	wrdreg $0x9  }
0xb1: {  	_ =	task.clear_ibuf [dreg:s7], $0x5FFFF;
	_ =	strace $0x90000046  }
0xb2: {  	s29 =	simm.s32 $0x9;
	_ =	strace $0x80000048  }
0xb3: {  	_ =	swait.ge [sflag:s29], $0x1  }
0xb4: {  	[sflag:s29] =	ssyncadd.s32 $0xFFFFFFFF  }
0xb5: {  	_ =	strace $0x90000048  }
0xb6: {  	_ =	sfence  }
0xb7: {  	s30 =	sld [smem:$0x0];
	_ =	sdelay $0x2  }
0xb8: {  	s31 =	sshll.u32 s1, $0xD;
	s1 =	sshrl.u32 s1, $0x2  }
0xb9: {  	s3 =	sand.u32 $0x4000, s31;
	s1 =	sadd.s32 s1, s30  }
0xba: {  	s0 =	sor.u32 s3, s0;
	s1 =	sshll.u32 s1, $0x11  }
0xbb: {  	s0 =	sor.u32 s1, s0  }
0xbc: {  	s0 =	sadd.s32 $0x8F2B, s0  }
0xbd: {  	[sflag:s0] =	ssyncadd.remote.s32 $0x1  }
0xbe: {  	_ =	sfence.sel $0xFFFF  }
0xbf: {  	[dreg:$0x0] =	wrdreg $0xFFFFFFFF;
	(pc) =	sbr.abs _section_cstart, $3  }
0xc0: {  	[dreg:$0x1] =	wrdreg $0xFFFFFFFF  }
0xc1: {  	_ =	task.clear_ibuf [dreg:s7], $0x2FFFF;
	_ =	strace $0x9FFFFFFF  }
0xc2: {  	(tm) =	ssettm $0x7FFFFFFF  }
0xc3: {  	_ =	shalt  }
tec
execute0_lowered:
.L_overlay_start_1:
0x0: {  	(tag) =	ssettag $0x1  }
0x1: {  	s3 =	rddreg [dreg:$0x0]  }
0x2: {  	s1 =	srdreg.scid;
	s0 =	stileid.u32  }
0x3: {  	s4 =	rddreg [dreg:$0x1];
	s10 =	simm.s32 $0x5000;
	s11 =	simm.s32 $0x7800  }
0x4: {  	s12 =	simm.s32 $0x80;
	s13 =	simm.s32 $0x400;
	s14 =	simm.s32 $0x2  }
0x5: {  	s15 =	simm.s32 $0x0;
	s5 =	sand.u32 $0x1, s1;
	s2 =	sshll.u32 s0, $0x1  }
0x6: {  	s1 =	rddreg [dreg:$0x2];
	s7 =	sshrl.u32 s0, $0x2;
	s6 =	sor.u32 s5, s2  }
0x7: {  	s2 =	simm.s32 $0x0;
	s7 =	smul.u32 $0x14000, s7;
	s8 =	sshll.u32 s6, $0x7  }
0x8: {  	s5 =	ssub.s32 $0x2, s5;
	[smem:$0x7FF] =	sst s2;
	s8 =	sand.u32 $0x380, s8  }
0x9: {  	s6 =	smul.u32 $0x500, s6;
	s9 =	sshrl.u32 s5, $0x1;
	s7 =	sor.u32 s7, s8  }
0xa: {  	_ =	strace $0x80000047;
	s9 =	ssub.s32 s5, s9;
	s7 =	sshrl.u32 s7, $0x3  }
0xb: {  	s31 =	sadd.s32 s6, s3;
	s4 =	sadd.s32 s4, s6;
	s7 =	sadd.s32 s7, s3  }
0xc: {  	s8 =	simm.s32 $0x2800;
	s3 =	sadd.s32 $0x2200, s31;
	s5 =	sadd.s32 $0xC200, s7  }
0xd: {  	v0 =	vimm.f32 $0.0e+00;
	v1 =	vimm.f32 $1.000000000e+00;
	s6 =	sadd.s32 $0x16200, s7;
	s7 =	smax.u32 s9, $0x1;
	s9 =	simm.s32 $0x1  }
.LBB2_1:
0xe: {  	[tilespmem:s2], [sflag:$0x1] =	stream.linear.gather [hbm4b:s3+s2], $0x2800, $0x38;
	[tilespmem:$0xA000] =	vst v63  }
0xf: {  	s16 =	simm.s32 $0x40;
	s17 =	simm.s32 $0x0  }
0x10: {  	[tilespmem:s8], [sflag:$0x1] =	stream.linear.gather [hbm4b:s4+s2], $0x2800, $0x38;
	[tilespmem:$0xA000] =	vst v63  }
.LBB2_2:
0x11: {  	p0 =	sne.s32 s16, $0x9FC0;
	[tilespmem:s17+$0x5000] =	vst v0;
	s18 =	smov.u32 s16;
	s16 =	sadd.s32 $0x40, s16  }
.Ltmp0:
0x12: {  	[tilespmem:s17+$0x7800] =	vst v0;
	(pc) =	sbr.rel @p0 .LBB2_2-.Ltmp0, $2  }
0x13: {  	_ =	sdelay $0x2  }
0x14: {  	s17 =	sshra.s32 s18, $0x2  }
0x15: {  	[tilespmem:s17+$0x5000] =	vst v0  }
0x16: {  	[tilespmem:s17+$0x7800] =	vst v0  }
0x17: {  	_ =	swait.ge [sflag:s9], $0x2800  }
0x18: {  	[sflag:s9] =	ssyncset.done $0x0  }
0x19: {  	[sflag:s9] =	ssyncadd.s32 $0xFFFFD800  }
0x1a: {  	_ =	swait.ge [sflag:s9], $0x2800  }
0x1b: {  	[sflag:s9] =	ssyncset.done $0x0  }
0x1c: {  	s16 =	simm.s32 $0x0;
	s17 =	simm.s32 $0x0;
	[sflag:s9] =	ssyncadd.s32 $0xFFFFD800  }
.LBB2_4:
0x1d: {  	s18 =	sshra.s32 s17, $0x2  }
0x1e: {  	v2 =	vld [tilespmem:s18+$0x0];
	_ =	sdelay $0x7  }
0x1f: {  	[tilespmem:v2+s10+$0x0] =	vst.idx.add.f32.msk $0xffff, v1  }
0x20: {  	v2 =	vld [tilespmem:s18+$0x10];
	_ =	sdelay $0x7  }
0x21: {  	[tilespmem:v2+s10+$0x0] =	vst.idx.add.f32.msk $0xffff, v1  }
0x22: {  	v2 =	vld [tilespmem:s18+$0x20];
	_ =	sdelay $0x7  }
0x23: {  	[tilespmem:v2+s10+$0x0] =	vst.idx.add.f32.msk $0xffff, v1  }
0x24: {  	v2 =	vld [tilespmem:s18+$0x30];
	_ =	sdelay $0x7  }
0x25: {  	[tilespmem:v2+s10+$0x0] =	vst.idx.add.f32.msk $0xffff, v1  }
0x26: {  	v2 =	vld [tilespmem:s18+$0x40];
	_ =	sdelay $0x7  }
0x27: {  	[tilespmem:v2+s10+$0x0] =	vst.idx.add.f32.msk $0xffff, v1  }
0x28: {  	v2 =	vld [tilespmem:s18+$0x50];
	_ =	sdelay $0x7  }
0x29: {  	[tilespmem:v2+s10+$0x0] =	vst.idx.add.f32.msk $0xffff, v1  }
0x2a: {  	v2 =	vld [tilespmem:s18+$0x60];
	_ =	sdelay $0x7  }
0x2b: {  	[tilespmem:v2+s10+$0x0] =	vst.idx.add.f32.msk $0xffff, v1  }
0x2c: {  	v2 =	vld [tilespmem:s18+$0x70];
	_ =	sdelay $0x2  }
0x2d: {  	p0 =	sne.s32 s17, $0x9E00  }
.Ltmp1:
0x2e: {  	_ = 	snop;
	(pc) =	sbr.rel @p0 .LBB2_4-.Ltmp1, $2  }
0x2f: {  	_ =	sdelay $0x2  }
0x30: {  	s17 =	sadd.s32 $0x200, s17;
	[tilespmem:v2+s10+$0x0] =	vst.idx.add.f32.msk $0xffff, v1  }
.LBB2_5:
0x31: {  	s17 =	sshra.s32 s16, $0x2  }
0x32: {  	v2 =	vld [tilespmem:s17+$0x2800];
	_ =	sdelay $0x7  }
0x33: {  	[tilespmem:v2+s11+$0x0] =	vst.idx.add.f32.msk $0xffff, v1  }
0x34: {  	v2 =	vld [tilespmem:s17+$0x2810];
	_ =	sdelay $0x7  }
0x35: {  	[tilespmem:v2+s11+$0x0] =	vst.idx.add.f32.msk $0xffff, v1  }
0x36: {  	v2 =	vld [tilespmem:s17+$0x2820];
	_ =	sdelay $0x7  }
0x37: {  	[tilespmem:v2+s11+$0x0] =	vst.idx.add.f32.msk $0xffff, v1  }
0x38: {  	v2 =	vld [tilespmem:s17+$0x2830];
	_ =	sdelay $0x7  }
0x39: {  	[tilespmem:v2+s11+$0x0] =	vst.idx.add.f32.msk $0xffff, v1  }
0x3a: {  	v2 =	vld [tilespmem:s17+$0x2840];
	_ =	sdelay $0x7  }
0x3b: {  	[tilespmem:v2+s11+$0x0] =	vst.idx.add.f32.msk $0xffff, v1  }
0x3c: {  	v2 =	vld [tilespmem:s17+$0x2850];
	_ =	sdelay $0x7  }
0x3d: {  	[tilespmem:v2+s11+$0x0] =	vst.idx.add.f32.msk $0xffff, v1  }
0x3e: {  	v2 =	vld [tilespmem:s17+$0x2860];
	_ =	sdelay $0x7  }
0x3f: {  	[tilespmem:v2+s11+$0x0] =	vst.idx.add.f32.msk $0xffff, v1  }
0x40: {  	v2 =	vld [tilespmem:s17+$0x2870];
	_ =	sdelay $0x2  }
0x41: {  	p0 =	sne.s32 s16, $0x9E00  }
.Ltmp2:
0x42: {  	_ = 	snop;
	(pc) =	sbr.rel @p0 .LBB2_5-.Ltmp2, $2  }
0x43: {  	_ =	sdelay $0x2  }
0x44: {  	s16 =	sadd.s32 $0x200, s16;
	[tilespmem:v2+s11+$0x0] =	vst.idx.add.f32.msk $0xffff, v1  }
0x45: {  	[hbm4b:s5+s12] =	stream.strided.scatter [tilespmem:s10], [sflag:$0x2], $0x2800, s13, s12, $0x38;
	[tilespmem:$0xA000] =	vst v63  }
0x46: {  	s15 =	sadd.s32 $0x1, s15;
	_ =	swait.ge [sflag:s14], $0x2800  }
0x47: {  	p0 =	sne.s32 s15, s7;
	[sflag:s14] =	ssyncset.done $0x0  }
.Ltmp3:
0x48: {  	[sflag:s14] =	ssyncadd.s32 $0xFFFFD800;
	(pc) =	sbr.rel @p0 .LBB2_1-.Ltmp3, $4  }
0x49: {  	[hbm4b:s6+s12] =	stream.strided.scatter [tilespmem:s11], [sflag:$0x2], $0x2800, s13, s12, $0x38;
	[tilespmem:$0xA000] =	vst v63  }
0x4a: {  	_ =	swait.ge [sflag:s14], $0x2800  }
0x4b: {  	[sflag:s14] =	ssyncset.done $0x0  }
0x4c: {  	[sflag:s14] =	ssyncadd.s32 $0xFFFFD800  }
0x4d: {  	_ =	sfence.sel $0x180000  }
0x4e: {  	[bflag:$0x0] =	sbarrier.arrive $0xFFFF  }
0x4f: {  	p0 =	sne.s32 s0, $0x0;
	_ =	strace $0x90000047  }
0x50: {  	s0 =	sadd.s32 @!p0 $0x100000, s1;
	[bflag:$0x2] =	sbarrier.arrive $0xFFFF  }
0x51: {  	[sflag:s0] =	ssyncadd.tile.s32 @!p0 $0x1;
	_ =	shalt  }
.Lfunc_end2:
_tile_overlayer_lowered:
.L_overlay_start_2:
0x52: {  	(tag) =	ssettag $0x2  }
0x53: {  	s0 =	rddreg [dreg:$0x0];
	s2 =	stileid.u32  }
0x54: {  	s1 =	rddreg [dreg:$0x1];
	p0 =	sne.s32 s2, $0x0  }
0x55: {  	s3 =	rddreg [dreg:$0x2];
	[bflag:$0x3] =	sbarrier.arrive $0xFFFF;
	s2 =	simm.s32 @!p0 $0x1C02  }
0x56: {  	[timem:s3], [sflag:s2] =	dma.local @!p0 [hbm:s0], s1  }
0x57: {  	s0 =	simm.s32 @!p0 $0x2  }
0x58: {  	_ =	swait.ge @!p0 [sflag:s0], s1  }
0x59: {  	s1 =	ssub.s32 @!p0 $0x0, s1;
	[sflag:s0] =	ssyncset.done @!p0 $0x0  }
0x5a: {  	[sflag:s0] =	ssyncadd.s32 @!p0 s1  }
0x5b: {  	[bflag:$0x3] =	sbarrier.arrive $0xFFFF  }
0x5c: {  	_ =	shalt  }

</sc_bundles>
